<compile_context>
chip_gen: v7x
topology: tpu7x:2x2x1
jax: 0.10.2.dev20260603
libtpu: 0.0.44.dev20260713+nightly
codegen_flags: <defaults>
</compile_context>

<pallas_src>
import functools

import jax
import jax.numpy as jnp
from jax import lax
from jax.experimental import pallas as pl
from jax.experimental.pallas import tpu as pltpu
from jax.experimental.pallas import tpu_sc as plsc

N = 10000
D = 128
C = 40
E = 320000

NP = 10240
CP = 48
CPH = CP // 2
NC = 2
NS = 16
NW = NC * NS
CH = 128
CHUNKS = 80
EP = NW * CHUNKS * CH
TCH = EP // CH
KPT = TCH // NS
RPS = NP // NS
NBUF = 8
LA = 4
GRP = KPT // NBUF

_mesh = plsc.VectorSubcoreMesh(core_axis_name="c", subcore_axis_name="s")



@functools.partial(
    pl.kernel,
    out_type=jax.ShapeDtypeStruct((NW, NP), jnp.float32),
    mesh=_mesh,
    scratch_types=[
        pltpu.VMEM((CHUNKS, CH), jnp.int32),
        pltpu.VMEM((NP,), jnp.float32),
    ],
    compiler_params=pltpu.CompilerParams(needs_layout_passes=False),
)
def _deg(dst_hbm, out_hbm, idx_v, acc_v):
    c = lax.axis_index("c")
    s = lax.axis_index("s")
    wid = s * NC + c

    def zero_body(i, carry):
        acc_v[pl.ds(i * 16, 16)] = jnp.zeros((16,), jnp.float32)
        return carry

    lax.fori_loop(0, NP // 16, zero_body, 0)
    pltpu.sync_copy(dst_hbm.at[pl.ds(wid * CHUNKS, CHUNKS)], idx_v)

    ones = jnp.ones((16,), jnp.float32)

    def chunk_body(j, carry):
        def vec_body(k, inner):
            dvec = idx_v[j, pl.ds(k * 16, 16)]
            plsc.addupdate_scatter(acc_v, [dvec], ones)
            return inner

        lax.fori_loop(0, CH // 16, vec_body, 0)
        return carry

    lax.fori_loop(0, CHUNKS, chunk_body, 0)
    pltpu.sync_copy(acc_v, out_hbm.at[wid])


@functools.partial(
    pl.kernel,
    out_type=jax.ShapeDtypeStruct((NC, NP, CPH), jnp.float32),
    mesh=_mesh,
    scratch_types=[
        pltpu.VMEM((KPT * CH,), jnp.int32),
        pltpu.VMEM((KPT, CH), jnp.int32),
        [pltpu.VMEM((CH, CPH), jnp.float32)] * NBUF,
        pltpu.VMEM((CH, CPH), jnp.float32),
        pltpu.VMEM_SHARED((NP, CPH), jnp.float32),
        pltpu.VMEM_SHARED((NP, CPH), jnp.float32),
        [pltpu.SemaphoreType.DMA] * NBUF,
        [pltpu.SemaphoreType.DMA] * NBUF,
    ],
    compiler_params=pltpu.CompilerParams(use_tc_tiling_on_sc=False),
)
def _hop(src_hbm, dst_hbm, g_hbm, out_hbm, sidx_v, didx_v, rows, zero_v,
         acc_sh, g_sh, sg, ss):
    c = lax.axis_index("c")
    s = lax.axis_index("s")

    pltpu.sync_copy(src_hbm.at[pl.ds(s * (KPT * CH), KPT * CH)], sidx_v)
    pltpu.sync_copy(dst_hbm.at[pl.ds(s * KPT, KPT)], didx_v)
    pltpu.sync_copy(g_hbm.at[c, pl.ds(s * RPS, RPS)],
                    g_sh.at[pl.ds(s * RPS, RPS)])

    def gstart(b, j):
        pltpu.async_copy(g_sh.at[sidx_v.at[pl.ds(j * CH, CH)]], rows[b],
                         sg[b])

    def gwait(b):
        pltpu.make_async_copy(g_sh.at[sidx_v.at[pl.ds(0, CH)]], rows[b],
                              sg[b]).wait()

    def sstart(b, j):
        pltpu.async_copy(rows[b], acc_sh.at[didx_v.at[j]], ss[b], add=True)

    def swait(b):
        pltpu.make_async_copy(rows[b], acc_sh.at[didx_v.at[0]],
                              ss[b]).wait()

    def zrow(i, carry):
        zero_v[i, pl.ds(0, 16)] = jnp.zeros((16,), jnp.float32)
        zero_v[i, pl.ds(CPH - 16, 16)] = jnp.zeros((16,), jnp.float32)
        return carry

    lax.fori_loop(0, CH, zrow, 0)

    def zacc(i, carry):
        pltpu.sync_copy(zero_v, acc_sh.at[pl.ds(s * RPS + i * CH, CH)])
        return carry

    lax.fori_loop(0, RPS // CH, zacc, 0)
    plsc.subcore_barrier()

    for b0 in range(LA):
        gstart(b0, b0)

    def group_body(j4, carry):
        for b in range(NBUF):
            j = j4 * NBUF + b
            gwait(b)
            sstart(b, j)
            b2 = (b + LA) % NBUF
            if b < LA:
                @pl.when(j4 > 0)
                def _():
                    swait(b2)

                gstart(b2, j + LA)
            else:
                swait(b2)

                @pl.when(j4 < GRP - 1)
                def _():
                    gstart(b2, j + LA)
        return carry

    lax.fori_loop(0, GRP, group_body, 0)
    for b0 in range(LA, NBUF):
        swait(b0)
    plsc.subcore_barrier()

    pltpu.sync_copy(acc_sh.at[pl.ds(s * RPS, RPS)],
                    out_hbm.at[c, pl.ds(s * RPS, RPS)])



_BR = 256


def _k1_body(x_ref, wt_ref, dp_ref, g0_ref):
    z = jnp.dot(x_ref[...], wt_ref[...], preferred_element_type=jnp.float32)
    deg = jnp.sum(dp_ref[...], axis=0) + 1.0
    g0 = z * lax.rsqrt(deg)[:, None]
    g0_ref[0] = g0[:, :CPH]
    g0_ref[1] = g0[:, CPH:]


def _k1(xp, wt, dp):
    return pl.pallas_call(
        _k1_body,
        grid=(NP // _BR,),
        in_specs=[
            pl.BlockSpec((_BR, D), lambda i: (i, 0)),
            pl.BlockSpec((D, CP), lambda i: (0, 0)),
            pl.BlockSpec((NW, _BR), lambda i: (0, i)),
        ],
        out_specs=pl.BlockSpec((NC, _BR, CPH), lambda i: (0, i, 0)),
        out_shape=jax.ShapeDtypeStruct((NC, NP, CPH), jnp.float32),
    )(xp, wt, dp)


def _k2_body(sp_ref, g_ref, dp_ref, o_ref):
    deg = jnp.sum(dp_ref[...], axis=0) + 1.0
    minv = (1.0 / deg)[:, None]
    o_ref[0] = (sp_ref[0] + g_ref[0]) * minv
    o_ref[1] = (sp_ref[1] + g_ref[1]) * minv


def _k2(sp, g, dp):
    return pl.pallas_call(
        _k2_body,
        grid=(NP // _BR,),
        in_specs=[
            pl.BlockSpec((NC, _BR, CPH), lambda i: (0, i, 0)),
            pl.BlockSpec((NC, _BR, CPH), lambda i: (0, i, 0)),
            pl.BlockSpec((NW, _BR), lambda i: (0, i)),
        ],
        out_specs=pl.BlockSpec((NC, _BR, CPH), lambda i: (0, i, 0)),
        out_shape=jax.ShapeDtypeStruct((NC, NP, CPH), jnp.float32),
    )(sp, g, dp)


def _k3_body(sp_ref, g_ref, dp_ref, b_ref, o_ref):
    deg = jnp.sum(dp_ref[...], axis=0) + 1.0
    dis = lax.rsqrt(deg)
    t = jnp.concatenate([sp_ref[0] + g_ref[0], sp_ref[1] + g_ref[1]], axis=1)
    v = t * dis[:, None] + b_ref[...]
    col = lax.broadcasted_iota(jnp.int32, v.shape, 1)
    mask = col < C
    vm = jnp.where(mask, v, -jnp.inf)
    m = jnp.max(vm, axis=1, keepdims=True)
    ex = jnp.where(mask, jnp.exp(v - m), 0.0)
    lse = jnp.log(jnp.sum(ex, axis=1, keepdims=True)) + m
    o_ref[...] = v - lse


def _k3(sp, g, dp, b2):
    return pl.pallas_call(
        _k3_body,
        grid=(NP // _BR,),
        in_specs=[
            pl.BlockSpec((NC, _BR, CPH), lambda i: (0, i, 0)),
            pl.BlockSpec((NC, _BR, CPH), lambda i: (0, i, 0)),
            pl.BlockSpec((NW, _BR), lambda i: (0, i)),
            pl.BlockSpec((1, CP), lambda i: (0, 0)),
        ],
        out_specs=pl.BlockSpec((_BR, CP), lambda i: (i, 0)),
        out_shape=jax.ShapeDtypeStruct((NP, CP), jnp.float32),
    )(sp, g, dp, b2)



def kernel(x, edge_index, W, b):
    src = edge_index[0]
    dst = edge_index[1]
    pad = jnp.full((EP - E,), NP - 1, dtype=jnp.int32)
    srcp = jnp.concatenate([src, pad])
    dstp = jnp.concatenate([dst, pad]).reshape(TCH, CH)
    xp = jnp.pad(x, ((0, NP - N), (0, 0)))
    wt = jnp.pad(W.T, ((0, 0), (0, CP - C)))
    b2 = jnp.pad(b, (0, CP - C)).reshape(1, CP)

    dp = _deg(dstp)
    g0 = _k1(xp, wt, dp)
    s1 = _hop(srcp, dstp, g0)
    g1 = _k2(s1, g0, dp)
    s2 = _hop(srcp, dstp, g1)
    out = _k3(s2, g1, dp, b2)
    return out[:N, :C]

# --- scband reference (transcript-rebuilt; emitter-appended) ---
"""Pipeline reference for scband-sgcnet-14920716387138 (READ-ONLY COPY).

The authoritative reference and input builder live on the scoring server;
editing this copy changes nothing except your own understanding.
"""

import jax, jax.numpy as jnp
import numpy as np

N_NODES = 10000
N_EDGES = 320000
D_FEAT = 128
N_CLASSES = 40
K_HOPS = 2


def setup_inputs(seed: int = 0) -> dict:
    key = jax.random.key(seed)
    k1, k2, k3, k4 = jax.random.split(key, 4)
    x = jax.random.normal(k1, (N_NODES, D_FEAT), dtype=jnp.float32)
    edge_index = jax.random.randint(k2, (2, N_EDGES), 0, N_NODES, dtype=jnp.int32)
    # SGConv linear layer: out = x @ W.T + b, W: [num_classes, num_features]
    W = jax.random.normal(k3, (N_CLASSES, D_FEAT), dtype=jnp.float32) * (1.0 / np.sqrt(D_FEAT))
    b = jnp.zeros((N_CLASSES,), dtype=jnp.float32)
    return {"x": x, "edge_index": edge_index, "W": W, "b": b}


def reference(x, edge_index, W, b):
    N = x.shape[0]
    # gcn_norm with self-loops (as in PyG SGConv default, add_self_loops=True)
    loop = jnp.arange(N, dtype=edge_index.dtype)
    src = jnp.concatenate([edge_index[0], loop])
    dst = jnp.concatenate([edge_index[1], loop])
    ones = jnp.ones(src.shape[0], dtype=x.dtype)
    deg = jnp.zeros((N,), dtype=x.dtype).at[dst].add(ones)
    deg_inv_sqrt = jnp.where(deg > 0, 1.0 / jnp.sqrt(deg), 0.0)
    norm = deg_inv_sqrt[src] * deg_inv_sqrt[dst]
    # K-hop symmetric-normalized propagation: x <- A_hat x, repeated K times
    h = x
    for _ in range(K_HOPS):
        msgs = norm[:, None] * h[src]
        h = jnp.zeros_like(h).at[dst].add(msgs)
    # final linear transform, then log_softmax (as in SGCNet.forward)
    logits = h @ W.T + b
    return jax.nn.log_softmax(logits, axis=1)

if __name__ == "__main__":
    import jax
    _d = setup_inputs()
    print(jax.jit(kernel)(*tuple(_d.values())))

</pallas_src>

<mosaic_0001>
#map = affine_map<(d0, d1) -> (0)>
#map1 = affine_map<(d0, d1) -> (0, 0)>
#map2 = affine_map<(d0, d1) -> (0, 0, 0)>
module attributes {stable_mosaic.version = 14 : i64} {
  func.func @_hop(%arg0: i32, %arg1: i32, %arg2: memref<327680xi32, #tpu.memory_space<hbm>>, %arg3: memref<2560x128xi32, #tpu.memory_space<hbm>>, %arg4: memref<2x10240x24xf32, #tpu.memory_space<hbm>>, %arg5: memref<2x10240x24xf32, #tpu.memory_space<hbm>>, %arg6: memref<20480xi32, #tpu.memory_space<vmem>>, %arg7: memref<160x128xi32, #tpu.memory_space<vmem>>, %arg8: memref<128x24xf32, #tpu.memory_space<vmem>>, %arg9: memref<128x24xf32, #tpu.memory_space<vmem>>, %arg10: memref<128x24xf32, #tpu.memory_space<vmem>>, %arg11: memref<128x24xf32, #tpu.memory_space<vmem>>, %arg12: memref<128x24xf32, #tpu.memory_space<vmem>>, %arg13: memref<128x24xf32, #tpu.memory_space<vmem>>, %arg14: memref<128x24xf32, #tpu.memory_space<vmem>>, %arg15: memref<128x24xf32, #tpu.memory_space<vmem>>, %arg16: memref<128x24xf32, #tpu.memory_space<vmem>>, %arg17: memref<10240x24xf32, #tpu.memory_space<vmem_shared>>, %arg18: memref<10240x24xf32, #tpu.memory_space<vmem_shared>>, %arg19: memref<!tpu.dma_semaphore, #tpu.memory_space<semaphore_mem>>, %arg20: memref<!tpu.dma_semaphore, #tpu.memory_space<semaphore_mem>>, %arg21: memref<!tpu.dma_semaphore, #tpu.memory_space<semaphore_mem>>, %arg22: memref<!tpu.dma_semaphore, #tpu.memory_space<semaphore_mem>>, %arg23: memref<!tpu.dma_semaphore, #tpu.memory_space<semaphore_mem>>, %arg24: memref<!tpu.dma_semaphore, #tpu.memory_space<semaphore_mem>>, %arg25: memref<!tpu.dma_semaphore, #tpu.memory_space<semaphore_mem>>, %arg26: memref<!tpu.dma_semaphore, #tpu.memory_space<semaphore_mem>>, %arg27: memref<!tpu.dma_semaphore, #tpu.memory_space<semaphore_mem>>, %arg28: memref<!tpu.dma_semaphore, #tpu.memory_space<semaphore_mem>>, %arg29: memref<!tpu.dma_semaphore, #tpu.memory_space<semaphore_mem>>, %arg30: memref<!tpu.dma_semaphore, #tpu.memory_space<semaphore_mem>>, %arg31: memref<!tpu.dma_semaphore, #tpu.memory_space<semaphore_mem>>, %arg32: memref<!tpu.dma_semaphore, #tpu.memory_space<semaphore_mem>>, %arg33: memref<!tpu.dma_semaphore, #tpu.memory_space<semaphore_mem>>, %arg34: memref<!tpu.dma_semaphore, #tpu.memory_space<semaphore_mem>>) attributes {dimension_semantics = [#tpu.dimension_semantics<core_parallel>, #tpu.dimension_semantics<subcore_parallel>], iteration_bounds = array<i64: 2, 16>, scalar_prefetch = 0 : i64, scratch_operands = 29 : i64, tpu.core_type = #tpu.core_type<sc_vector_subcore>, window_params = [{transform_indices = #map}, {transform_indices = #map1}, {transform_indices = #map2}, {transform_indices = #map2}]} {
    %mul3A = arith.constant 20480 : i32
    %mul3A_0 = arith.muli %arg1, %mul3A : i32
    "tpu.region"() ({
      %run_scoped3A = tpu.sem_alloc : memref<!tpu.dma_semaphore, #tpu.memory_space<semaphore_mem>>
      %dma_start3A_75 = tpu.memref_slice %arg2[%mul3A_0] : memref<327680xi32, #tpu.memory_space<hbm>> -> memref<20480xi32, #tpu.memory_space<hbm>>
      %dma_start3A_76 = tpu.memref_slice %arg2[%mul3A_0] : memref<327680xi32, #tpu.memory_space<hbm>> -> memref<20480xi32, #tpu.memory_space<hbm>>
      tpu.enqueue_dma source(%dma_start3A_76 : memref<20480xi32, #tpu.memory_space<hbm>>) target(%arg6 : memref<20480xi32, #tpu.memory_space<vmem>>) target_semaphore(%run_scoped3A : memref<!tpu.dma_semaphore, #tpu.memory_space<semaphore_mem>>)
      %dma_wait3A_77 = tpu.memref_slice %arg2[%mul3A_0] : memref<327680xi32, #tpu.memory_space<hbm>> -> memref<20480xi32, #tpu.memory_space<hbm>>
      %dma_wait3A_78 = tpu.memref_slice %arg2[%mul3A_0] : memref<327680xi32, #tpu.memory_space<hbm>> -> memref<20480xi32, #tpu.memory_space<hbm>>
      tpu.wait_dma2 semaphore(%run_scoped3A : memref<!tpu.dma_semaphore, #tpu.memory_space<semaphore_mem>>) src(%dma_wait3A_78 : memref<20480xi32, #tpu.memory_space<hbm>>) dst(%arg6 : memref<20480xi32, #tpu.memory_space<vmem>>)
      tpu.yield
    }) : () -> ()
    %mul3A_1 = arith.constant 160 : i32
    %mul3A_2 = arith.muli %arg1, %mul3A_1 : i32
    "tpu.region"() ({
      %run_scoped3A = tpu.sem_alloc : memref<!tpu.dma_semaphore, #tpu.memory_space<semaphore_mem>>
      %dma_start3A_75 = arith.constant 0 : i32
      %dma_start3A_76 = tpu.memref_slice %arg3[%mul3A_2, %dma_start3A_75] : memref<2560x128xi32, #tpu.memory_space<hbm>> -> memref<160x128xi32, #tpu.memory_space<hbm>>
      %dma_start3A_77 = arith.constant 0 : i32
      %dma_start3A_78 = tpu.memref_slice %arg3[%mul3A_2, %dma_start3A_77] : memref<2560x128xi32, #tpu.memory_space<hbm>> -> memref<160x128xi32, #tpu.memory_space<hbm>>
      tpu.enqueue_dma source(%dma_start3A_78 : memref<160x128xi32, #tpu.memory_space<hbm>>) target(%arg7 : memref<160x128xi32, #tpu.memory_space<vmem>>) target_semaphore(%run_scoped3A : memref<!tpu.dma_semaphore, #tpu.memory_space<semaphore_mem>>)
      %dma_wait3A_79 = arith.constant 0 : i32
      %dma_wait3A_80 = tpu.memref_slice %arg3[%mul3A_2, %dma_wait3A_79] : memref<2560x128xi32, #tpu.memory_space<hbm>> -> memref<160x128xi32, #tpu.memory_space<hbm>>
      %dma_wait3A_81 = arith.constant 0 : i32
      %dma_wait3A_82 = tpu.memref_slice %arg3[%mul3A_2, %dma_wait3A_81] : memref<2560x128xi32, #tpu.memory_space<hbm>> -> memref<160x128xi32, #tpu.memory_space<hbm>>
      tpu.wait_dma2 semaphore(%run_scoped3A : memref<!tpu.dma_semaphore, #tpu.memory_space<semaphore_mem>>) src(%dma_wait3A_82 : memref<160x128xi32, #tpu.memory_space<hbm>>) dst(%arg7 : memref<160x128xi32, #tpu.memory_space<vmem>>)
      tpu.yield
    }) : () -> ()
    %mul3A_3 = arith.constant 640 : i32
    %mul3A_4 = arith.muli %arg1, %mul3A_3 : i32
    %mul3A_5 = arith.constant 640 : i32
    %mul3A_6 = arith.muli %arg1, %mul3A_5 : i32
    "tpu.region"() ({
      %run_scoped3A = tpu.sem_alloc : memref<!tpu.dma_semaphore, #tpu.memory_space<semaphore_mem>>
      %dma_start3A_75 = arith.constant 0 : i32
      %dma_start3A_76 = tpu.memref_slice %arg18[%mul3A_6, %dma_start3A_75] : memref<10240x24xf32, #tpu.memory_space<vmem_shared>> -> memref<640x24xf32, #tpu.memory_space<vmem_shared>>
      %dma_start3A_77 = arith.constant 0 : i32
      %dma_start3A_78 = tpu.memref_slice %arg4[%arg0, %mul3A_4, %dma_start3A_77] : memref<2x10240x24xf32, #tpu.memory_space<hbm>> -> memref<1x640x24xf32, #tpu.memory_space<hbm>>
      %dma_start3A_79 = tpu.memref_squeeze %dma_start3A_78 : memref<1x640x24xf32, #tpu.memory_space<hbm>> -> memref<640x24xf32, #tpu.memory_space<hbm>>
      tpu.enqueue_dma source(%dma_start3A_79 : memref<640x24xf32, #tpu.memory_space<hbm>>) target(%dma_start3A_76 : memref<640x24xf32, #tpu.memory_space<vmem_shared>>) target_semaphore(%run_scoped3A : memref<!tpu.dma_semaphore, #tpu.memory_space<semaphore_mem>>)
      %dma_wait3A_80 = arith.constant 0 : i32
      %dma_wait3A_81 = tpu.memref_slice %arg18[%mul3A_6, %dma_wait3A_80] : memref<10240x24xf32, #tpu.memory_space<vmem_shared>> -> memref<640x24xf32, #tpu.memory_space<vmem_shared>>
      %dma_wait3A_82 = arith.constant 0 : i32
      %dma_wait3A_83 = tpu.memref_slice %arg4[%arg0, %mul3A_4, %dma_wait3A_82] : memref<2x10240x24xf32, #tpu.memory_space<hbm>> -> memref<1x640x24xf32, #tpu.memory_space<hbm>>
      %dma_wait3A_84 = tpu.memref_squeeze %dma_wait3A_83 : memref<1x640x24xf32, #tpu.memory_space<hbm>> -> memref<640x24xf32, #tpu.memory_space<hbm>>
      tpu.wait_dma2 semaphore(%run_scoped3A : memref<!tpu.dma_semaphore, #tpu.memory_space<semaphore_mem>>) src(%dma_wait3A_84 : memref<640x24xf32, #tpu.memory_space<hbm>>) dst(%dma_wait3A_81 : memref<640x24xf32, #tpu.memory_space<vmem_shared>>)
      tpu.yield
    }) : () -> ()
    %scan3A = arith.constant 0 : i32
    %scan3A_7 = arith.constant 0 : i32
    %scan3A_8 = arith.constant 128 : i32
    %scan3A_9 = arith.addi %scan3A_7, %scan3A_8 : i32
    %scan3A_10 = arith.constant 1 : i32
    scf.for %scan3A_75 = %scan3A_7 to %scan3A_9 step %scan3A_10  : i32 {
      %broadcast_in_dim3A = arith.constant 0.000000e+00 : f32
      %broadcast_in_dim3A_76 = vector.broadcast %broadcast_in_dim3A : f32 to vector<16xf32>
      %swap3A = arith.index_cast %scan3A_75 : i32 to index
      %swap3A_77 = arith.constant 0 : index
      %swap3A_78 = tpu.vector_load %arg16[%swap3A, %swap3A_77] {strides = array<i32>} : memref<128x24xf32, #tpu.memory_space<vmem>>, vector<1x16xf32>,
      %swap3A_79 = vector.shape_cast %swap3A_78 : vector<1x16xf32> to vector<16xf32>
      %swap3A_80 = vector.shape_cast %broadcast_in_dim3A_76 : vector<16xf32> to vector<1x16xf32>
      tpu.vector_store %arg16[%swap3A, %swap3A_77], %swap3A_80 {strides = array<i32>} : memref<128x24xf32, #tpu.memory_space<vmem>>, vector<1x16xf32>,
      %broadcast_in_dim3A_81 = arith.constant 0.000000e+00 : f32
      %broadcast_in_dim3A_82 = vector.broadcast %broadcast_in_dim3A_81 : f32 to vector<16xf32>
      %swap3A_83 = arith.index_cast %scan3A_75 : i32 to index
      %swap3A_84 = arith.constant 8 : index
      %swap3A_85 = tpu.vector_load %arg16[%swap3A_83, %swap3A_84] {strides = array<i32>} : memref<128x24xf32, #tpu.memory_space<vmem>>, vector<1x16xf32>,
      %swap3A_86 = vector.shape_cast %swap3A_85 : vector<1x16xf32> to vector<16xf32>
      %swap3A_87 = vector.shape_cast %broadcast_in_dim3A_82 : vector<16xf32> to vector<1x16xf32>
      tpu.vector_store %arg16[%swap3A_83, %swap3A_84], %swap3A_87 {strides = array<i32>} : memref<128x24xf32, #tpu.memory_space<vmem>>, vector<1x16xf32>,
    }
    %scan3A_11 = arith.constant 128 : i32
    %scan3A_12 = arith.constant 0 : i32
    %scan3A_13 = arith.constant 0 : i32
    %scan3A_14 = arith.constant 5 : i32
    %scan3A_15 = arith.addi %scan3A_13, %scan3A_14 : i32
    %scan3A_16 = arith.constant 1 : i32
    scf.for %scan3A_75 = %scan3A_13 to %scan3A_15 step %scan3A_16  : i32 {
      %mul3A_76 = arith.constant 640 : i32
      %mul3A_77 = arith.muli %arg1, %mul3A_76 : i32
      %mul3A_78 = arith.constant 128 : i32
      %mul3A_79 = arith.muli %scan3A_75, %mul3A_78 : i32
      %add3A = arith.addi %mul3A_77, %mul3A_79 : i32
      "tpu.region"() ({
        %run_scoped3A = tpu.sem_alloc : memref<!tpu.dma_semaphore, #tpu.memory_space<semaphore_mem>>
        %dma_start3A_80 = arith.constant 0 : i32
        %dma_start3A_81 = tpu.memref_slice %arg17[%add3A, %dma_start3A_80] : memref<10240x24xf32, #tpu.memory_space<vmem_shared>> -> memref<128x24xf32, #tpu.memory_space<vmem_shared>>
        %dma_start3A_82 = arith.constant 0 : i32
        %dma_start3A_83 = tpu.memref_slice %arg17[%add3A, %dma_start3A_82] : memref<10240x24xf32, #tpu.memory_space<vmem_shared>> -> memref<128x24xf32, #tpu.memory_space<vmem_shared>>
        tpu.enqueue_dma source(%arg16 : memref<128x24xf32, #tpu.memory_space<vmem>>) target(%dma_start3A_83 : memref<128x24xf32, #tpu.memory_space<vmem_shared>>) target_semaphore(%run_scoped3A : memref<!tpu.dma_semaphore, #tpu.memory_space<semaphore_mem>>)
        %dma_wait3A_84 = arith.constant 0 : i32
        %dma_wait3A_85 = tpu.memref_slice %arg17[%add3A, %dma_wait3A_84] : memref<10240x24xf32, #tpu.memory_space<vmem_shared>> -> memref<128x24xf32, #tpu.memory_space<vmem_shared>>
        %dma_wait3A_86 = arith.constant 0 : i32
        %dma_wait3A_87 = tpu.memref_slice %arg17[%add3A, %dma_wait3A_86] : memref<10240x24xf32, #tpu.memory_space<vmem_shared>> -> memref<128x24xf32, #tpu.memory_space<vmem_shared>>
        tpu.wait_dma2 semaphore(%run_scoped3A : memref<!tpu.dma_semaphore, #tpu.memory_space<semaphore_mem>>) src(%arg16 : memref<128x24xf32, #tpu.memory_space<vmem>>) dst(%dma_wait3A_87 : memref<128x24xf32, #tpu.memory_space<vmem_shared>>)
        tpu.yield
      }) : () -> ()
    }
    %scan3A_17 = arith.constant 5 : i32
    %barrier3A = arith.constant 0 : index
    tpu.barrier barrier_id(%barrier3A)
    %dma_start3A = arith.constant 0 : i32
    %dma_start3A_18 = tpu.memref_slice %arg6[%dma_start3A] : memref<20480xi32, #tpu.memory_space<vmem>> -> memref<128xi32, #tpu.memory_space<vmem>>
    %dma_start3A_19 = arith.constant 0 : i32
    %dma_start3A_20 = arith.constant 0 : i32
    %dma_start3A_21 = tpu.memref_slice %arg18[%dma_start3A_19, %dma_start3A_20] : memref<10240x24xf32, #tpu.memory_space<vmem_shared>> -> memref<10240x24xf32, #tpu.memory_space<vmem_shared>>
    tpu.enqueue_indirect_dma source(%dma_start3A_21 : memref<10240x24xf32, #tpu.memory_space<vmem_shared>>) target(%arg8 : memref<128x24xf32, #tpu.memory_space<vmem>>) offsets(%dma_start3A_18 : memref<128xi32, #tpu.memory_space<vmem>>) semaphore(%arg19 : memref<!tpu.dma_semaphore, #tpu.memory_space<semaphore_mem>>)
    %dma_start3A_22 = arith.constant 128 : i32
    %dma_start3A_23 = tpu.memref_slice %arg6[%dma_start3A_22] : memref<20480xi32, #tpu.memory_space<vmem>> -> memref<128xi32, #tpu.memory_space<vmem>>
    %dma_start3A_24 = arith.constant 0 : i32
    %dma_start3A_25 = arith.constant 0 : i32
    %dma_start3A_26 = tpu.memref_slice %arg18[%dma_start3A_24, %dma_start3A_25] : memref<10240x24xf32, #tpu.memory_space<vmem_shared>> -> memref<10240x24xf32, #tpu.memory_space<vmem_shared>>
    tpu.enqueue_indirect_dma source(%dma_start3A_26 : memref<10240x24xf32, #tpu.memory_space<vmem_shared>>) target(%arg9 : memref<128x24xf32, #tpu.memory_space<vmem>>) offsets(%dma_start3A_23 : memref<128xi32, #tpu.memory_space<vmem>>) semaphore(%arg20 : memref<!tpu.dma_semaphore, #tpu.memory_space<semaphore_mem>>)
    %dma_start3A_27 = arith.constant 256 : i32
    %dma_start3A_28 = tpu.memref_slice %arg6[%dma_start3A_27] : memref<20480xi32, #tpu.memory_space<vmem>> -> memref<128xi32, #tpu.memory_space<vmem>>
    %dma_start3A_29 = arith.constant 0 : i32
    %dma_start3A_30 = arith.constant 0 : i32
    %dma_start3A_31 = tpu.memref_slice %arg18[%dma_start3A_29, %dma_start3A_30] : memref<10240x24xf32, #tpu.memory_space<vmem_shared>> -> memref<10240x24xf32, #tpu.memory_space<vmem_shared>>
    tpu.enqueue_indirect_dma source(%dma_start3A_31 : memref<10240x24xf32, #tpu.memory_space<vmem_shared>>) target(%arg10 : memref<128x24xf32, #tpu.memory_space<vmem>>) offsets(%dma_start3A_28 : memref<128xi32, #tpu.memory_space<vmem>>) semaphore(%arg21 : memref<!tpu.dma_semaphore, #tpu.memory_space<semaphore_mem>>)
    %dma_start3A_32 = arith.constant 384 : i32
    %dma_start3A_33 = tpu.memref_slice %arg6[%dma_start3A_32] : memref<20480xi32, #tpu.memory_space<vmem>> -> memref<128xi32, #tpu.memory_space<vmem>>
    %dma_start3A_34 = arith.constant 0 : i32
    %dma_start3A_35 = arith.constant 0 : i32
    %dma_start3A_36 = tpu.memref_slice %arg18[%dma_start3A_34, %dma_start3A_35] : memref<10240x24xf32, #tpu.memory_space<vmem_shared>> -> memref<10240x24xf32, #tpu.memory_space<vmem_shared>>
    tpu.enqueue_indirect_dma source(%dma_start3A_36 : memref<10240x24xf32, #tpu.memory_space<vmem_shared>>) target(%arg11 : memref<128x24xf32, #tpu.memory_space<vmem>>) offsets(%dma_start3A_33 : memref<128xi32, #tpu.memory_space<vmem>>) semaphore(%arg22 : memref<!tpu.dma_semaphore, #tpu.memory_space<semaphore_mem>>)
    %scan3A_37 = arith.constant 0 : i32
    %scan3A_38 = arith.constant 0 : i32
    %scan3A_39 = arith.constant 20 : i32
    %scan3A_40 = arith.addi %scan3A_38, %scan3A_39 : i32
    %scan3A_41 = arith.constant 1 : i32
    scf.for %scan3A_75 = %scan3A_38 to %scan3A_40 step %scan3A_41  : i32 {
      %mul3A_76 = arith.constant 8 : i32
      %mul3A_77 = arith.muli %scan3A_75, %mul3A_76 : i32
      %add3A = arith.constant 0 : i32
      %add3A_78 = arith.addi %mul3A_77, %add3A : i32
      %dma_wait3A_79 = arith.constant 0 : i32
      %dma_wait3A_80 = tpu.memref_slice %arg6[%dma_wait3A_79] : memref<20480xi32, #tpu.memory_space<vmem>> -> memref<128xi32, #tpu.memory_space<vmem>>
      %dma_wait3A_81 = arith.constant 0 : i32
      %dma_wait3A_82 = arith.constant 0 : i32
      %dma_wait3A_83 = tpu.memref_slice %arg18[%dma_wait3A_81, %dma_wait3A_82] : memref<10240x24xf32, #tpu.memory_space<vmem_shared>> -> memref<10240x24xf32, #tpu.memory_space<vmem_shared>>
      tpu.wait_indirect_dma semaphore(%arg19 : memref<!tpu.dma_semaphore, #tpu.memory_space<semaphore_mem>>) src(%dma_wait3A_83 : memref<10240x24xf32, #tpu.memory_space<vmem_shared>>) dst(%arg8 : memref<128x24xf32, #tpu.memory_space<vmem>>)
      %dma_start3A_84 = arith.constant 0 : i32
      %dma_start3A_85 = tpu.memref_slice %arg7[%add3A_78, %dma_start3A_84] : memref<160x128xi32, #tpu.memory_space<vmem>> -> memref<1x128xi32, #tpu.memory_space<vmem>>
      %dma_start3A_86 = tpu.memref_squeeze %dma_start3A_85 : memref<1x128xi32, #tpu.memory_space<vmem>> -> memref<128xi32, #tpu.memory_space<vmem>>
      %dma_start3A_87 = arith.constant 0 : i32
      %dma_start3A_88 = arith.constant 0 : i32
      %dma_start3A_89 = tpu.memref_slice %arg17[%dma_start3A_87, %dma_start3A_88] : memref<10240x24xf32, #tpu.memory_space<vmem_shared>> -> memref<10240x24xf32, #tpu.memory_space<vmem_shared>>
      tpu.enqueue_indirect_dma source(%arg8 : memref<128x24xf32, #tpu.memory_space<vmem>>) target(%dma_start3A_89 : memref<10240x24xf32, #tpu.memory_space<vmem_shared>>) offsets(%dma_start3A_86 : memref<128xi32, #tpu.memory_space<vmem>>) semaphore(%arg27 : memref<!tpu.dma_semaphore, #tpu.memory_space<semaphore_mem>>) {add = true}
      %gt3A = arith.constant 0 : i32
      %gt3A_90 = arith.cmpi sgt, %scan3A_75, %gt3A : i32
      %convert_element_type3A = arith.extui %gt3A_90 : i1 to i32
      %cond3A = arith.constant 0 : i32
      %cond3A_91 = arith.cmpi ne, %convert_element_type3A, %cond3A : i32
      scf.if %cond3A_91 {
        %dma_wait3A_291 = arith.constant 0 : i32
        %dma_wait3A_292 = arith.constant 0 : i32
        %dma_wait3A_293 = tpu.memref_slice %arg7[%dma_wait3A_291, %dma_wait3A_292] : memref<160x128xi32, #tpu.memory_space<vmem>> -> memref<1x128xi32, #tpu.memory_space<vmem>>
        %dma_wait3A_294 = tpu.memref_squeeze %dma_wait3A_293 : memref<1x128xi32, #tpu.memory_space<vmem>> -> memref<128xi32, #tpu.memory_space<vmem>>
        %dma_wait3A_295 = arith.constant 0 : i32
        %dma_wait3A_296 = arith.constant 0 : i32
        %dma_wait3A_297 = tpu.memref_slice %arg17[%dma_wait3A_295, %dma_wait3A_296] : memref<10240x24xf32, #tpu.memory_space<vmem_shared>> -> memref<10240x24xf32, #tpu.memory_space<vmem_shared>>
        tpu.wait_indirect_dma semaphore(%arg31 : memref<!tpu.dma_semaphore, #tpu.memory_space<semaphore_mem>>) src(%arg12 : memref<128x24xf32, #tpu.memory_space<vmem>>) dst(%dma_wait3A_297 : memref<10240x24xf32, #tpu.memory_space<vmem_shared>>)
      } else {
      }
      %add3A_92 = arith.constant 4 : i32
      %add3A_93 = arith.addi %add3A_78, %add3A_92 : i32
      %mul3A_94 = arith.constant 128 : i32
      %mul3A_95 = arith.muli %add3A_93, %mul3A_94 : i32
      %dma_start3A_96 = tpu.memref_slice %arg6[%mul3A_95] : memref<20480xi32, #tpu.memory_space<vmem>> -> memref<128xi32, #tpu.memory_space<vmem>>
      %dma_start3A_97 = arith.constant 0 : i32
      %dma_start3A_98 = arith.constant 0 : i32
      %dma_start3A_99 = tpu.memref_slice %arg18[%dma_start3A_97, %dma_start3A_98] : memref<10240x24xf32, #tpu.memory_space<vmem_shared>> -> memref<10240x24xf32, #tpu.memory_space<vmem_shared>>
      tpu.enqueue_indirect_dma source(%dma_start3A_99 : memref<10240x24xf32, #tpu.memory_space<vmem_shared>>) target(%arg12 : memref<128x24xf32, #tpu.memory_space<vmem>>) offsets(%dma_start3A_96 : memref<128xi32, #tpu.memory_space<vmem>>) semaphore(%arg23 : memref<!tpu.dma_semaphore, #tpu.memory_space<semaphore_mem>>)
      %mul3A_100 = arith.constant 8 : i32
      %mul3A_101 = arith.muli %scan3A_75, %mul3A_100 : i32
      %add3A_102 = arith.constant 1 : i32
      %add3A_103 = arith.addi %mul3A_101, %add3A_102 : i32
      %dma_wait3A_104 = arith.constant 0 : i32
      %dma_wait3A_105 = tpu.memref_slice %arg6[%dma_wait3A_104] : memref<20480xi32, #tpu.memory_space<vmem>> -> memref<128xi32, #tpu.memory_space<vmem>>
      %dma_wait3A_106 = arith.constant 0 : i32
      %dma_wait3A_107 = arith.constant 0 : i32
      %dma_wait3A_108 = tpu.memref_slice %arg18[%dma_wait3A_106, %dma_wait3A_107] : memref<10240x24xf32, #tpu.memory_space<vmem_shared>> -> memref<10240x24xf32, #tpu.memory_space<vmem_shared>>
      tpu.wait_indirect_dma semaphore(%arg20 : memref<!tpu.dma_semaphore, #tpu.memory_space<semaphore_mem>>) src(%dma_wait3A_108 : memref<10240x24xf32, #tpu.memory_space<vmem_shared>>) dst(%arg9 : memref<128x24xf32, #tpu.memory_space<vmem>>)
      %dma_start3A_109 = arith.constant 0 : i32
      %dma_start3A_110 = tpu.memref_slice %arg7[%add3A_103, %dma_start3A_109] : memref<160x128xi32, #tpu.memory_space<vmem>> -> memref<1x128xi32, #tpu.memory_space<vmem>>
      %dma_start3A_111 = tpu.memref_squeeze %dma_start3A_110 : memref<1x128xi32, #tpu.memory_space<vmem>> -> memref<128xi32, #tpu.memory_space<vmem>>
      %dma_start3A_112 = arith.constant 0 : i32
      %dma_start3A_113 = arith.constant 0 : i32
      %dma_start3A_114 = tpu.memref_slice %arg17[%dma_start3A_112, %dma_start3A_113] : memref<10240x24xf32, #tpu.memory_space<vmem_shared>> -> memref<10240x24xf32, #tpu.memory_space<vmem_shared>>
      tpu.enqueue_indirect_dma source(%arg9 : memref<128x24xf32, #tpu.memory_space<vmem>>) target(%dma_start3A_114 : memref<10240x24xf32, #tpu.memory_space<vmem_shared>>) offsets(%dma_start3A_111 : memref<128xi32, #tpu.memory_space<vmem>>) semaphore(%arg28 : memref<!tpu.dma_semaphore, #tpu.memory_space<semaphore_mem>>) {add = true}
      %gt3A_115 = arith.constant 0 : i32
      %gt3A_116 = arith.cmpi sgt, %scan3A_75, %gt3A_115 : i32
      %convert_element_type3A_117 = arith.extui %gt3A_116 : i1 to i32
      %cond3A_118 = arith.constant 0 : i32
      %cond3A_119 = arith.cmpi ne, %convert_element_type3A_117, %cond3A_118 : i32
      scf.if %cond3A_119 {
        %dma_wait3A_291 = arith.constant 0 : i32
        %dma_wait3A_292 = arith.constant 0 : i32
        %dma_wait3A_293 = tpu.memref_slice %arg7[%dma_wait3A_291, %dma_wait3A_292] : memref<160x128xi32, #tpu.memory_space<vmem>> -> memref<1x128xi32, #tpu.memory_space<vmem>>
        %dma_wait3A_294 = tpu.memref_squeeze %dma_wait3A_293 : memref<1x128xi32, #tpu.memory_space<vmem>> -> memref<128xi32, #tpu.memory_space<vmem>>
        %dma_wait3A_295 = arith.constant 0 : i32
        %dma_wait3A_296 = arith.constant 0 : i32
        %dma_wait3A_297 = tpu.memref_slice %arg17[%dma_wait3A_295, %dma_wait3A_296] : memref<10240x24xf32, #tpu.memory_space<vmem_shared>> -> memref<10240x24xf32, #tpu.memory_space<vmem_shared>>
        tpu.wait_indirect_dma semaphore(%arg32 : memref<!tpu.dma_semaphore, #tpu.memory_space<semaphore_mem>>) src(%arg13 : memref<128x24xf32, #tpu.memory_space<vmem>>) dst(%dma_wait3A_297 : memref<10240x24xf32, #tpu.memory_space<vmem_shared>>)
      } else {
      }
      %add3A_120 = arith.constant 4 : i32
      %add3A_121 = arith.addi %add3A_103, %add3A_120 : i32
      %mul3A_122 = arith.constant 128 : i32
      %mul3A_123 = arith.muli %add3A_121, %mul3A_122 : i32
      %dma_start3A_124 = tpu.memref_slice %arg6[%mul3A_123] : memref<20480xi32, #tpu.memory_space<vmem>> -> memref<128xi32, #tpu.memory_space<vmem>>
      %dma_start3A_125 = arith.constant 0 : i32
      %dma_start3A_126 = arith.constant 0 : i32
      %dma_start3A_127 = tpu.memref_slice %arg18[%dma_start3A_125, %dma_start3A_126] : memref<10240x24xf32, #tpu.memory_space<vmem_shared>> -> memref<10240x24xf32, #tpu.memory_space<vmem_shared>>
      tpu.enqueue_indirect_dma source(%dma_start3A_127 : memref<10240x24xf32, #tpu.memory_space<vmem_shared>>) target(%arg13 : memref<128x24xf32, #tpu.memory_space<vmem>>) offsets(%dma_start3A_124 : memref<128xi32, #tpu.memory_space<vmem>>) semaphore(%arg24 : memref<!tpu.dma_semaphore, #tpu.memory_space<semaphore_mem>>)
      %mul3A_128 = arith.constant 8 : i32
      %mul3A_129 = arith.muli %scan3A_75, %mul3A_128 : i32
      %add3A_130 = arith.constant 2 : i32
      %add3A_131 = arith.addi %mul3A_129, %add3A_130 : i32
      %dma_wait3A_132 = arith.constant 0 : i32
      %dma_wait3A_133 = tpu.memref_slice %arg6[%dma_wait3A_132] : memref<20480xi32, #tpu.memory_space<vmem>> -> memref<128xi32, #tpu.memory_space<vmem>>
      %dma_wait3A_134 = arith.constant 0 : i32
      %dma_wait3A_135 = arith.constant 0 : i32
      %dma_wait3A_136 = tpu.memref_slice %arg18[%dma_wait3A_134, %dma_wait3A_135] : memref<10240x24xf32, #tpu.memory_space<vmem_shared>> -> memref<10240x24xf32, #tpu.memory_space<vmem_shared>>
      tpu.wait_indirect_dma semaphore(%arg21 : memref<!tpu.dma_semaphore, #tpu.memory_space<semaphore_mem>>) src(%dma_wait3A_136 : memref<10240x24xf32, #tpu.memory_space<vmem_shared>>) dst(%arg10 : memref<128x24xf32, #tpu.memory_space<vmem>>)
      %dma_start3A_137 = arith.constant 0 : i32
      %dma_start3A_138 = tpu.memref_slice %arg7[%add3A_131, %dma_start3A_137] : memref<160x128xi32, #tpu.memory_space<vmem>> -> memref<1x128xi32, #tpu.memory_space<vmem>>
      %dma_start3A_139 = tpu.memref_squeeze %dma_start3A_138 : memref<1x128xi32, #tpu.memory_space<vmem>> -> memref<128xi32, #tpu.memory_space<vmem>>
      %dma_start3A_140 = arith.constant 0 : i32
      %dma_start3A_141 = arith.constant 0 : i32
      %dma_start3A_142 = tpu.memref_slice %arg17[%dma_start3A_140, %dma_start3A_141] : memref<10240x24xf32, #tpu.memory_space<vmem_shared>> -> memref<10240x24xf32, #tpu.memory_space<vmem_shared>>
      tpu.enqueue_indirect_dma source(%arg10 : memref<128x24xf32, #tpu.memory_space<vmem>>) target(%dma_start3A_142 : memref<10240x24xf32, #tpu.memory_space<vmem_shared>>) offsets(%dma_start3A_139 : memref<128xi32, #tpu.memory_space<vmem>>) semaphore(%arg29 : memref<!tpu.dma_semaphore, #tpu.memory_space<semaphore_mem>>) {add = true}
      %gt3A_143 = arith.constant 0 : i32
      %gt3A_144 = arith.cmpi sgt, %scan3A_75, %gt3A_143 : i32
      %convert_element_type3A_145 = arith.extui %gt3A_144 : i1 to i32
      %cond3A_146 = arith.constant 0 : i32
      %cond3A_147 = arith.cmpi ne, %convert_element_type3A_145, %cond3A_146 : i32
      scf.if %cond3A_147 {
        %dma_wait3A_291 = arith.constant 0 : i32
        %dma_wait3A_292 = arith.constant 0 : i32
        %dma_wait3A_293 = tpu.memref_slice %arg7[%dma_wait3A_291, %dma_wait3A_292] : memref<160x128xi32, #tpu.memory_space<vmem>> -> memref<1x128xi32, #tpu.memory_space<vmem>>
        %dma_wait3A_294 = tpu.memref_squeeze %dma_wait3A_293 : memref<1x128xi32, #tpu.memory_space<vmem>> -> memref<128xi32, #tpu.memory_space<vmem>>
        %dma_wait3A_295 = arith.constant 0 : i32
        %dma_wait3A_296 = arith.constant 0 : i32
        %dma_wait3A_297 = tpu.memref_slice %arg17[%dma_wait3A_295, %dma_wait3A_296] : memref<10240x24xf32, #tpu.memory_space<vmem_shared>> -> memref<10240x24xf32, #tpu.memory_space<vmem_shared>>
        tpu.wait_indirect_dma semaphore(%arg33 : memref<!tpu.dma_semaphore, #tpu.memory_space<semaphore_mem>>) src(%arg14 : memref<128x24xf32, #tpu.memory_space<vmem>>) dst(%dma_wait3A_297 : memref<10240x24xf32, #tpu.memory_space<vmem_shared>>)
      } else {
      }
      %add3A_148 = arith.constant 4 : i32
      %add3A_149 = arith.addi %add3A_131, %add3A_148 : i32
      %mul3A_150 = arith.constant 128 : i32
      %mul3A_151 = arith.muli %add3A_149, %mul3A_150 : i32
      %dma_start3A_152 = tpu.memref_slice %arg6[%mul3A_151] : memref<20480xi32, #tpu.memory_space<vmem>> -> memref<128xi32, #tpu.memory_space<vmem>>
      %dma_start3A_153 = arith.constant 0 : i32
      %dma_start3A_154 = arith.constant 0 : i32
      %dma_start3A_155 = tpu.memref_slice %arg18[%dma_start3A_153, %dma_start3A_154] : memref<10240x24xf32, #tpu.memory_space<vmem_shared>> -> memref<10240x24xf32, #tpu.memory_space<vmem_shared>>
      tpu.enqueue_indirect_dma source(%dma_start3A_155 : memref<10240x24xf32, #tpu.memory_space<vmem_shared>>) target(%arg14 : memref<128x24xf32, #tpu.memory_space<vmem>>) offsets(%dma_start3A_152 : memref<128xi32, #tpu.memory_space<vmem>>) semaphore(%arg25 : memref<!tpu.dma_semaphore, #tpu.memory_space<semaphore_mem>>)
      %mul3A_156 = arith.constant 8 : i32
      %mul3A_157 = arith.muli %scan3A_75, %mul3A_156 : i32
      %add3A_158 = arith.constant 3 : i32
      %add3A_159 = arith.addi %mul3A_157, %add3A_158 : i32
      %dma_wait3A_160 = arith.constant 0 : i32
      %dma_wait3A_161 = tpu.memref_slice %arg6[%dma_wait3A_160] : memref<20480xi32, #tpu.memory_space<vmem>> -> memref<128xi32, #tpu.memory_space<vmem>>
      %dma_wait3A_162 = arith.constant 0 : i32
      %dma_wait3A_163 = arith.constant 0 : i32
      %dma_wait3A_164 = tpu.memref_slice %arg18[%dma_wait3A_162, %dma_wait3A_163] : memref<10240x24xf32, #tpu.memory_space<vmem_shared>> -> memref<10240x24xf32, #tpu.memory_space<vmem_shared>>
      tpu.wait_indirect_dma semaphore(%arg22 : memref<!tpu.dma_semaphore, #tpu.memory_space<semaphore_mem>>) src(%dma_wait3A_164 : memref<10240x24xf32, #tpu.memory_space<vmem_shared>>) dst(%arg11 : memref<128x24xf32, #tpu.memory_space<vmem>>)
      %dma_start3A_165 = arith.constant 0 : i32
      %dma_start3A_166 = tpu.memref_slice %arg7[%add3A_159, %dma_start3A_165] : memref<160x128xi32, #tpu.memory_space<vmem>> -> memref<1x128xi32, #tpu.memory_space<vmem>>
      %dma_start3A_167 = tpu.memref_squeeze %dma_start3A_166 : memref<1x128xi32, #tpu.memory_space<vmem>> -> memref<128xi32, #tpu.memory_space<vmem>>
      %dma_start3A_168 = arith.constant 0 : i32
      %dma_start3A_169 = arith.constant 0 : i32
      %dma_start3A_170 = tpu.memref_slice %arg17[%dma_start3A_168, %dma_start3A_169] : memref<10240x24xf32, #tpu.memory_space<vmem_shared>> -> memref<10240x24xf32, #tpu.memory_space<vmem_shared>>
      tpu.enqueue_indirect_dma source(%arg11 : memref<128x24xf32, #tpu.memory_space<vmem>>) target(%dma_start3A_170 : memref<10240x24xf32, #tpu.memory_space<vmem_shared>>) offsets(%dma_start3A_167 : memref<128xi32, #tpu.memory_space<vmem>>) semaphore(%arg30 : memref<!tpu.dma_semaphore, #tpu.memory_space<semaphore_mem>>) {add = true}
      %gt3A_171 = arith.constant 0 : i32
      %gt3A_172 = arith.cmpi sgt, %scan3A_75, %gt3A_171 : i32
      %convert_element_type3A_173 = arith.extui %gt3A_172 : i1 to i32
      %cond3A_174 = arith.constant 0 : i32
      %cond3A_175 = arith.cmpi ne, %convert_element_type3A_173, %cond3A_174 : i32
      scf.if %cond3A_175 {
        %dma_wait3A_291 = arith.constant 0 : i32
        %dma_wait3A_292 = arith.constant 0 : i32
        %dma_wait3A_293 = tpu.memref_slice %arg7[%dma_wait3A_291, %dma_wait3A_292] : memref<160x128xi32, #tpu.memory_space<vmem>> -> memref<1x128xi32, #tpu.memory_space<vmem>>
        %dma_wait3A_294 = tpu.memref_squeeze %dma_wait3A_293 : memref<1x128xi32, #tpu.memory_space<vmem>> -> memref<128xi32, #tpu.memory_space<vmem>>
        %dma_wait3A_295 = arith.constant 0 : i32
        %dma_wait3A_296 = arith.constant 0 : i32
        %dma_wait3A_297 = tpu.memref_slice %arg17[%dma_wait3A_295, %dma_wait3A_296] : memref<10240x24xf32, #tpu.memory_space<vmem_shared>> -> memref<10240x24xf32, #tpu.memory_space<vmem_shared>>
        tpu.wait_indirect_dma semaphore(%arg34 : memref<!tpu.dma_semaphore, #tpu.memory_space<semaphore_mem>>) src(%arg15 : memref<128x24xf32, #tpu.memory_space<vmem>>) dst(%dma_wait3A_297 : memref<10240x24xf32, #tpu.memory_space<vmem_shared>>)
      } else {
      }
      %add3A_176 = arith.constant 4 : i32
      %add3A_177 = arith.addi %add3A_159, %add3A_176 : i32
      %mul3A_178 = arith.constant 128 : i32
      %mul3A_179 = arith.muli %add3A_177, %mul3A_178 : i32
      %dma_start3A_180 = tpu.memref_slice %arg6[%mul3A_179] : memref<20480xi32, #tpu.memory_space<vmem>> -> memref<128xi32, #tpu.memory_space<vmem>>
      %dma_start3A_181 = arith.constant 0 : i32
      %dma_start3A_182 = arith.constant 0 : i32
      %dma_start3A_183 = tpu.memref_slice %arg18[%dma_start3A_181, %dma_start3A_182] : memref<10240x24xf32, #tpu.memory_space<vmem_shared>> -> memref<10240x24xf32, #tpu.memory_space<vmem_shared>>
      tpu.enqueue_indirect_dma source(%dma_start3A_183 : memref<10240x24xf32, #tpu.memory_space<vmem_shared>>) target(%arg15 : memref<128x24xf32, #tpu.memory_space<vmem>>) offsets(%dma_start3A_180 : memref<128xi32, #tpu.memory_space<vmem>>) semaphore(%arg26 : memref<!tpu.dma_semaphore, #tpu.memory_space<semaphore_mem>>)
      %mul3A_184 = arith.constant 8 : i32
      %mul3A_185 = arith.muli %scan3A_75, %mul3A_184 : i32
      %add3A_186 = arith.constant 4 : i32
      %add3A_187 = arith.addi %mul3A_185, %add3A_186 : i32
      %dma_wait3A_188 = arith.constant 0 : i32
      %dma_wait3A_189 = tpu.memref_slice %arg6[%dma_wait3A_188] : memref<20480xi32, #tpu.memory_space<vmem>> -> memref<128xi32, #tpu.memory_space<vmem>>
      %dma_wait3A_190 = arith.constant 0 : i32
      %dma_wait3A_191 = arith.constant 0 : i32
      %dma_wait3A_192 = tpu.memref_slice %arg18[%dma_wait3A_190, %dma_wait3A_191] : memref<10240x24xf32, #tpu.memory_space<vmem_shared>> -> memref<10240x24xf32, #tpu.memory_space<vmem_shared>>
      tpu.wait_indirect_dma semaphore(%arg23 : memref<!tpu.dma_semaphore, #tpu.memory_space<semaphore_mem>>) src(%dma_wait3A_192 : memref<10240x24xf32, #tpu.memory_space<vmem_shared>>) dst(%arg12 : memref<128x24xf32, #tpu.memory_space<vmem>>)
      %dma_start3A_193 = arith.constant 0 : i32
      %dma_start3A_194 = tpu.memref_slice %arg7[%add3A_187, %dma_start3A_193] : memref<160x128xi32, #tpu.memory_space<vmem>> -> memref<1x128xi32, #tpu.memory_space<vmem>>
      %dma_start3A_195 = tpu.memref_squeeze %dma_start3A_194 : memref<1x128xi32, #tpu.memory_space<vmem>> -> memref<128xi32, #tpu.memory_space<vmem>>
      %dma_start3A_196 = arith.constant 0 : i32
      %dma_start3A_197 = arith.constant 0 : i32
      %dma_start3A_198 = tpu.memref_slice %arg17[%dma_start3A_196, %dma_start3A_197] : memref<10240x24xf32, #tpu.memory_space<vmem_shared>> -> memref<10240x24xf32, #tpu.memory_space<vmem_shared>>
      tpu.enqueue_indirect_dma source(%arg12 : memref<128x24xf32, #tpu.memory_space<vmem>>) target(%dma_start3A_198 : memref<10240x24xf32, #tpu.memory_space<vmem_shared>>) offsets(%dma_start3A_195 : memref<128xi32, #tpu.memory_space<vmem>>) semaphore(%arg31 : memref<!tpu.dma_semaphore, #tpu.memory_space<semaphore_mem>>) {add = true}
      %dma_wait3A_199 = arith.constant 0 : i32
      %dma_wait3A_200 = arith.constant 0 : i32
      %dma_wait3A_201 = tpu.memref_slice %arg7[%dma_wait3A_199, %dma_wait3A_200] : memref<160x128xi32, #tpu.memory_space<vmem>> -> memref<1x128xi32, #tpu.memory_space<vmem>>
      %dma_wait3A_202 = tpu.memref_squeeze %dma_wait3A_201 : memref<1x128xi32, #tpu.memory_space<vmem>> -> memref<128xi32, #tpu.memory_space<vmem>>
      %dma_wait3A_203 = arith.constant 0 : i32
      %dma_wait3A_204 = arith.constant 0 : i32
      %dma_wait3A_205 = tpu.memref_slice %arg17[%dma_wait3A_203, %dma_wait3A_204] : memref<10240x24xf32, #tpu.memory_space<vmem_shared>> -> memref<10240x24xf32, #tpu.memory_space<vmem_shared>>
      tpu.wait_indirect_dma semaphore(%arg27 : memref<!tpu.dma_semaphore, #tpu.memory_space<semaphore_mem>>) src(%arg8 : memref<128x24xf32, #tpu.memory_space<vmem>>) dst(%dma_wait3A_205 : memref<10240x24xf32, #tpu.memory_space<vmem_shared>>)
      %lt3A = arith.constant 19 : i32
      %lt3A_206 = arith.cmpi slt, %scan3A_75, %lt3A : i32
      %convert_element_type3A_207 = arith.extui %lt3A_206 : i1 to i32
      %cond3A_208 = arith.constant 0 : i32
      %cond3A_209 = arith.cmpi ne, %convert_element_type3A_207, %cond3A_208 : i32
      scf.if %cond3A_209 {
        %add3A_291 = arith.constant 4 : i32
        %add3A_292 = arith.addi %add3A_187, %add3A_291 : i32
        %mul3A_293 = arith.constant 128 : i32
        %mul3A_294 = arith.muli %add3A_292, %mul3A_293 : i32
        %dma_start3A_295 = tpu.memref_slice %arg6[%mul3A_294] : memref<20480xi32, #tpu.memory_space<vmem>> -> memref<128xi32, #tpu.memory_space<vmem>>
        %dma_start3A_296 = arith.constant 0 : i32
        %dma_start3A_297 = arith.constant 0 : i32
        %dma_start3A_298 = tpu.memref_slice %arg18[%dma_start3A_296, %dma_start3A_297] : memref<10240x24xf32, #tpu.memory_space<vmem_shared>> -> memref<10240x24xf32, #tpu.memory_space<vmem_shared>>
        tpu.enqueue_indirect_dma source(%dma_start3A_298 : memref<10240x24xf32, #tpu.memory_space<vmem_shared>>) target(%arg8 : memref<128x24xf32, #tpu.memory_space<vmem>>) offsets(%dma_start3A_295 : memref<128xi32, #tpu.memory_space<vmem>>) semaphore(%arg19 : memref<!tpu.dma_semaphore, #tpu.memory_space<semaphore_mem>>)
      } else {
      }
      %mul3A_210 = arith.constant 8 : i32
      %mul3A_211 = arith.muli %scan3A_75, %mul3A_210 : i32
      %add3A_212 = arith.constant 5 : i32
      %add3A_213 = arith.addi %mul3A_211, %add3A_212 : i32
      %dma_wait3A_214 = arith.constant 0 : i32
      %dma_wait3A_215 = tpu.memref_slice %arg6[%dma_wait3A_214] : memref<20480xi32, #tpu.memory_space<vmem>> -> memref<128xi32, #tpu.memory_space<vmem>>
      %dma_wait3A_216 = arith.constant 0 : i32
      %dma_wait3A_217 = arith.constant 0 : i32
      %dma_wait3A_218 = tpu.memref_slice %arg18[%dma_wait3A_216, %dma_wait3A_217] : memref<10240x24xf32, #tpu.memory_space<vmem_shared>> -> memref<10240x24xf32, #tpu.memory_space<vmem_shared>>
      tpu.wait_indirect_dma semaphore(%arg24 : memref<!tpu.dma_semaphore, #tpu.memory_space<semaphore_mem>>) src(%dma_wait3A_218 : memref<10240x24xf32, #tpu.memory_space<vmem_shared>>) dst(%arg13 : memref<128x24xf32, #tpu.memory_space<vmem>>)
      %dma_start3A_219 = arith.constant 0 : i32
      %dma_start3A_220 = tpu.memref_slice %arg7[%add3A_213, %dma_start3A_219] : memref<160x128xi32, #tpu.memory_space<vmem>> -> memref<1x128xi32, #tpu.memory_space<vmem>>
      %dma_start3A_221 = tpu.memref_squeeze %dma_start3A_220 : memref<1x128xi32, #tpu.memory_space<vmem>> -> memref<128xi32, #tpu.memory_space<vmem>>
      %dma_start3A_222 = arith.constant 0 : i32
      %dma_start3A_223 = arith.constant 0 : i32
      %dma_start3A_224 = tpu.memref_slice %arg17[%dma_start3A_222, %dma_start3A_223] : memref<10240x24xf32, #tpu.memory_space<vmem_shared>> -> memref<10240x24xf32, #tpu.memory_space<vmem_shared>>
      tpu.enqueue_indirect_dma source(%arg13 : memref<128x24xf32, #tpu.memory_space<vmem>>) target(%dma_start3A_224 : memref<10240x24xf32, #tpu.memory_space<vmem_shared>>) offsets(%dma_start3A_221 : memref<128xi32, #tpu.memory_space<vmem>>) semaphore(%arg32 : memref<!tpu.dma_semaphore, #tpu.memory_space<semaphore_mem>>) {add = true}
      %dma_wait3A_225 = arith.constant 0 : i32
      %dma_wait3A_226 = arith.constant 0 : i32
      %dma_wait3A_227 = tpu.memref_slice %arg7[%dma_wait3A_225, %dma_wait3A_226] : memref<160x128xi32, #tpu.memory_space<vmem>> -> memref<1x128xi32, #tpu.memory_space<vmem>>
      %dma_wait3A_228 = tpu.memref_squeeze %dma_wait3A_227 : memref<1x128xi32, #tpu.memory_space<vmem>> -> memref<128xi32, #tpu.memory_space<vmem>>
      %dma_wait3A_229 = arith.constant 0 : i32
      %dma_wait3A_230 = arith.constant 0 : i32
      %dma_wait3A_231 = tpu.memref_slice %arg17[%dma_wait3A_229, %dma_wait3A_230] : memref<10240x24xf32, #tpu.memory_space<vmem_shared>> -> memref<10240x24xf32, #tpu.memory_space<vmem_shared>>
      tpu.wait_indirect_dma semaphore(%arg28 : memref<!tpu.dma_semaphore, #tpu.memory_space<semaphore_mem>>) src(%arg9 : memref<128x24xf32, #tpu.memory_space<vmem>>) dst(%dma_wait3A_231 : memref<10240x24xf32, #tpu.memory_space<vmem_shared>>)
      %lt3A_232 = arith.constant 19 : i32
      %lt3A_233 = arith.cmpi slt, %scan3A_75, %lt3A_232 : i32
      %convert_element_type3A_234 = arith.extui %lt3A_233 : i1 to i32
      %cond3A_235 = arith.constant 0 : i32
      %cond3A_236 = arith.cmpi ne, %convert_element_type3A_234, %cond3A_235 : i32
      scf.if %cond3A_236 {
        %add3A_291 = arith.constant 4 : i32
        %add3A_292 = arith.addi %add3A_213, %add3A_291 : i32
        %mul3A_293 = arith.constant 128 : i32
        %mul3A_294 = arith.muli %add3A_292, %mul3A_293 : i32
        %dma_start3A_295 = tpu.memref_slice %arg6[%mul3A_294] : memref<20480xi32, #tpu.memory_space<vmem>> -> memref<128xi32, #tpu.memory_space<vmem>>
        %dma_start3A_296 = arith.constant 0 : i32
        %dma_start3A_297 = arith.constant 0 : i32
        %dma_start3A_298 = tpu.memref_slice %arg18[%dma_start3A_296, %dma_start3A_297] : memref<10240x24xf32, #tpu.memory_space<vmem_shared>> -> memref<10240x24xf32, #tpu.memory_space<vmem_shared>>
        tpu.enqueue_indirect_dma source(%dma_start3A_298 : memref<10240x24xf32, #tpu.memory_space<vmem_shared>>) target(%arg9 : memref<128x24xf32, #tpu.memory_space<vmem>>) offsets(%dma_start3A_295 : memref<128xi32, #tpu.memory_space<vmem>>) semaphore(%arg20 : memref<!tpu.dma_semaphore, #tpu.memory_space<semaphore_mem>>)
      } else {
      }
      %mul3A_237 = arith.constant 8 : i32
      %mul3A_238 = arith.muli %scan3A_75, %mul3A_237 : i32
      %add3A_239 = arith.constant 6 : i32
      %add3A_240 = arith.addi %mul3A_238, %add3A_239 : i32
      %dma_wait3A_241 = arith.constant 0 : i32
      %dma_wait3A_242 = tpu.memref_slice %arg6[%dma_wait3A_241] : memref<20480xi32, #tpu.memory_space<vmem>> -> memref<128xi32, #tpu.memory_space<vmem>>
      %dma_wait3A_243 = arith.constant 0 : i32
      %dma_wait3A_244 = arith.constant 0 : i32
      %dma_wait3A_245 = tpu.memref_slice %arg18[%dma_wait3A_243, %dma_wait3A_244] : memref<10240x24xf32, #tpu.memory_space<vmem_shared>> -> memref<10240x24xf32, #tpu.memory_space<vmem_shared>>
      tpu.wait_indirect_dma semaphore(%arg25 : memref<!tpu.dma_semaphore, #tpu.memory_space<semaphore_mem>>) src(%dma_wait3A_245 : memref<10240x24xf32, #tpu.memory_space<vmem_shared>>) dst(%arg14 : memref<128x24xf32, #tpu.memory_space<vmem>>)
      %dma_start3A_246 = arith.constant 0 : i32
      %dma_start3A_247 = tpu.memref_slice %arg7[%add3A_240, %dma_start3A_246] : memref<160x128xi32, #tpu.memory_space<vmem>> -> memref<1x128xi32, #tpu.memory_space<vmem>>
      %dma_start3A_248 = tpu.memref_squeeze %dma_start3A_247 : memref<1x128xi32, #tpu.memory_space<vmem>> -> memref<128xi32, #tpu.memory_space<vmem>>
      %dma_start3A_249 = arith.constant 0 : i32
      %dma_start3A_250 = arith.constant 0 : i32
      %dma_start3A_251 = tpu.memref_slice %arg17[%dma_start3A_249, %dma_start3A_250] : memref<10240x24xf32, #tpu.memory_space<vmem_shared>> -> memref<10240x24xf32, #tpu.memory_space<vmem_shared>>
      tpu.enqueue_indirect_dma source(%arg14 : memref<128x24xf32, #tpu.memory_space<vmem>>) target(%dma_start3A_251 : memref<10240x24xf32, #tpu.memory_space<vmem_shared>>) offsets(%dma_start3A_248 : memref<128xi32, #tpu.memory_space<vmem>>) semaphore(%arg33 : memref<!tpu.dma_semaphore, #tpu.memory_space<semaphore_mem>>) {add = true}
      %dma_wait3A_252 = arith.constant 0 : i32
      %dma_wait3A_253 = arith.constant 0 : i32
      %dma_wait3A_254 = tpu.memref_slice %arg7[%dma_wait3A_252, %dma_wait3A_253] : memref<160x128xi32, #tpu.memory_space<vmem>> -> memref<1x128xi32, #tpu.memory_space<vmem>>
      %dma_wait3A_255 = tpu.memref_squeeze %dma_wait3A_254 : memref<1x128xi32, #tpu.memory_space<vmem>> -> memref<128xi32, #tpu.memory_space<vmem>>
      %dma_wait3A_256 = arith.constant 0 : i32
      %dma_wait3A_257 = arith.constant 0 : i32
      %dma_wait3A_258 = tpu.memref_slice %arg17[%dma_wait3A_256, %dma_wait3A_257] : memref<10240x24xf32, #tpu.memory_space<vmem_shared>> -> memref<10240x24xf32, #tpu.memory_space<vmem_shared>>
      tpu.wait_indirect_dma semaphore(%arg29 : memref<!tpu.dma_semaphore, #tpu.memory_space<semaphore_mem>>) src(%arg10 : memref<128x24xf32, #tpu.memory_space<vmem>>) dst(%dma_wait3A_258 : memref<10240x24xf32, #tpu.memory_space<vmem_shared>>)
      %lt3A_259 = arith.constant 19 : i32
      %lt3A_260 = arith.cmpi slt, %scan3A_75, %lt3A_259 : i32
      %convert_element_type3A_261 = arith.extui %lt3A_260 : i1 to i32
      %cond3A_262 = arith.constant 0 : i32
      %cond3A_263 = arith.cmpi ne, %convert_element_type3A_261, %cond3A_262 : i32
      scf.if %cond3A_263 {
        %add3A_291 = arith.constant 4 : i32
        %add3A_292 = arith.addi %add3A_240, %add3A_291 : i32
        %mul3A_293 = arith.constant 128 : i32
        %mul3A_294 = arith.muli %add3A_292, %mul3A_293 : i32
        %dma_start3A_295 = tpu.memref_slice %arg6[%mul3A_294] : memref<20480xi32, #tpu.memory_space<vmem>> -> memref<128xi32, #tpu.memory_space<vmem>>
        %dma_start3A_296 = arith.constant 0 : i32
        %dma_start3A_297 = arith.constant 0 : i32
        %dma_start3A_298 = tpu.memref_slice %arg18[%dma_start3A_296, %dma_start3A_297] : memref<10240x24xf32, #tpu.memory_space<vmem_shared>> -> memref<10240x24xf32, #tpu.memory_space<vmem_shared>>
        tpu.enqueue_indirect_dma source(%dma_start3A_298 : memref<10240x24xf32, #tpu.memory_space<vmem_shared>>) target(%arg10 : memref<128x24xf32, #tpu.memory_space<vmem>>) offsets(%dma_start3A_295 : memref<128xi32, #tpu.memory_space<vmem>>) semaphore(%arg21 : memref<!tpu.dma_semaphore, #tpu.memory_space<semaphore_mem>>)
      } else {
      }
      %mul3A_264 = arith.constant 8 : i32
      %mul3A_265 = arith.muli %scan3A_75, %mul3A_264 : i32
      %add3A_266 = arith.constant 7 : i32
      %add3A_267 = arith.addi %mul3A_265, %add3A_266 : i32
      %dma_wait3A_268 = arith.constant 0 : i32
      %dma_wait3A_269 = tpu.memref_slice %arg6[%dma_wait3A_268] : memref<20480xi32, #tpu.memory_space<vmem>> -> memref<128xi32, #tpu.memory_space<vmem>>
      %dma_wait3A_270 = arith.constant 0 : i32
      %dma_wait3A_271 = arith.constant 0 : i32
      %dma_wait3A_272 = tpu.memref_slice %arg18[%dma_wait3A_270, %dma_wait3A_271] : memref<10240x24xf32, #tpu.memory_space<vmem_shared>> -> memref<10240x24xf32, #tpu.memory_space<vmem_shared>>
      tpu.wait_indirect_dma semaphore(%arg26 : memref<!tpu.dma_semaphore, #tpu.memory_space<semaphore_mem>>) src(%dma_wait3A_272 : memref<10240x24xf32, #tpu.memory_space<vmem_shared>>) dst(%arg15 : memref<128x24xf32, #tpu.memory_space<vmem>>)
      %dma_start3A_273 = arith.constant 0 : i32
      %dma_start3A_274 = tpu.memref_slice %arg7[%add3A_267, %dma_start3A_273] : memref<160x128xi32, #tpu.memory_space<vmem>> -> memref<1x128xi32, #tpu.memory_space<vmem>>
      %dma_start3A_275 = tpu.memref_squeeze %dma_start3A_274 : memref<1x128xi32, #tpu.memory_space<vmem>> -> memref<128xi32, #tpu.memory_space<vmem>>
      %dma_start3A_276 = arith.constant 0 : i32
      %dma_start3A_277 = arith.constant 0 : i32
      %dma_start3A_278 = tpu.memref_slice %arg17[%dma_start3A_276, %dma_start3A_277] : memref<10240x24xf32, #tpu.memory_space<vmem_shared>> -> memref<10240x24xf32, #tpu.memory_space<vmem_shared>>
      tpu.enqueue_indirect_dma source(%arg15 : memref<128x24xf32, #tpu.memory_space<vmem>>) target(%dma_start3A_278 : memref<10240x24xf32, #tpu.memory_space<vmem_shared>>) offsets(%dma_start3A_275 : memref<128xi32, #tpu.memory_space<vmem>>) semaphore(%arg34 : memref<!tpu.dma_semaphore, #tpu.memory_space<semaphore_mem>>) {add = true}
      %dma_wait3A_279 = arith.constant 0 : i32
      %dma_wait3A_280 = arith.constant 0 : i32
      %dma_wait3A_281 = tpu.memref_slice %arg7[%dma_wait3A_279, %dma_wait3A_280] : memref<160x128xi32, #tpu.memory_space<vmem>> -> memref<1x128xi32, #tpu.memory_space<vmem>>
      %dma_wait3A_282 = tpu.memref_squeeze %dma_wait3A_281 : memref<1x128xi32, #tpu.memory_space<vmem>> -> memref<128xi32, #tpu.memory_space<vmem>>
      %dma_wait3A_283 = arith.constant 0 : i32
      %dma_wait3A_284 = arith.constant 0 : i32
      %dma_wait3A_285 = tpu.memref_slice %arg17[%dma_wait3A_283, %dma_wait3A_284] : memref<10240x24xf32, #tpu.memory_space<vmem_shared>> -> memref<10240x24xf32, #tpu.memory_space<vmem_shared>>
      tpu.wait_indirect_dma semaphore(%arg30 : memref<!tpu.dma_semaphore, #tpu.memory_space<semaphore_mem>>) src(%arg11 : memref<128x24xf32, #tpu.memory_space<vmem>>) dst(%dma_wait3A_285 : memref<10240x24xf32, #tpu.memory_space<vmem_shared>>)
      %lt3A_286 = arith.constant 19 : i32
      %lt3A_287 = arith.cmpi slt, %scan3A_75, %lt3A_286 : i32
      %convert_element_type3A_288 = arith.extui %lt3A_287 : i1 to i32
      %cond3A_289 = arith.constant 0 : i32
      %cond3A_290 = arith.cmpi ne, %convert_element_type3A_288, %cond3A_289 : i32
      scf.if %cond3A_290 {
        %add3A_291 = arith.constant 4 : i32
        %add3A_292 = arith.addi %add3A_267, %add3A_291 : i32
        %mul3A_293 = arith.constant 128 : i32
        %mul3A_294 = arith.muli %add3A_292, %mul3A_293 : i32
        %dma_start3A_295 = tpu.memref_slice %arg6[%mul3A_294] : memref<20480xi32, #tpu.memory_space<vmem>> -> memref<128xi32, #tpu.memory_space<vmem>>
        %dma_start3A_296 = arith.constant 0 : i32
        %dma_start3A_297 = arith.constant 0 : i32
        %dma_start3A_298 = tpu.memref_slice %arg18[%dma_start3A_296, %dma_start3A_297] : memref<10240x24xf32, #tpu.memory_space<vmem_shared>> -> memref<10240x24xf32, #tpu.memory_space<vmem_shared>>
        tpu.enqueue_indirect_dma source(%dma_start3A_298 : memref<10240x24xf32, #tpu.memory_space<vmem_shared>>) target(%arg11 : memref<128x24xf32, #tpu.memory_space<vmem>>) offsets(%dma_start3A_295 : memref<128xi32, #tpu.memory_space<vmem>>) semaphore(%arg22 : memref<!tpu.dma_semaphore, #tpu.memory_space<semaphore_mem>>)
      } else {
      }
    }
    %scan3A_42 = arith.constant 20 : i32
    %dma_wait3A = arith.constant 0 : i32
    %dma_wait3A_43 = arith.constant 0 : i32
    %dma_wait3A_44 = tpu.memref_slice %arg7[%dma_wait3A, %dma_wait3A_43] : memref<160x128xi32, #tpu.memory_space<vmem>> -> memref<1x128xi32, #tpu.memory_space<vmem>>
    %dma_wait3A_45 = tpu.memref_squeeze %dma_wait3A_44 : memref<1x128xi32, #tpu.memory_space<vmem>> -> memref<128xi32, #tpu.memory_space<vmem>>
    %dma_wait3A_46 = arith.constant 0 : i32
    %dma_wait3A_47 = arith.constant 0 : i32
    %dma_wait3A_48 = tpu.memref_slice %arg17[%dma_wait3A_46, %dma_wait3A_47] : memref<10240x24xf32, #tpu.memory_space<vmem_shared>> -> memref<10240x24xf32, #tpu.memory_space<vmem_shared>>
    tpu.wait_indirect_dma semaphore(%arg31 : memref<!tpu.dma_semaphore, #tpu.memory_space<semaphore_mem>>) src(%arg12 : memref<128x24xf32, #tpu.memory_space<vmem>>) dst(%dma_wait3A_48 : memref<10240x24xf32, #tpu.memory_space<vmem_shared>>)
    %dma_wait3A_49 = arith.constant 0 : i32
    %dma_wait3A_50 = arith.constant 0 : i32
    %dma_wait3A_51 = tpu.memref_slice %arg7[%dma_wait3A_49, %dma_wait3A_50] : memref<160x128xi32, #tpu.memory_space<vmem>> -> memref<1x128xi32, #tpu.memory_space<vmem>>
    %dma_wait3A_52 = tpu.memref_squeeze %dma_wait3A_51 : memref<1x128xi32, #tpu.memory_space<vmem>> -> memref<128xi32, #tpu.memory_space<vmem>>
    %dma_wait3A_53 = arith.constant 0 : i32
    %dma_wait3A_54 = arith.constant 0 : i32
    %dma_wait3A_55 = tpu.memref_slice %arg17[%dma_wait3A_53, %dma_wait3A_54] : memref<10240x24xf32, #tpu.memory_space<vmem_shared>> -> memref<10240x24xf32, #tpu.memory_space<vmem_shared>>
    tpu.wait_indirect_dma semaphore(%arg32 : memref<!tpu.dma_semaphore, #tpu.memory_space<semaphore_mem>>) src(%arg13 : memref<128x24xf32, #tpu.memory_space<vmem>>) dst(%dma_wait3A_55 : memref<10240x24xf32, #tpu.memory_space<vmem_shared>>)
    %dma_wait3A_56 = arith.constant 0 : i32
    %dma_wait3A_57 = arith.constant 0 : i32
    %dma_wait3A_58 = tpu.memref_slice %arg7[%dma_wait3A_56, %dma_wait3A_57] : memref<160x128xi32, #tpu.memory_space<vmem>> -> memref<1x128xi32, #tpu.memory_space<vmem>>
    %dma_wait3A_59 = tpu.memref_squeeze %dma_wait3A_58 : memref<1x128xi32, #tpu.memory_space<vmem>> -> memref<128xi32, #tpu.memory_space<vmem>>
    %dma_wait3A_60 = arith.constant 0 : i32
    %dma_wait3A_61 = arith.constant 0 : i32
    %dma_wait3A_62 = tpu.memref_slice %arg17[%dma_wait3A_60, %dma_wait3A_61] : memref<10240x24xf32, #tpu.memory_space<vmem_shared>> -> memref<10240x24xf32, #tpu.memory_space<vmem_shared>>
    tpu.wait_indirect_dma semaphore(%arg33 : memref<!tpu.dma_semaphore, #tpu.memory_space<semaphore_mem>>) src(%arg14 : memref<128x24xf32, #tpu.memory_space<vmem>>) dst(%dma_wait3A_62 : memref<10240x24xf32, #tpu.memory_space<vmem_shared>>)
    %dma_wait3A_63 = arith.constant 0 : i32
    %dma_wait3A_64 = arith.constant 0 : i32
    %dma_wait3A_65 = tpu.memref_slice %arg7[%dma_wait3A_63, %dma_wait3A_64] : memref<160x128xi32, #tpu.memory_space<vmem>> -> memref<1x128xi32, #tpu.memory_space<vmem>>
    %dma_wait3A_66 = tpu.memref_squeeze %dma_wait3A_65 : memref<1x128xi32, #tpu.memory_space<vmem>> -> memref<128xi32, #tpu.memory_space<vmem>>
    %dma_wait3A_67 = arith.constant 0 : i32
    %dma_wait3A_68 = arith.constant 0 : i32
    %dma_wait3A_69 = tpu.memref_slice %arg17[%dma_wait3A_67, %dma_wait3A_68] : memref<10240x24xf32, #tpu.memory_space<vmem_shared>> -> memref<10240x24xf32, #tpu.memory_space<vmem_shared>>
    tpu.wait_indirect_dma semaphore(%arg34 : memref<!tpu.dma_semaphore, #tpu.memory_space<semaphore_mem>>) src(%arg15 : memref<128x24xf32, #tpu.memory_space<vmem>>) dst(%dma_wait3A_69 : memref<10240x24xf32, #tpu.memory_space<vmem_shared>>)
    %barrier3A_70 = arith.constant 0 : index
    tpu.barrier barrier_id(%barrier3A_70)
    %mul3A_71 = arith.constant 640 : i32
    %mul3A_72 = arith.muli %arg1, %mul3A_71 : i32
    %mul3A_73 = arith.constant 640 : i32
    %mul3A_74 = arith.muli %arg1, %mul3A_73 : i32
    "tpu.region"() ({
      %run_scoped3A = tpu.sem_alloc : memref<!tpu.dma_semaphore, #tpu.memory_space<semaphore_mem>>
      %dma_start3A_75 = arith.constant 0 : i32
      %dma_start3A_76 = tpu.memref_slice %arg5[%arg0, %mul3A_74, %dma_start3A_75] : memref<2x10240x24xf32, #tpu.memory_space<hbm>> -> memref<1x640x24xf32, #tpu.memory_space<hbm>>
      %dma_start3A_77 = tpu.memref_squeeze %dma_start3A_76 : memref<1x640x24xf32, #tpu.memory_space<hbm>> -> memref<640x24xf32, #tpu.memory_space<hbm>>
      %dma_start3A_78 = arith.constant 0 : i32
      %dma_start3A_79 = tpu.memref_slice %arg17[%mul3A_72, %dma_start3A_78] : memref<10240x24xf32, #tpu.memory_space<vmem_shared>> -> memref<640x24xf32, #tpu.memory_space<vmem_shared>>
      tpu.enqueue_dma source(%dma_start3A_79 : memref<640x24xf32, #tpu.memory_space<vmem_shared>>) target(%dma_start3A_77 : memref<640x24xf32, #tpu.memory_space<hbm>>) target_semaphore(%run_scoped3A : memref<!tpu.dma_semaphore, #tpu.memory_space<semaphore_mem>>)
      %dma_wait3A_80 = arith.constant 0 : i32
      %dma_wait3A_81 = tpu.memref_slice %arg5[%arg0, %mul3A_74, %dma_wait3A_80] : memref<2x10240x24xf32, #tpu.memory_space<hbm>> -> memref<1x640x24xf32, #tpu.memory_space<hbm>>
      %dma_wait3A_82 = tpu.memref_squeeze %dma_wait3A_81 : memref<1x640x24xf32, #tpu.memory_space<hbm>> -> memref<640x24xf32, #tpu.memory_space<hbm>>
      %dma_wait3A_83 = arith.constant 0 : i32
      %dma_wait3A_84 = tpu.memref_slice %arg17[%mul3A_72, %dma_wait3A_83] : memref<10240x24xf32, #tpu.memory_space<vmem_shared>> -> memref<640x24xf32, #tpu.memory_space<vmem_shared>>
      tpu.wait_dma2 semaphore(%run_scoped3A : memref<!tpu.dma_semaphore, #tpu.memory_space<semaphore_mem>>) src(%dma_wait3A_84 : memref<640x24xf32, #tpu.memory_space<vmem_shared>>) dst(%dma_wait3A_82 : memref<640x24xf32, #tpu.memory_space<hbm>>)
      tpu.yield
    }) : () -> ()
    return
  }
}

#map = affine_map<(d0, d1) -> (0, 0)>
module attributes {stable_mosaic.version = 14 : i64} {
  func.func @_deg(%arg0: i32, %arg1: i32, %arg2: memref<2560x128xi32, #tpu.memory_space<hbm>>, %arg3: memref<32x10240xf32, #tpu.memory_space<hbm>>, %arg4: memref<80x128xi32, #tpu.memory_space<vmem>>, %arg5: memref<10240xf32, #tpu.memory_space<vmem>>) attributes {dimension_semantics = [#tpu.dimension_semantics<core_parallel>, #tpu.dimension_semantics<subcore_parallel>], iteration_bounds = array<i64: 2, 16>, scalar_prefetch = 0 : i64, scratch_operands = 2 : i64, tpu.core_type = #tpu.core_type<sc_vector_subcore>, window_params = [{transform_indices = #map}, {transform_indices = #map}]} {
    %mul3A = arith.constant 2 : i32
    %mul3A_0 = arith.muli %arg1, %mul3A : i32
    %add3A = arith.addi %mul3A_0, %arg0 : i32
    %scan3A = arith.constant 0 : i32
    %scan3A_1 = arith.constant 0 : i32
    %scan3A_2 = arith.constant 640 : i32
    %scan3A_3 = arith.addi %scan3A_1, %scan3A_2 : i32
    %scan3A_4 = arith.constant 1 : i32
    scf.for %scan3A_15 = %scan3A_1 to %scan3A_3 step %scan3A_4  : i32 {
      %broadcast_in_dim3A_16 = arith.constant 0.000000e+00 : f32
      %broadcast_in_dim3A_17 = vector.broadcast %broadcast_in_dim3A_16 : f32 to vector<16xf32>
      %mul3A_18 = arith.constant 16 : i32
      %mul3A_19 = arith.muli %scan3A_15, %mul3A_18 : i32
      %swap3A = arith.index_cast %mul3A_19 : i32 to index
      %swap3A_20 = tpu.vector_load %arg5[%swap3A] {strides = array<i32>} : memref<10240xf32, #tpu.memory_space<vmem>>, vector<16xf32>,
      tpu.vector_store %arg5[%swap3A], %broadcast_in_dim3A_17 {strides = array<i32>} : memref<10240xf32, #tpu.memory_space<vmem>>, vector<16xf32>,
    }
    %scan3A_5 = arith.constant 640 : i32
    %mul3A_6 = arith.constant 80 : i32
    %mul3A_7 = arith.muli %add3A, %mul3A_6 : i32
    "tpu.region"() ({
      %run_scoped3A = tpu.sem_alloc : memref<!tpu.dma_semaphore, #tpu.memory_space<semaphore_mem>>
      %dma_start3A = arith.constant 0 : i32
      %dma_start3A_15 = tpu.memref_slice %arg2[%mul3A_7, %dma_start3A] : memref<2560x128xi32, #tpu.memory_space<hbm>> -> memref<80x128xi32, #tpu.memory_space<hbm>>
      %dma_start3A_16 = arith.constant 0 : i32
      %dma_start3A_17 = tpu.memref_slice %arg2[%mul3A_7, %dma_start3A_16] : memref<2560x128xi32, #tpu.memory_space<hbm>> -> memref<80x128xi32, #tpu.memory_space<hbm>>
      tpu.enqueue_dma source(%dma_start3A_17 : memref<80x128xi32, #tpu.memory_space<hbm>>) target(%arg4 : memref<80x128xi32, #tpu.memory_space<vmem>>) target_semaphore(%run_scoped3A : memref<!tpu.dma_semaphore, #tpu.memory_space<semaphore_mem>>)
      %dma_wait3A = arith.constant 0 : i32
      %dma_wait3A_18 = tpu.memref_slice %arg2[%mul3A_7, %dma_wait3A] : memref<2560x128xi32, #tpu.memory_space<hbm>> -> memref<80x128xi32, #tpu.memory_space<hbm>>
      %dma_wait3A_19 = arith.constant 0 : i32
      %dma_wait3A_20 = tpu.memref_slice %arg2[%mul3A_7, %dma_wait3A_19] : memref<2560x128xi32, #tpu.memory_space<hbm>> -> memref<80x128xi32, #tpu.memory_space<hbm>>
      tpu.wait_dma2 semaphore(%run_scoped3A : memref<!tpu.dma_semaphore, #tpu.memory_space<semaphore_mem>>) src(%dma_wait3A_20 : memref<80x128xi32, #tpu.memory_space<hbm>>) dst(%arg4 : memref<80x128xi32, #tpu.memory_space<vmem>>)
      tpu.yield
    }) : () -> ()
    %broadcast_in_dim3A = arith.constant 1.000000e+00 : f32
    %broadcast_in_dim3A_8 = vector.broadcast %broadcast_in_dim3A : f32 to vector<16xf32>
    %scan3A_9 = arith.constant 0 : i32
    %scan3A_10 = arith.constant 0 : i32
    %scan3A_11 = arith.constant 80 : i32
    %scan3A_12 = arith.addi %scan3A_10, %scan3A_11 : i32
    %scan3A_13 = arith.constant 1 : i32
    scf.for %scan3A_15 = %scan3A_10 to %scan3A_12 step %scan3A_13  : i32 {
      %scan3A_16 = arith.constant 0 : i32
      %scan3A_17 = arith.constant 0 : i32
      %scan3A_18 = arith.constant 8 : i32
      %scan3A_19 = arith.addi %scan3A_17, %scan3A_18 : i32
      %scan3A_20 = arith.constant 1 : i32
      scf.for %scan3A_22 = %scan3A_17 to %scan3A_19 step %scan3A_20  : i32 {
        %mul3A_23 = arith.constant 16 : i32
        %mul3A_24 = arith.muli %scan3A_22, %mul3A_23 : i32
        %get3A = arith.index_cast %scan3A_15 : i32 to index
        %get3A_25 = arith.index_cast %mul3A_24 : i32 to index
        %get3A_26 = tpu.vector_load %arg4[%get3A, %get3A_25] {strides = array<i32>} : memref<80x128xi32, #tpu.memory_space<vmem>>, vector<16xi32>,
        tpu.vector_store_idx %arg5[%get3A_26], %broadcast_in_dim3A_8 {add = true} : memref<10240xf32, #tpu.memory_space<vmem>>[vector<16xi32>], vector<16xf32>,
      }
      %scan3A_21 = arith.constant 8 : i32
    }
    %scan3A_14 = arith.constant 80 : i32
    "tpu.region"() ({
      %run_scoped3A = tpu.sem_alloc : memref<!tpu.dma_semaphore, #tpu.memory_space<semaphore_mem>>
      %dma_start3A = arith.constant 0 : i32
      %dma_start3A_15 = tpu.memref_slice %arg3[%add3A, %dma_start3A] : memref<32x10240xf32, #tpu.memory_space<hbm>> -> memref<1x10240xf32, #tpu.memory_space<hbm>>
      %dma_start3A_16 = tpu.memref_squeeze %dma_start3A_15 : memref<1x10240xf32, #tpu.memory_space<hbm>> -> memref<10240xf32, #tpu.memory_space<hbm>>
      %dma_start3A_17 = arith.constant 0 : i32
      %dma_start3A_18 = tpu.memref_slice %arg3[%add3A, %dma_start3A_17] : memref<32x10240xf32, #tpu.memory_space<hbm>> -> memref<1x10240xf32, #tpu.memory_space<hbm>>
      %dma_start3A_19 = tpu.memref_squeeze %dma_start3A_18 : memref<1x10240xf32, #tpu.memory_space<hbm>> -> memref<10240xf32, #tpu.memory_space<hbm>>
      tpu.enqueue_dma source(%arg5 : memref<10240xf32, #tpu.memory_space<vmem>>) target(%dma_start3A_19 : memref<10240xf32, #tpu.memory_space<hbm>>) target_semaphore(%run_scoped3A : memref<!tpu.dma_semaphore, #tpu.memory_space<semaphore_mem>>)
      %dma_wait3A = arith.constant 0 : i32
      %dma_wait3A_20 = tpu.memref_slice %arg3[%add3A, %dma_wait3A] : memref<32x10240xf32, #tpu.memory_space<hbm>> -> memref<1x10240xf32, #tpu.memory_space<hbm>>
      %dma_wait3A_21 = tpu.memref_squeeze %dma_wait3A_20 : memref<1x10240xf32, #tpu.memory_space<hbm>> -> memref<10240xf32, #tpu.memory_space<hbm>>
      %dma_wait3A_22 = arith.constant 0 : i32
      %dma_wait3A_23 = tpu.memref_slice %arg3[%add3A, %dma_wait3A_22] : memref<32x10240xf32, #tpu.memory_space<hbm>> -> memref<1x10240xf32, #tpu.memory_space<hbm>>
      %dma_wait3A_24 = tpu.memref_squeeze %dma_wait3A_23 : memref<1x10240xf32, #tpu.memory_space<hbm>> -> memref<10240xf32, #tpu.memory_space<hbm>>
      tpu.wait_dma2 semaphore(%run_scoped3A : memref<!tpu.dma_semaphore, #tpu.memory_space<semaphore_mem>>) src(%arg5 : memref<10240xf32, #tpu.memory_space<vmem>>) dst(%dma_wait3A_24 : memref<10240xf32, #tpu.memory_space<hbm>>)
      tpu.yield
    }) : () -> ()
    return
  }
}

#map = affine_map<(d0, d1) -> (0)>
#map1 = affine_map<(d0, d1) -> (0, 0)>
#map2 = affine_map<(d0, d1) -> (0, 0, 0)>
module attributes {stable_mosaic.version = 14 : i64} {
  func.func @_hop(%arg0: i32, %arg1: i32, %arg2: memref<327680xi32, #tpu.memory_space<hbm>>, %arg3: memref<2560x128xi32, #tpu.memory_space<hbm>>, %arg4: memref<2x10240x24xf32, #tpu.memory_space<hbm>>, %arg5: memref<2x10240x24xf32, #tpu.memory_space<hbm>>, %arg6: memref<20480xi32, #tpu.memory_space<vmem>>, %arg7: memref<160x128xi32, #tpu.memory_space<vmem>>, %arg8: memref<128x24xf32, #tpu.memory_space<vmem>>, %arg9: memref<128x24xf32, #tpu.memory_space<vmem>>, %arg10: memref<128x24xf32, #tpu.memory_space<vmem>>, %arg11: memref<128x24xf32, #tpu.memory_space<vmem>>, %arg12: memref<128x24xf32, #tpu.memory_space<vmem>>, %arg13: memref<128x24xf32, #tpu.memory_space<vmem>>, %arg14: memref<128x24xf32, #tpu.memory_space<vmem>>, %arg15: memref<128x24xf32, #tpu.memory_space<vmem>>, %arg16: memref<128x24xf32, #tpu.memory_space<vmem>>, %arg17: memref<10240x24xf32, #tpu.memory_space<vmem_shared>>, %arg18: memref<10240x24xf32, #tpu.memory_space<vmem_shared>>, %arg19: memref<!tpu.dma_semaphore, #tpu.memory_space<semaphore_mem>>, %arg20: memref<!tpu.dma_semaphore, #tpu.memory_space<semaphore_mem>>, %arg21: memref<!tpu.dma_semaphore, #tpu.memory_space<semaphore_mem>>, %arg22: memref<!tpu.dma_semaphore, #tpu.memory_space<semaphore_mem>>, %arg23: memref<!tpu.dma_semaphore, #tpu.memory_space<semaphore_mem>>, %arg24: memref<!tpu.dma_semaphore, #tpu.memory_space<semaphore_mem>>, %arg25: memref<!tpu.dma_semaphore, #tpu.memory_space<semaphore_mem>>, %arg26: memref<!tpu.dma_semaphore, #tpu.memory_space<semaphore_mem>>, %arg27: memref<!tpu.dma_semaphore, #tpu.memory_space<semaphore_mem>>, %arg28: memref<!tpu.dma_semaphore, #tpu.memory_space<semaphore_mem>>, %arg29: memref<!tpu.dma_semaphore, #tpu.memory_space<semaphore_mem>>, %arg30: memref<!tpu.dma_semaphore, #tpu.memory_space<semaphore_mem>>, %arg31: memref<!tpu.dma_semaphore, #tpu.memory_space<semaphore_mem>>, %arg32: memref<!tpu.dma_semaphore, #tpu.memory_space<semaphore_mem>>, %arg33: memref<!tpu.dma_semaphore, #tpu.memory_space<semaphore_mem>>, %arg34: memref<!tpu.dma_semaphore, #tpu.memory_space<semaphore_mem>>) attributes {dimension_semantics = [#tpu.dimension_semantics<core_parallel>, #tpu.dimension_semantics<subcore_parallel>], iteration_bounds = array<i64: 2, 16>, scalar_prefetch = 0 : i64, scratch_operands = 29 : i64, tpu.core_type = #tpu.core_type<sc_vector_subcore>, window_params = [{transform_indices = #map}, {transform_indices = #map1}, {transform_indices = #map2}, {transform_indices = #map2}]} {
    %mul3A = arith.constant 20480 : i32
    %mul3A_0 = arith.muli %arg1, %mul3A : i32
    "tpu.region"() ({
      %run_scoped3A = tpu.sem_alloc : memref<!tpu.dma_semaphore, #tpu.memory_space<semaphore_mem>>
      %dma_start3A_75 = tpu.memref_slice %arg2[%mul3A_0] : memref<327680xi32, #tpu.memory_space<hbm>> -> memref<20480xi32, #tpu.memory_space<hbm>>
      %dma_start3A_76 = tpu.memref_slice %arg2[%mul3A_0] : memref<327680xi32, #tpu.memory_space<hbm>> -> memref<20480xi32, #tpu.memory_space<hbm>>
      tpu.enqueue_dma source(%dma_start3A_76 : memref<20480xi32, #tpu.memory_space<hbm>>) target(%arg6 : memref<20480xi32, #tpu.memory_space<vmem>>) target_semaphore(%run_scoped3A : memref<!tpu.dma_semaphore, #tpu.memory_space<semaphore_mem>>)
      %dma_wait3A_77 = tpu.memref_slice %arg2[%mul3A_0] : memref<327680xi32, #tpu.memory_space<hbm>> -> memref<20480xi32, #tpu.memory_space<hbm>>
      %dma_wait3A_78 = tpu.memref_slice %arg2[%mul3A_0] : memref<327680xi32, #tpu.memory_space<hbm>> -> memref<20480xi32, #tpu.memory_space<hbm>>
      tpu.wait_dma2 semaphore(%run_scoped3A : memref<!tpu.dma_semaphore, #tpu.memory_space<semaphore_mem>>) src(%dma_wait3A_78 : memref<20480xi32, #tpu.memory_space<hbm>>) dst(%arg6 : memref<20480xi32, #tpu.memory_space<vmem>>)
      tpu.yield
    }) : () -> ()
    %mul3A_1 = arith.constant 160 : i32
    %mul3A_2 = arith.muli %arg1, %mul3A_1 : i32
    "tpu.region"() ({
      %run_scoped3A = tpu.sem_alloc : memref<!tpu.dma_semaphore, #tpu.memory_space<semaphore_mem>>
      %dma_start3A_75 = arith.constant 0 : i32
      %dma_start3A_76 = tpu.memref_slice %arg3[%mul3A_2, %dma_start3A_75] : memref<2560x128xi32, #tpu.memory_space<hbm>> -> memref<160x128xi32, #tpu.memory_space<hbm>>
      %dma_start3A_77 = arith.constant 0 : i32
      %dma_start3A_78 = tpu.memref_slice %arg3[%mul3A_2, %dma_start3A_77] : memref<2560x128xi32, #tpu.memory_space<hbm>> -> memref<160x128xi32, #tpu.memory_space<hbm>>
      tpu.enqueue_dma source(%dma_start3A_78 : memref<160x128xi32, #tpu.memory_space<hbm>>) target(%arg7 : memref<160x128xi32, #tpu.memory_space<vmem>>) target_semaphore(%run_scoped3A : memref<!tpu.dma_semaphore, #tpu.memory_space<semaphore_mem>>)
      %dma_wait3A_79 = arith.constant 0 : i32
      %dma_wait3A_80 = tpu.memref_slice %arg3[%mul3A_2, %dma_wait3A_79] : memref<2560x128xi32, #tpu.memory_space<hbm>> -> memref<160x128xi32, #tpu.memory_space<hbm>>
      %dma_wait3A_81 = arith.constant 0 : i32
      %dma_wait3A_82 = tpu.memref_slice %arg3[%mul3A_2, %dma_wait3A_81] : memref<2560x128xi32, #tpu.memory_space<hbm>> -> memref<160x128xi32, #tpu.memory_space<hbm>>
      tpu.wait_dma2 semaphore(%run_scoped3A : memref<!tpu.dma_semaphore, #tpu.memory_space<semaphore_mem>>) src(%dma_wait3A_82 : memref<160x128xi32, #tpu.memory_space<hbm>>) dst(%arg7 : memref<160x128xi32, #tpu.memory_space<vmem>>)
      tpu.yield
    }) : () -> ()
    %mul3A_3 = arith.constant 640 : i32
    %mul3A_4 = arith.muli %arg1, %mul3A_3 : i32
    %mul3A_5 = arith.constant 640 : i32
    %mul3A_6 = arith.muli %arg1, %mul3A_5 : i32
    "tpu.region"() ({
      %run_scoped3A = tpu.sem_alloc : memref<!tpu.dma_semaphore, #tpu.memory_space<semaphore_mem>>
      %dma_start3A_75 = arith.constant 0 : i32
      %dma_start3A_76 = tpu.memref_slice %arg18[%mul3A_6, %dma_start3A_75] : memref<10240x24xf32, #tpu.memory_space<vmem_shared>> -> memref<640x24xf32, #tpu.memory_space<vmem_shared>>
      %dma_start3A_77 = arith.constant 0 : i32
      %dma_start3A_78 = tpu.memref_slice %arg4[%arg0, %mul3A_4, %dma_start3A_77] : memref<2x10240x24xf32, #tpu.memory_space<hbm>> -> memref<1x640x24xf32, #tpu.memory_space<hbm>>
      %dma_start3A_79 = tpu.memref_squeeze %dma_start3A_78 : memref<1x640x24xf32, #tpu.memory_space<hbm>> -> memref<640x24xf32, #tpu.memory_space<hbm>>
      tpu.enqueue_dma source(%dma_start3A_79 : memref<640x24xf32, #tpu.memory_space<hbm>>) target(%dma_start3A_76 : memref<640x24xf32, #tpu.memory_space<vmem_shared>>) target_semaphore(%run_scoped3A : memref<!tpu.dma_semaphore, #tpu.memory_space<semaphore_mem>>)
      %dma_wait3A_80 = arith.constant 0 : i32
      %dma_wait3A_81 = tpu.memref_slice %arg18[%mul3A_6, %dma_wait3A_80] : memref<10240x24xf32, #tpu.memory_space<vmem_shared>> -> memref<640x24xf32, #tpu.memory_space<vmem_shared>>
      %dma_wait3A_82 = arith.constant 0 : i32
      %dma_wait3A_83 = tpu.memref_slice %arg4[%arg0, %mul3A_4, %dma_wait3A_82] : memref<2x10240x24xf32, #tpu.memory_space<hbm>> -> memref<1x640x24xf32, #tpu.memory_space<hbm>>
      %dma_wait3A_84 = tpu.memref_squeeze %dma_wait3A_83 : memref<1x640x24xf32, #tpu.memory_space<hbm>> -> memref<640x24xf32, #tpu.memory_space<hbm>>
      tpu.wait_dma2 semaphore(%run_scoped3A : memref<!tpu.dma_semaphore, #tpu.memory_space<semaphore_mem>>) src(%dma_wait3A_84 : memref<640x24xf32, #tpu.memory_space<hbm>>) dst(%dma_wait3A_81 : memref<640x24xf32, #tpu.memory_space<vmem_shared>>)
      tpu.yield
    }) : () -> ()
    %scan3A = arith.constant 0 : i32
    %scan3A_7 = arith.constant 0 : i32
    %scan3A_8 = arith.constant 128 : i32
    %scan3A_9 = arith.addi %scan3A_7, %scan3A_8 : i32
    %scan3A_10 = arith.constant 1 : i32
    scf.for %scan3A_75 = %scan3A_7 to %scan3A_9 step %scan3A_10  : i32 {
      %broadcast_in_dim3A = arith.constant 0.000000e+00 : f32
      %broadcast_in_dim3A_76 = vector.broadcast %broadcast_in_dim3A : f32 to vector<16xf32>
      %swap3A = arith.index_cast %scan3A_75 : i32 to index
      %swap3A_77 = arith.constant 0 : index
      %swap3A_78 = tpu.vector_load %arg16[%swap3A, %swap3A_77] {strides = array<i32>} : memref<128x24xf32, #tpu.memory_space<vmem>>, vector<1x16xf32>,
      %swap3A_79 = vector.shape_cast %swap3A_78 : vector<1x16xf32> to vector<16xf32>
      %swap3A_80 = vector.shape_cast %broadcast_in_dim3A_76 : vector<16xf32> to vector<1x16xf32>
      tpu.vector_store %arg16[%swap3A, %swap3A_77], %swap3A_80 {strides = array<i32>} : memref<128x24xf32, #tpu.memory_space<vmem>>, vector<1x16xf32>,
      %broadcast_in_dim3A_81 = arith.constant 0.000000e+00 : f32
      %broadcast_in_dim3A_82 = vector.broadcast %broadcast_in_dim3A_81 : f32 to vector<16xf32>
      %swap3A_83 = arith.index_cast %scan3A_75 : i32 to index
      %swap3A_84 = arith.constant 8 : index
      %swap3A_85 = tpu.vector_load %arg16[%swap3A_83, %swap3A_84] {strides = array<i32>} : memref<128x24xf32, #tpu.memory_space<vmem>>, vector<1x16xf32>,
      %swap3A_86 = vector.shape_cast %swap3A_85 : vector<1x16xf32> to vector<16xf32>
      %swap3A_87 = vector.shape_cast %broadcast_in_dim3A_82 : vector<16xf32> to vector<1x16xf32>
      tpu.vector_store %arg16[%swap3A_83, %swap3A_84], %swap3A_87 {strides = array<i32>} : memref<128x24xf32, #tpu.memory_space<vmem>>, vector<1x16xf32>,
    }
    %scan3A_11 = arith.constant 128 : i32
    %scan3A_12 = arith.constant 0 : i32
    %scan3A_13 = arith.constant 0 : i32
    %scan3A_14 = arith.constant 5 : i32
    %scan3A_15 = arith.addi %scan3A_13, %scan3A_14 : i32
    %scan3A_16 = arith.constant 1 : i32
    scf.for %scan3A_75 = %scan3A_13 to %scan3A_15 step %scan3A_16  : i32 {
      %mul3A_76 = arith.constant 640 : i32
      %mul3A_77 = arith.muli %arg1, %mul3A_76 : i32
      %mul3A_78 = arith.constant 128 : i32
      %mul3A_79 = arith.muli %scan3A_75, %mul3A_78 : i32
      %add3A = arith.addi %mul3A_77, %mul3A_79 : i32
      "tpu.region"() ({
        %run_scoped3A = tpu.sem_alloc : memref<!tpu.dma_semaphore, #tpu.memory_space<semaphore_mem>>
        %dma_start3A_80 = arith.constant 0 : i32
        %dma_start3A_81 = tpu.memref_slice %arg17[%add3A, %dma_start3A_80] : memref<10240x24xf32, #tpu.memory_space<vmem_shared>> -> memref<128x24xf32, #tpu.memory_space<vmem_shared>>
        %dma_start3A_82 = arith.constant 0 : i32
        %dma_start3A_83 = tpu.memref_slice %arg17[%add3A, %dma_start3A_82] : memref<10240x24xf32, #tpu.memory_space<vmem_shared>> -> memref<128x24xf32, #tpu.memory_space<vmem_shared>>
        tpu.enqueue_dma source(%arg16 : memref<128x24xf32, #tpu.memory_space<vmem>>) target(%dma_start3A_83 : memref<128x24xf32, #tpu.memory_space<vmem_shared>>) target_semaphore(%run_scoped3A : memref<!tpu.dma_semaphore, #tpu.memory_space<semaphore_mem>>)
        %dma_wait3A_84 = arith.constant 0 : i32
        %dma_wait3A_85 = tpu.memref_slice %arg17[%add3A, %dma_wait3A_84] : memref<10240x24xf32, #tpu.memory_space<vmem_shared>> -> memref<128x24xf32, #tpu.memory_space<vmem_shared>>
        %dma_wait3A_86 = arith.constant 0 : i32
        %dma_wait3A_87 = tpu.memref_slice %arg17[%add3A, %dma_wait3A_86] : memref<10240x24xf32, #tpu.memory_space<vmem_shared>> -> memref<128x24xf32, #tpu.memory_space<vmem_shared>>
        tpu.wait_dma2 semaphore(%run_scoped3A : memref<!tpu.dma_semaphore, #tpu.memory_space<semaphore_mem>>) src(%arg16 : memref<128x24xf32, #tpu.memory_space<vmem>>) dst(%dma_wait3A_87 : memref<128x24xf32, #tpu.memory_space<vmem_shared>>)
        tpu.yield
      }) : () -> ()
    }
    %scan3A_17 = arith.constant 5 : i32
    %barrier3A = arith.constant 0 : index
    tpu.barrier barrier_id(%barrier3A)
    %dma_start3A = arith.constant 0 : i32
    %dma_start3A_18 = tpu.memref_slice %arg6[%dma_start3A] : memref<20480xi32, #tpu.memory_space<vmem>> -> memref<128xi32, #tpu.memory_space<vmem>>
    %dma_start3A_19 = arith.constant 0 : i32
    %dma_start3A_20 = arith.constant 0 : i32
    %dma_start3A_21 = tpu.memref_slice %arg18[%dma_start3A_19, %dma_start3A_20] : memref<10240x24xf32, #tpu.memory_space<vmem_shared>> -> memref<10240x24xf32, #tpu.memory_space<vmem_shared>>
    tpu.enqueue_indirect_dma source(%dma_start3A_21 : memref<10240x24xf32, #tpu.memory_space<vmem_shared>>) target(%arg8 : memref<128x24xf32, #tpu.memory_space<vmem>>) offsets(%dma_start3A_18 : memref<128xi32, #tpu.memory_space<vmem>>) semaphore(%arg19 : memref<!tpu.dma_semaphore, #tpu.memory_space<semaphore_mem>>)
    %dma_start3A_22 = arith.constant 128 : i32
    %dma_start3A_23 = tpu.memref_slice %arg6[%dma_start3A_22] : memref<20480xi32, #tpu.memory_space<vmem>> -> memref<128xi32, #tpu.memory_space<vmem>>
    %dma_start3A_24 = arith.constant 0 : i32
    %dma_start3A_25 = arith.constant 0 : i32
    %dma_start3A_26 = tpu.memref_slice %arg18[%dma_start3A_24, %dma_start3A_25] : memref<10240x24xf32, #tpu.memory_space<vmem_shared>> -> memref<10240x24xf32, #tpu.memory_space<vmem_shared>>
    tpu.enqueue_indirect_dma source(%dma_start3A_26 : memref<10240x24xf32, #tpu.memory_space<vmem_shared>>) target(%arg9 : memref<128x24xf32, #tpu.memory_space<vmem>>) offsets(%dma_start3A_23 : memref<128xi32, #tpu.memory_space<vmem>>) semaphore(%arg20 : memref<!tpu.dma_semaphore, #tpu.memory_space<semaphore_mem>>)
    %dma_start3A_27 = arith.constant 256 : i32
    %dma_start3A_28 = tpu.memref_slice %arg6[%dma_start3A_27] : memref<20480xi32, #tpu.memory_space<vmem>> -> memref<128xi32, #tpu.memory_space<vmem>>
    %dma_start3A_29 = arith.constant 0 : i32
    %dma_start3A_30 = arith.constant 0 : i32
    %dma_start3A_31 = tpu.memref_slice %arg18[%dma_start3A_29, %dma_start3A_30] : memref<10240x24xf32, #tpu.memory_space<vmem_shared>> -> memref<10240x24xf32, #tpu.memory_space<vmem_shared>>
    tpu.enqueue_indirect_dma source(%dma_start3A_31 : memref<10240x24xf32, #tpu.memory_space<vmem_shared>>) target(%arg10 : memref<128x24xf32, #tpu.memory_space<vmem>>) offsets(%dma_start3A_28 : memref<128xi32, #tpu.memory_space<vmem>>) semaphore(%arg21 : memref<!tpu.dma_semaphore, #tpu.memory_space<semaphore_mem>>)
    %dma_start3A_32 = arith.constant 384 : i32
    %dma_start3A_33 = tpu.memref_slice %arg6[%dma_start3A_32] : memref<20480xi32, #tpu.memory_space<vmem>> -> memref<128xi32, #tpu.memory_space<vmem>>
    %dma_start3A_34 = arith.constant 0 : i32
    %dma_start3A_35 = arith.constant 0 : i32
    %dma_start3A_36 = tpu.memref_slice %arg18[%dma_start3A_34, %dma_start3A_35] : memref<10240x24xf32, #tpu.memory_space<vmem_shared>> -> memref<10240x24xf32, #tpu.memory_space<vmem_shared>>
    tpu.enqueue_indirect_dma source(%dma_start3A_36 : memref<10240x24xf32, #tpu.memory_space<vmem_shared>>) target(%arg11 : memref<128x24xf32, #tpu.memory_space<vmem>>) offsets(%dma_start3A_33 : memref<128xi32, #tpu.memory_space<vmem>>) semaphore(%arg22 : memref<!tpu.dma_semaphore, #tpu.memory_space<semaphore_mem>>)
    %scan3A_37 = arith.constant 0 : i32
    %scan3A_38 = arith.constant 0 : i32
    %scan3A_39 = arith.constant 20 : i32
    %scan3A_40 = arith.addi %scan3A_38, %scan3A_39 : i32
    %scan3A_41 = arith.constant 1 : i32
    scf.for %scan3A_75 = %scan3A_38 to %scan3A_40 step %scan3A_41  : i32 {
      %mul3A_76 = arith.constant 8 : i32
      %mul3A_77 = arith.muli %scan3A_75, %mul3A_76 : i32
      %add3A = arith.constant 0 : i32
      %add3A_78 = arith.addi %mul3A_77, %add3A : i32
      %dma_wait3A_79 = arith.constant 0 : i32
      %dma_wait3A_80 = tpu.memref_slice %arg6[%dma_wait3A_79] : memref<20480xi32, #tpu.memory_space<vmem>> -> memref<128xi32, #tpu.memory_space<vmem>>
      %dma_wait3A_81 = arith.constant 0 : i32
      %dma_wait3A_82 = arith.constant 0 : i32
      %dma_wait3A_83 = tpu.memref_slice %arg18[%dma_wait3A_81, %dma_wait3A_82] : memref<10240x24xf32, #tpu.memory_space<vmem_shared>> -> memref<10240x24xf32, #tpu.memory_space<vmem_shared>>
      tpu.wait_indirect_dma semaphore(%arg19 : memref<!tpu.dma_semaphore, #tpu.memory_space<semaphore_mem>>) src(%dma_wait3A_83 : memref<10240x24xf32, #tpu.memory_space<vmem_shared>>) dst(%arg8 : memref<128x24xf32, #tpu.memory_space<vmem>>)
      %dma_start3A_84 = arith.constant 0 : i32
      %dma_start3A_85 = tpu.memref_slice %arg7[%add3A_78, %dma_start3A_84] : memref<160x128xi32, #tpu.memory_space<vmem>> -> memref<1x128xi32, #tpu.memory_space<vmem>>
      %dma_start3A_86 = tpu.memref_squeeze %dma_start3A_85 : memref<1x128xi32, #tpu.memory_space<vmem>> -> memref<128xi32, #tpu.memory_space<vmem>>
      %dma_start3A_87 = arith.constant 0 : i32
      %dma_start3A_88 = arith.constant 0 : i32
      %dma_start3A_89 = tpu.memref_slice %arg17[%dma_start3A_87, %dma_start3A_88] : memref<10240x24xf32, #tpu.memory_space<vmem_shared>> -> memref<10240x24xf32, #tpu.memory_space<vmem_shared>>
      tpu.enqueue_indirect_dma source(%arg8 : memref<128x24xf32, #tpu.memory_space<vmem>>) target(%dma_start3A_89 : memref<10240x24xf32, #tpu.memory_space<vmem_shared>>) offsets(%dma_start3A_86 : memref<128xi32, #tpu.memory_space<vmem>>) semaphore(%arg27 : memref<!tpu.dma_semaphore, #tpu.memory_space<semaphore_mem>>) {add = true}
      %gt3A = arith.constant 0 : i32
      %gt3A_90 = arith.cmpi sgt, %scan3A_75, %gt3A : i32
      %convert_element_type3A = arith.extui %gt3A_90 : i1 to i32
      %cond3A = arith.constant 0 : i32
      %cond3A_91 = arith.cmpi ne, %convert_element_type3A, %cond3A : i32
      scf.if %cond3A_91 {
        %dma_wait3A_291 = arith.constant 0 : i32
        %dma_wait3A_292 = arith.constant 0 : i32
        %dma_wait3A_293 = tpu.memref_slice %arg7[%dma_wait3A_291, %dma_wait3A_292] : memref<160x128xi32, #tpu.memory_space<vmem>> -> memref<1x128xi32, #tpu.memory_space<vmem>>
        %dma_wait3A_294 = tpu.memref_squeeze %dma_wait3A_293 : memref<1x128xi32, #tpu.memory_space<vmem>> -> memref<128xi32, #tpu.memory_space<vmem>>
        %dma_wait3A_295 = arith.constant 0 : i32
        %dma_wait3A_296 = arith.constant 0 : i32
        %dma_wait3A_297 = tpu.memref_slice %arg17[%dma_wait3A_295, %dma_wait3A_296] : memref<10240x24xf32, #tpu.memory_space<vmem_shared>> -> memref<10240x24xf32, #tpu.memory_space<vmem_shared>>
        tpu.wait_indirect_dma semaphore(%arg31 : memref<!tpu.dma_semaphore, #tpu.memory_space<semaphore_mem>>) src(%arg12 : memref<128x24xf32, #tpu.memory_space<vmem>>) dst(%dma_wait3A_297 : memref<10240x24xf32, #tpu.memory_space<vmem_shared>>)
      } else {
      }
      %add3A_92 = arith.constant 4 : i32
      %add3A_93 = arith.addi %add3A_78, %add3A_92 : i32
      %mul3A_94 = arith.constant 128 : i32
      %mul3A_95 = arith.muli %add3A_93, %mul3A_94 : i32
      %dma_start3A_96 = tpu.memref_slice %arg6[%mul3A_95] : memref<20480xi32, #tpu.memory_space<vmem>> -> memref<128xi32, #tpu.memory_space<vmem>>
      %dma_start3A_97 = arith.constant 0 : i32
      %dma_start3A_98 = arith.constant 0 : i32
      %dma_start3A_99 = tpu.memref_slice %arg18[%dma_start3A_97, %dma_start3A_98] : memref<10240x24xf32, #tpu.memory_space<vmem_shared>> -> memref<10240x24xf32, #tpu.memory_space<vmem_shared>>
      tpu.enqueue_indirect_dma source(%dma_start3A_99 : memref<10240x24xf32, #tpu.memory_space<vmem_shared>>) target(%arg12 : memref<128x24xf32, #tpu.memory_space<vmem>>) offsets(%dma_start3A_96 : memref<128xi32, #tpu.memory_space<vmem>>) semaphore(%arg23 : memref<!tpu.dma_semaphore, #tpu.memory_space<semaphore_mem>>)
      %mul3A_100 = arith.constant 8 : i32
      %mul3A_101 = arith.muli %scan3A_75, %mul3A_100 : i32
      %add3A_102 = arith.constant 1 : i32
      %add3A_103 = arith.addi %mul3A_101, %add3A_102 : i32
      %dma_wait3A_104 = arith.constant 0 : i32
      %dma_wait3A_105 = tpu.memref_slice %arg6[%dma_wait3A_104] : memref<20480xi32, #tpu.memory_space<vmem>> -> memref<128xi32, #tpu.memory_space<vmem>>
      %dma_wait3A_106 = arith.constant 0 : i32
      %dma_wait3A_107 = arith.constant 0 : i32
      %dma_wait3A_108 = tpu.memref_slice %arg18[%dma_wait3A_106, %dma_wait3A_107] : memref<10240x24xf32, #tpu.memory_space<vmem_shared>> -> memref<10240x24xf32, #tpu.memory_space<vmem_shared>>
      tpu.wait_indirect_dma semaphore(%arg20 : memref<!tpu.dma_semaphore, #tpu.memory_space<semaphore_mem>>) src(%dma_wait3A_108 : memref<10240x24xf32, #tpu.memory_space<vmem_shared>>) dst(%arg9 : memref<128x24xf32, #tpu.memory_space<vmem>>)
      %dma_start3A_109 = arith.constant 0 : i32
      %dma_start3A_110 = tpu.memref_slice %arg7[%add3A_103, %dma_start3A_109] : memref<160x128xi32, #tpu.memory_space<vmem>> -> memref<1x128xi32, #tpu.memory_space<vmem>>
      %dma_start3A_111 = tpu.memref_squeeze %dma_start3A_110 : memref<1x128xi32, #tpu.memory_space<vmem>> -> memref<128xi32, #tpu.memory_space<vmem>>
      %dma_start3A_112 = arith.constant 0 : i32
      %dma_start3A_113 = arith.constant 0 : i32
      %dma_start3A_114 = tpu.memref_slice %arg17[%dma_start3A_112, %dma_start3A_113] : memref<10240x24xf32, #tpu.memory_space<vmem_shared>> -> memref<10240x24xf32, #tpu.memory_space<vmem_shared>>
      tpu.enqueue_indirect_dma source(%arg9 : memref<128x24xf32, #tpu.memory_space<vmem>>) target(%dma_start3A_114 : memref<10240x24xf32, #tpu.memory_space<vmem_shared>>) offsets(%dma_start3A_111 : memref<128xi32, #tpu.memory_space<vmem>>) semaphore(%arg28 : memref<!tpu.dma_semaphore, #tpu.memory_space<semaphore_mem>>) {add = true}
      %gt3A_115 = arith.constant 0 : i32
      %gt3A_116 = arith.cmpi sgt, %scan3A_75, %gt3A_115 : i32
      %convert_element_type3A_117 = arith.extui %gt3A_116 : i1 to i32
      %cond3A_118 = arith.constant 0 : i32
      %cond3A_119 = arith.cmpi ne, %convert_element_type3A_117, %cond3A_118 : i32
      scf.if %cond3A_119 {
        %dma_wait3A_291 = arith.constant 0 : i32
        %dma_wait3A_292 = arith.constant 0 : i32
        %dma_wait3A_293 = tpu.memref_slice %arg7[%dma_wait3A_291, %dma_wait3A_292] : memref<160x128xi32, #tpu.memory_space<vmem>> -> memref<1x128xi32, #tpu.memory_space<vmem>>
        %dma_wait3A_294 = tpu.memref_squeeze %dma_wait3A_293 : memref<1x128xi32, #tpu.memory_space<vmem>> -> memref<128xi32, #tpu.memory_space<vmem>>
        %dma_wait3A_295 = arith.constant 0 : i32
        %dma_wait3A_296 = arith.constant 0 : i32
        %dma_wait3A_297 = tpu.memref_slice %arg17[%dma_wait3A_295, %dma_wait3A_296] : memref<10240x24xf32, #tpu.memory_space<vmem_shared>> -> memref<10240x24xf32, #tpu.memory_space<vmem_shared>>
        tpu.wait_indirect_dma semaphore(%arg32 : memref<!tpu.dma_semaphore, #tpu.memory_space<semaphore_mem>>) src(%arg13 : memref<128x24xf32, #tpu.memory_space<vmem>>) dst(%dma_wait3A_297 : memref<10240x24xf32, #tpu.memory_space<vmem_shared>>)
      } else {
      }
      %add3A_120 = arith.constant 4 : i32
      %add3A_121 = arith.addi %add3A_103, %add3A_120 : i32
      %mul3A_122 = arith.constant 128 : i32
      %mul3A_123 = arith.muli %add3A_121, %mul3A_122 : i32
      %dma_start3A_124 = tpu.memref_slice %arg6[%mul3A_123] : memref<20480xi32, #tpu.memory_space<vmem>> -> memref<128xi32, #tpu.memory_space<vmem>>
      %dma_start3A_125 = arith.constant 0 : i32
      %dma_start3A_126 = arith.constant 0 : i32
      %dma_start3A_127 = tpu.memref_slice %arg18[%dma_start3A_125, %dma_start3A_126] : memref<10240x24xf32, #tpu.memory_space<vmem_shared>> -> memref<10240x24xf32, #tpu.memory_space<vmem_shared>>
      tpu.enqueue_indirect_dma source(%dma_start3A_127 : memref<10240x24xf32, #tpu.memory_space<vmem_shared>>) target(%arg13 : memref<128x24xf32, #tpu.memory_space<vmem>>) offsets(%dma_start3A_124 : memref<128xi32, #tpu.memory_space<vmem>>) semaphore(%arg24 : memref<!tpu.dma_semaphore, #tpu.memory_space<semaphore_mem>>)
      %mul3A_128 = arith.constant 8 : i32
      %mul3A_129 = arith.muli %scan3A_75, %mul3A_128 : i32
      %add3A_130 = arith.constant 2 : i32
      %add3A_131 = arith.addi %mul3A_129, %add3A_130 : i32
      %dma_wait3A_132 = arith.constant 0 : i32
      %dma_wait3A_133 = tpu.memref_slice %arg6[%dma_wait3A_132] : memref<20480xi32, #tpu.memory_space<vmem>> -> memref<128xi32, #tpu.memory_space<vmem>>
      %dma_wait3A_134 = arith.constant 0 : i32
      %dma_wait3A_135 = arith.constant 0 : i32
      %dma_wait3A_136 = tpu.memref_slice %arg18[%dma_wait3A_134, %dma_wait3A_135] : memref<10240x24xf32, #tpu.memory_space<vmem_shared>> -> memref<10240x24xf32, #tpu.memory_space<vmem_shared>>
      tpu.wait_indirect_dma semaphore(%arg21 : memref<!tpu.dma_semaphore, #tpu.memory_space<semaphore_mem>>) src(%dma_wait3A_136 : memref<10240x24xf32, #tpu.memory_space<vmem_shared>>) dst(%arg10 : memref<128x24xf32, #tpu.memory_space<vmem>>)
      %dma_start3A_137 = arith.constant 0 : i32
      %dma_start3A_138 = tpu.memref_slice %arg7[%add3A_131, %dma_start3A_137] : memref<160x128xi32, #tpu.memory_space<vmem>> -> memref<1x128xi32, #tpu.memory_space<vmem>>
      %dma_start3A_139 = tpu.memref_squeeze %dma_start3A_138 : memref<1x128xi32, #tpu.memory_space<vmem>> -> memref<128xi32, #tpu.memory_space<vmem>>
      %dma_start3A_140 = arith.constant 0 : i32
      %dma_start3A_141 = arith.constant 0 : i32
      %dma_start3A_142 = tpu.memref_slice %arg17[%dma_start3A_140, %dma_start3A_141] : memref<10240x24xf32, #tpu.memory_space<vmem_shared>> -> memref<10240x24xf32, #tpu.memory_space<vmem_shared>>
      tpu.enqueue_indirect_dma source(%arg10 : memref<128x24xf32, #tpu.memory_space<vmem>>) target(%dma_start3A_142 : memref<10240x24xf32, #tpu.memory_space<vmem_shared>>) offsets(%dma_start3A_139 : memref<128xi32, #tpu.memory_space<vmem>>) semaphore(%arg29 : memref<!tpu.dma_semaphore, #tpu.memory_space<semaphore_mem>>) {add = true}
      %gt3A_143 = arith.constant 0 : i32
      %gt3A_144 = arith.cmpi sgt, %scan3A_75, %gt3A_143 : i32
      %convert_element_type3A_145 = arith.extui %gt3A_144 : i1 to i32
      %cond3A_146 = arith.constant 0 : i32
      %cond3A_147 = arith.cmpi ne, %convert_element_type3A_145, %cond3A_146 : i32
      scf.if %cond3A_147 {
        %dma_wait3A_291 = arith.constant 0 : i32
        %dma_wait3A_292 = arith.constant 0 : i32
        %dma_wait3A_293 = tpu.memref_slice %arg7[%dma_wait3A_291, %dma_wait3A_292] : memref<160x128xi32, #tpu.memory_space<vmem>> -> memref<1x128xi32, #tpu.memory_space<vmem>>
        %dma_wait3A_294 = tpu.memref_squeeze %dma_wait3A_293 : memref<1x128xi32, #tpu.memory_space<vmem>> -> memref<128xi32, #tpu.memory_space<vmem>>
        %dma_wait3A_295 = arith.constant 0 : i32
        %dma_wait3A_296 = arith.constant 0 : i32
        %dma_wait3A_297 = tpu.memref_slice %arg17[%dma_wait3A_295, %dma_wait3A_296] : memref<10240x24xf32, #tpu.memory_space<vmem_shared>> -> memref<10240x24xf32, #tpu.memory_space<vmem_shared>>
        tpu.wait_indirect_dma semaphore(%arg33 : memref<!tpu.dma_semaphore, #tpu.memory_space<semaphore_mem>>) src(%arg14 : memref<128x24xf32, #tpu.memory_space<vmem>>) dst(%dma_wait3A_297 : memref<10240x24xf32, #tpu.memory_space<vmem_shared>>)
      } else {
      }
      %add3A_148 = arith.constant 4 : i32
      %add3A_149 = arith.addi %add3A_131, %add3A_148 : i32
      %mul3A_150 = arith.constant 128 : i32
      %mul3A_151 = arith.muli %add3A_149, %mul3A_150 : i32
      %dma_start3A_152 = tpu.memref_slice %arg6[%mul3A_151] : memref<20480xi32, #tpu.memory_space<vmem>> -> memref<128xi32, #tpu.memory_space<vmem>>
      %dma_start3A_153 = arith.constant 0 : i32
      %dma_start3A_154 = arith.constant 0 : i32
      %dma_start3A_155 = tpu.memref_slice %arg18[%dma_start3A_153, %dma_start3A_154] : memref<10240x24xf32, #tpu.memory_space<vmem_shared>> -> memref<10240x24xf32, #tpu.memory_space<vmem_shared>>
      tpu.enqueue_indirect_dma source(%dma_start3A_155 : memref<10240x24xf32, #tpu.memory_space<vmem_shared>>) target(%arg14 : memref<128x24xf32, #tpu.memory_space<vmem>>) offsets(%dma_start3A_152 : memref<128xi32, #tpu.memory_space<vmem>>) semaphore(%arg25 : memref<!tpu.dma_semaphore, #tpu.memory_space<semaphore_mem>>)
      %mul3A_156 = arith.constant 8 : i32
      %mul3A_157 = arith.muli %scan3A_75, %mul3A_156 : i32
      %add3A_158 = arith.constant 3 : i32
      %add3A_159 = arith.addi %mul3A_157, %add3A_158 : i32
      %dma_wait3A_160 = arith.constant 0 : i32
      %dma_wait3A_161 = tpu.memref_slice %arg6[%dma_wait3A_160] : memref<20480xi32, #tpu.memory_space<vmem>> -> memref<128xi32, #tpu.memory_space<vmem>>
      %dma_wait3A_162 = arith.constant 0 : i32
      %dma_wait3A_163 = arith.constant 0 : i32
      %dma_wait3A_164 = tpu.memref_slice %arg18[%dma_wait3A_162, %dma_wait3A_163] : memref<10240x24xf32, #tpu.memory_space<vmem_shared>> -> memref<10240x24xf32, #tpu.memory_space<vmem_shared>>
      tpu.wait_indirect_dma semaphore(%arg22 : memref<!tpu.dma_semaphore, #tpu.memory_space<semaphore_mem>>) src(%dma_wait3A_164 : memref<10240x24xf32, #tpu.memory_space<vmem_shared>>) dst(%arg11 : memref<128x24xf32, #tpu.memory_space<vmem>>)
      %dma_start3A_165 = arith.constant 0 : i32
      %dma_start3A_166 = tpu.memref_slice %arg7[%add3A_159, %dma_start3A_165] : memref<160x128xi32, #tpu.memory_space<vmem>> -> memref<1x128xi32, #tpu.memory_space<vmem>>
      %dma_start3A_167 = tpu.memref_squeeze %dma_start3A_166 : memref<1x128xi32, #tpu.memory_space<vmem>> -> memref<128xi32, #tpu.memory_space<vmem>>
      %dma_start3A_168 = arith.constant 0 : i32
      %dma_start3A_169 = arith.constant 0 : i32
      %dma_start3A_170 = tpu.memref_slice %arg17[%dma_start3A_168, %dma_start3A_169] : memref<10240x24xf32, #tpu.memory_space<vmem_shared>> -> memref<10240x24xf32, #tpu.memory_space<vmem_shared>>
      tpu.enqueue_indirect_dma source(%arg11 : memref<128x24xf32, #tpu.memory_space<vmem>>) target(%dma_start3A_170 : memref<10240x24xf32, #tpu.memory_space<vmem_shared>>) offsets(%dma_start3A_167 : memref<128xi32, #tpu.memory_space<vmem>>) semaphore(%arg30 : memref<!tpu.dma_semaphore, #tpu.memory_space<semaphore_mem>>) {add = true}
      %gt3A_171 = arith.constant 0 : i32
      %gt3A_172 = arith.cmpi sgt, %scan3A_75, %gt3A_171 : i32
      %convert_element_type3A_173 = arith.extui %gt3A_172 : i1 to i32
      %cond3A_174 = arith.constant 0 : i32
      %cond3A_175 = arith.cmpi ne, %convert_element_type3A_173, %cond3A_174 : i32
      scf.if %cond3A_175 {
        %dma_wait3A_291 = arith.constant 0 : i32
        %dma_wait3A_292 = arith.constant 0 : i32
        %dma_wait3A_293 = tpu.memref_slice %arg7[%dma_wait3A_291, %dma_wait3A_292] : memref<160x128xi32, #tpu.memory_space<vmem>> -> memref<1x128xi32, #tpu.memory_space<vmem>>
        %dma_wait3A_294 = tpu.memref_squeeze %dma_wait3A_293 : memref<1x128xi32, #tpu.memory_space<vmem>> -> memref<128xi32, #tpu.memory_space<vmem>>
        %dma_wait3A_295 = arith.constant 0 : i32
        %dma_wait3A_296 = arith.constant 0 : i32
        %dma_wait3A_297 = tpu.memref_slice %arg17[%dma_wait3A_295, %dma_wait3A_296] : memref<10240x24xf32, #tpu.memory_space<vmem_shared>> -> memref<10240x24xf32, #tpu.memory_space<vmem_shared>>
        tpu.wait_indirect_dma semaphore(%arg34 : memref<!tpu.dma_semaphore, #tpu.memory_space<semaphore_mem>>) src(%arg15 : memref<128x24xf32, #tpu.memory_space<vmem>>) dst(%dma_wait3A_297 : memref<10240x24xf32, #tpu.memory_space<vmem_shared>>)
      } else {
      }
      %add3A_176 = arith.constant 4 : i32
      %add3A_177 = arith.addi %add3A_159, %add3A_176 : i32
      %mul3A_178 = arith.constant 128 : i32
      %mul3A_179 = arith.muli %add3A_177, %mul3A_178 : i32
      %dma_start3A_180 = tpu.memref_slice %arg6[%mul3A_179] : memref<20480xi32, #tpu.memory_space<vmem>> -> memref<128xi32, #tpu.memory_space<vmem>>
      %dma_start3A_181 = arith.constant 0 : i32
      %dma_start3A_182 = arith.constant 0 : i32
      %dma_start3A_183 = tpu.memref_slice %arg18[%dma_start3A_181, %dma_start3A_182] : memref<10240x24xf32, #tpu.memory_space<vmem_shared>> -> memref<10240x24xf32, #tpu.memory_space<vmem_shared>>
      tpu.enqueue_indirect_dma source(%dma_start3A_183 : memref<10240x24xf32, #tpu.memory_space<vmem_shared>>) target(%arg15 : memref<128x24xf32, #tpu.memory_space<vmem>>) offsets(%dma_start3A_180 : memref<128xi32, #tpu.memory_space<vmem>>) semaphore(%arg26 : memref<!tpu.dma_semaphore, #tpu.memory_space<semaphore_mem>>)
      %mul3A_184 = arith.constant 8 : i32
      %mul3A_185 = arith.muli %scan3A_75, %mul3A_184 : i32
      %add3A_186 = arith.constant 4 : i32
      %add3A_187 = arith.addi %mul3A_185, %add3A_186 : i32
      %dma_wait3A_188 = arith.constant 0 : i32
      %dma_wait3A_189 = tpu.memref_slice %arg6[%dma_wait3A_188] : memref<20480xi32, #tpu.memory_space<vmem>> -> memref<128xi32, #tpu.memory_space<vmem>>
      %dma_wait3A_190 = arith.constant 0 : i32
      %dma_wait3A_191 = arith.constant 0 : i32
      %dma_wait3A_192 = tpu.memref_slice %arg18[%dma_wait3A_190, %dma_wait3A_191] : memref<10240x24xf32, #tpu.memory_space<vmem_shared>> -> memref<10240x24xf32, #tpu.memory_space<vmem_shared>>
      tpu.wait_indirect_dma semaphore(%arg23 : memref<!tpu.dma_semaphore, #tpu.memory_space<semaphore_mem>>) src(%dma_wait3A_192 : memref<10240x24xf32, #tpu.memory_space<vmem_shared>>) dst(%arg12 : memref<128x24xf32, #tpu.memory_space<vmem>>)
      %dma_start3A_193 = arith.constant 0 : i32
      %dma_start3A_194 = tpu.memref_slice %arg7[%add3A_187, %dma_start3A_193] : memref<160x128xi32, #tpu.memory_space<vmem>> -> memref<1x128xi32, #tpu.memory_space<vmem>>
      %dma_start3A_195 = tpu.memref_squeeze %dma_start3A_194 : memref<1x128xi32, #tpu.memory_space<vmem>> -> memref<128xi32, #tpu.memory_space<vmem>>
      %dma_start3A_196 = arith.constant 0 : i32
      %dma_start3A_197 = arith.constant 0 : i32
      %dma_start3A_198 = tpu.memref_slice %arg17[%dma_start3A_196, %dma_start3A_197] : memref<10240x24xf32, #tpu.memory_space<vmem_shared>> -> memref<10240x24xf32, #tpu.memory_space<vmem_shared>>
      tpu.enqueue_indirect_dma source(%arg12 : memref<128x24xf32, #tpu.memory_space<vmem>>) target(%dma_start3A_198 : memref<10240x24xf32, #tpu.memory_space<vmem_shared>>) offsets(%dma_start3A_195 : memref<128xi32, #tpu.memory_space<vmem>>) semaphore(%arg31 : memref<!tpu.dma_semaphore, #tpu.memory_space<semaphore_mem>>) {add = true}
      %dma_wait3A_199 = arith.constant 0 : i32
      %dma_wait3A_200 = arith.constant 0 : i32
      %dma_wait3A_201 = tpu.memref_slice %arg7[%dma_wait3A_199, %dma_wait3A_200] : memref<160x128xi32, #tpu.memory_space<vmem>> -> memref<1x128xi32, #tpu.memory_space<vmem>>
      %dma_wait3A_202 = tpu.memref_squeeze %dma_wait3A_201 : memref<1x128xi32, #tpu.memory_space<vmem>> -> memref<128xi32, #tpu.memory_space<vmem>>
      %dma_wait3A_203 = arith.constant 0 : i32
      %dma_wait3A_204 = arith.constant 0 : i32
      %dma_wait3A_205 = tpu.memref_slice %arg17[%dma_wait3A_203, %dma_wait3A_204] : memref<10240x24xf32, #tpu.memory_space<vmem_shared>> -> memref<10240x24xf32, #tpu.memory_space<vmem_shared>>
      tpu.wait_indirect_dma semaphore(%arg27 : memref<!tpu.dma_semaphore, #tpu.memory_space<semaphore_mem>>) src(%arg8 : memref<128x24xf32, #tpu.memory_space<vmem>>) dst(%dma_wait3A_205 : memref<10240x24xf32, #tpu.memory_space<vmem_shared>>)
      %lt3A = arith.constant 19 : i32
      %lt3A_206 = arith.cmpi slt, %scan3A_75, %lt3A : i32
      %convert_element_type3A_207 = arith.extui %lt3A_206 : i1 to i32
      %cond3A_208 = arith.constant 0 : i32
      %cond3A_209 = arith.cmpi ne, %convert_element_type3A_207, %cond3A_208 : i32
      scf.if %cond3A_209 {
        %add3A_291 = arith.constant 4 : i32
        %add3A_292 = arith.addi %add3A_187, %add3A_291 : i32
        %mul3A_293 = arith.constant 128 : i32
        %mul3A_294 = arith.muli %add3A_292, %mul3A_293 : i32
        %dma_start3A_295 = tpu.memref_slice %arg6[%mul3A_294] : memref<20480xi32, #tpu.memory_space<vmem>> -> memref<128xi32, #tpu.memory_space<vmem>>
        %dma_start3A_296 = arith.constant 0 : i32
        %dma_start3A_297 = arith.constant 0 : i32
        %dma_start3A_298 = tpu.memref_slice %arg18[%dma_start3A_296, %dma_start3A_297] : memref<10240x24xf32, #tpu.memory_space<vmem_shared>> -> memref<10240x24xf32, #tpu.memory_space<vmem_shared>>
        tpu.enqueue_indirect_dma source(%dma_start3A_298 : memref<10240x24xf32, #tpu.memory_space<vmem_shared>>) target(%arg8 : memref<128x24xf32, #tpu.memory_space<vmem>>) offsets(%dma_start3A_295 : memref<128xi32, #tpu.memory_space<vmem>>) semaphore(%arg19 : memref<!tpu.dma_semaphore, #tpu.memory_space<semaphore_mem>>)
      } else {
      }
      %mul3A_210 = arith.constant 8 : i32
      %mul3A_211 = arith.muli %scan3A_75, %mul3A_210 : i32
      %add3A_212 = arith.constant 5 : i32
      %add3A_213 = arith.addi %mul3A_211, %add3A_212 : i32
      %dma_wait3A_214 = arith.constant 0 : i32
      %dma_wait3A_215 = tpu.memref_slice %arg6[%dma_wait3A_214] : memref<20480xi32, #tpu.memory_space<vmem>> -> memref<128xi32, #tpu.memory_space<vmem>>
      %dma_wait3A_216 = arith.constant 0 : i32
      %dma_wait3A_217 = arith.constant 0 : i32
      %dma_wait3A_218 = tpu.memref_slice %arg18[%dma_wait3A_216, %dma_wait3A_217] : memref<10240x24xf32, #tpu.memory_space<vmem_shared>> -> memref<10240x24xf32, #tpu.memory_space<vmem_shared>>
      tpu.wait_indirect_dma semaphore(%arg24 : memref<!tpu.dma_semaphore, #tpu.memory_space<semaphore_mem>>) src(%dma_wait3A_218 : memref<10240x24xf32, #tpu.memory_space<vmem_shared>>) dst(%arg13 : memref<128x24xf32, #tpu.memory_space<vmem>>)
      %dma_start3A_219 = arith.constant 0 : i32
      %dma_start3A_220 = tpu.memref_slice %arg7[%add3A_213, %dma_start3A_219] : memref<160x128xi32, #tpu.memory_space<vmem>> -> memref<1x128xi32, #tpu.memory_space<vmem>>
      %dma_start3A_221 = tpu.memref_squeeze %dma_start3A_220 : memref<1x128xi32, #tpu.memory_space<vmem>> -> memref<128xi32, #tpu.memory_space<vmem>>
      %dma_start3A_222 = arith.constant 0 : i32
      %dma_start3A_223 = arith.constant 0 : i32
      %dma_start3A_224 = tpu.memref_slice %arg17[%dma_start3A_222, %dma_start3A_223] : memref<10240x24xf32, #tpu.memory_space<vmem_shared>> -> memref<10240x24xf32, #tpu.memory_space<vmem_shared>>
      tpu.enqueue_indirect_dma source(%arg13 : memref<128x24xf32, #tpu.memory_space<vmem>>) target(%dma_start3A_224 : memref<10240x24xf32, #tpu.memory_space<vmem_shared>>) offsets(%dma_start3A_221 : memref<128xi32, #tpu.memory_space<vmem>>) semaphore(%arg32 : memref<!tpu.dma_semaphore, #tpu.memory_space<semaphore_mem>>) {add = true}
      %dma_wait3A_225 = arith.constant 0 : i32
      %dma_wait3A_226 = arith.constant 0 : i32
      %dma_wait3A_227 = tpu.memref_slice %arg7[%dma_wait3A_225, %dma_wait3A_226] : memref<160x128xi32, #tpu.memory_space<vmem>> -> memref<1x128xi32, #tpu.memory_space<vmem>>
      %dma_wait3A_228 = tpu.memref_squeeze %dma_wait3A_227 : memref<1x128xi32, #tpu.memory_space<vmem>> -> memref<128xi32, #tpu.memory_space<vmem>>
      %dma_wait3A_229 = arith.constant 0 : i32
      %dma_wait3A_230 = arith.constant 0 : i32
      %dma_wait3A_231 = tpu.memref_slice %arg17[%dma_wait3A_229, %dma_wait3A_230] : memref<10240x24xf32, #tpu.memory_space<vmem_shared>> -> memref<10240x24xf32, #tpu.memory_space<vmem_shared>>
      tpu.wait_indirect_dma semaphore(%arg28 : memref<!tpu.dma_semaphore, #tpu.memory_space<semaphore_mem>>) src(%arg9 : memref<128x24xf32, #tpu.memory_space<vmem>>) dst(%dma_wait3A_231 : memref<10240x24xf32, #tpu.memory_space<vmem_shared>>)
      %lt3A_232 = arith.constant 19 : i32
      %lt3A_233 = arith.cmpi slt, %scan3A_75, %lt3A_232 : i32
      %convert_element_type3A_234 = arith.extui %lt3A_233 : i1 to i32
      %cond3A_235 = arith.constant 0 : i32
      %cond3A_236 = arith.cmpi ne, %convert_element_type3A_234, %cond3A_235 : i32
      scf.if %cond3A_236 {
        %add3A_291 = arith.constant 4 : i32
        %add3A_292 = arith.addi %add3A_213, %add3A_291 : i32
        %mul3A_293 = arith.constant 128 : i32
        %mul3A_294 = arith.muli %add3A_292, %mul3A_293 : i32
        %dma_start3A_295 = tpu.memref_slice %arg6[%mul3A_294] : memref<20480xi32, #tpu.memory_space<vmem>> -> memref<128xi32, #tpu.memory_space<vmem>>
        %dma_start3A_296 = arith.constant 0 : i32
        %dma_start3A_297 = arith.constant 0 : i32
        %dma_start3A_298 = tpu.memref_slice %arg18[%dma_start3A_296, %dma_start3A_297] : memref<10240x24xf32, #tpu.memory_space<vmem_shared>> -> memref<10240x24xf32, #tpu.memory_space<vmem_shared>>
        tpu.enqueue_indirect_dma source(%dma_start3A_298 : memref<10240x24xf32, #tpu.memory_space<vmem_shared>>) target(%arg9 : memref<128x24xf32, #tpu.memory_space<vmem>>) offsets(%dma_start3A_295 : memref<128xi32, #tpu.memory_space<vmem>>) semaphore(%arg20 : memref<!tpu.dma_semaphore, #tpu.memory_space<semaphore_mem>>)
      } else {
      }
      %mul3A_237 = arith.constant 8 : i32
      %mul3A_238 = arith.muli %scan3A_75, %mul3A_237 : i32
      %add3A_239 = arith.constant 6 : i32
      %add3A_240 = arith.addi %mul3A_238, %add3A_239 : i32
      %dma_wait3A_241 = arith.constant 0 : i32
      %dma_wait3A_242 = tpu.memref_slice %arg6[%dma_wait3A_241] : memref<20480xi32, #tpu.memory_space<vmem>> -> memref<128xi32, #tpu.memory_space<vmem>>
      %dma_wait3A_243 = arith.constant 0 : i32
      %dma_wait3A_244 = arith.constant 0 : i32
      %dma_wait3A_245 = tpu.memref_slice %arg18[%dma_wait3A_243, %dma_wait3A_244] : memref<10240x24xf32, #tpu.memory_space<vmem_shared>> -> memref<10240x24xf32, #tpu.memory_space<vmem_shared>>
      tpu.wait_indirect_dma semaphore(%arg25 : memref<!tpu.dma_semaphore, #tpu.memory_space<semaphore_mem>>) src(%dma_wait3A_245 : memref<10240x24xf32, #tpu.memory_space<vmem_shared>>) dst(%arg14 : memref<128x24xf32, #tpu.memory_space<vmem>>)
      %dma_start3A_246 = arith.constant 0 : i32
      %dma_start3A_247 = tpu.memref_slice %arg7[%add3A_240, %dma_start3A_246] : memref<160x128xi32, #tpu.memory_space<vmem>> -> memref<1x128xi32, #tpu.memory_space<vmem>>
      %dma_start3A_248 = tpu.memref_squeeze %dma_start3A_247 : memref<1x128xi32, #tpu.memory_space<vmem>> -> memref<128xi32, #tpu.memory_space<vmem>>
      %dma_start3A_249 = arith.constant 0 : i32
      %dma_start3A_250 = arith.constant 0 : i32
      %dma_start3A_251 = tpu.memref_slice %arg17[%dma_start3A_249, %dma_start3A_250] : memref<10240x24xf32, #tpu.memory_space<vmem_shared>> -> memref<10240x24xf32, #tpu.memory_space<vmem_shared>>
      tpu.enqueue_indirect_dma source(%arg14 : memref<128x24xf32, #tpu.memory_space<vmem>>) target(%dma_start3A_251 : memref<10240x24xf32, #tpu.memory_space<vmem_shared>>) offsets(%dma_start3A_248 : memref<128xi32, #tpu.memory_space<vmem>>) semaphore(%arg33 : memref<!tpu.dma_semaphore, #tpu.memory_space<semaphore_mem>>) {add = true}
      %dma_wait3A_252 = arith.constant 0 : i32
      %dma_wait3A_253 = arith.constant 0 : i32
      %dma_wait3A_254 = tpu.memref_slice %arg7[%dma_wait3A_252, %dma_wait3A_253] : memref<160x128xi32, #tpu.memory_space<vmem>> -> memref<1x128xi32, #tpu.memory_space<vmem>>
      %dma_wait3A_255 = tpu.memref_squeeze %dma_wait3A_254 : memref<1x128xi32, #tpu.memory_space<vmem>> -> memref<128xi32, #tpu.memory_space<vmem>>
      %dma_wait3A_256 = arith.constant 0 : i32
      %dma_wait3A_257 = arith.constant 0 : i32
      %dma_wait3A_258 = tpu.memref_slice %arg17[%dma_wait3A_256, %dma_wait3A_257] : memref<10240x24xf32, #tpu.memory_space<vmem_shared>> -> memref<10240x24xf32, #tpu.memory_space<vmem_shared>>
      tpu.wait_indirect_dma semaphore(%arg29 : memref<!tpu.dma_semaphore, #tpu.memory_space<semaphore_mem>>) src(%arg10 : memref<128x24xf32, #tpu.memory_space<vmem>>) dst(%dma_wait3A_258 : memref<10240x24xf32, #tpu.memory_space<vmem_shared>>)
      %lt3A_259 = arith.constant 19 : i32
      %lt3A_260 = arith.cmpi slt, %scan3A_75, %lt3A_259 : i32
      %convert_element_type3A_261 = arith.extui %lt3A_260 : i1 to i32
      %cond3A_262 = arith.constant 0 : i32
      %cond3A_263 = arith.cmpi ne, %convert_element_type3A_261, %cond3A_262 : i32
      scf.if %cond3A_263 {
        %add3A_291 = arith.constant 4 : i32
        %add3A_292 = arith.addi %add3A_240, %add3A_291 : i32
        %mul3A_293 = arith.constant 128 : i32
        %mul3A_294 = arith.muli %add3A_292, %mul3A_293 : i32
        %dma_start3A_295 = tpu.memref_slice %arg6[%mul3A_294] : memref<20480xi32, #tpu.memory_space<vmem>> -> memref<128xi32, #tpu.memory_space<vmem>>
        %dma_start3A_296 = arith.constant 0 : i32
        %dma_start3A_297 = arith.constant 0 : i32
        %dma_start3A_298 = tpu.memref_slice %arg18[%dma_start3A_296, %dma_start3A_297] : memref<10240x24xf32, #tpu.memory_space<vmem_shared>> -> memref<10240x24xf32, #tpu.memory_space<vmem_shared>>
        tpu.enqueue_indirect_dma source(%dma_start3A_298 : memref<10240x24xf32, #tpu.memory_space<vmem_shared>>) target(%arg10 : memref<128x24xf32, #tpu.memory_space<vmem>>) offsets(%dma_start3A_295 : memref<128xi32, #tpu.memory_space<vmem>>) semaphore(%arg21 : memref<!tpu.dma_semaphore, #tpu.memory_space<semaphore_mem>>)
      } else {
      }
      %mul3A_264 = arith.constant 8 : i32
      %mul3A_265 = arith.muli %scan3A_75, %mul3A_264 : i32
      %add3A_266 = arith.constant 7 : i32
      %add3A_267 = arith.addi %mul3A_265, %add3A_266 : i32
      %dma_wait3A_268 = arith.constant 0 : i32
      %dma_wait3A_269 = tpu.memref_slice %arg6[%dma_wait3A_268] : memref<20480xi32, #tpu.memory_space<vmem>> -> memref<128xi32, #tpu.memory_space<vmem>>
      %dma_wait3A_270 = arith.constant 0 : i32
      %dma_wait3A_271 = arith.constant 0 : i32
      %dma_wait3A_272 = tpu.memref_slice %arg18[%dma_wait3A_270, %dma_wait3A_271] : memref<10240x24xf32, #tpu.memory_space<vmem_shared>> -> memref<10240x24xf32, #tpu.memory_space<vmem_shared>>
      tpu.wait_indirect_dma semaphore(%arg26 : memref<!tpu.dma_semaphore, #tpu.memory_space<semaphore_mem>>) src(%dma_wait3A_272 : memref<10240x24xf32, #tpu.memory_space<vmem_shared>>) dst(%arg15 : memref<128x24xf32, #tpu.memory_space<vmem>>)
      %dma_start3A_273 = arith.constant 0 : i32
      %dma_start3A_274 = tpu.memref_slice %arg7[%add3A_267, %dma_start3A_273] : memref<160x128xi32, #tpu.memory_space<vmem>> -> memref<1x128xi32, #tpu.memory_space<vmem>>
      %dma_start3A_275 = tpu.memref_squeeze %dma_start3A_274 : memref<1x128xi32, #tpu.memory_space<vmem>> -> memref<128xi32, #tpu.memory_space<vmem>>
      %dma_start3A_276 = arith.constant 0 : i32
      %dma_start3A_277 = arith.constant 0 : i32
      %dma_start3A_278 = tpu.memref_slice %arg17[%dma_start3A_276, %dma_start3A_277] : memref<10240x24xf32, #tpu.memory_space<vmem_shared>> -> memref<10240x24xf32, #tpu.memory_space<vmem_shared>>
      tpu.enqueue_indirect_dma source(%arg15 : memref<128x24xf32, #tpu.memory_space<vmem>>) target(%dma_start3A_278 : memref<10240x24xf32, #tpu.memory_space<vmem_shared>>) offsets(%dma_start3A_275 : memref<128xi32, #tpu.memory_space<vmem>>) semaphore(%arg34 : memref<!tpu.dma_semaphore, #tpu.memory_space<semaphore_mem>>) {add = true}
      %dma_wait3A_279 = arith.constant 0 : i32
      %dma_wait3A_280 = arith.constant 0 : i32
      %dma_wait3A_281 = tpu.memref_slice %arg7[%dma_wait3A_279, %dma_wait3A_280] : memref<160x128xi32, #tpu.memory_space<vmem>> -> memref<1x128xi32, #tpu.memory_space<vmem>>
      %dma_wait3A_282 = tpu.memref_squeeze %dma_wait3A_281 : memref<1x128xi32, #tpu.memory_space<vmem>> -> memref<128xi32, #tpu.memory_space<vmem>>
      %dma_wait3A_283 = arith.constant 0 : i32
      %dma_wait3A_284 = arith.constant 0 : i32
      %dma_wait3A_285 = tpu.memref_slice %arg17[%dma_wait3A_283, %dma_wait3A_284] : memref<10240x24xf32, #tpu.memory_space<vmem_shared>> -> memref<10240x24xf32, #tpu.memory_space<vmem_shared>>
      tpu.wait_indirect_dma semaphore(%arg30 : memref<!tpu.dma_semaphore, #tpu.memory_space<semaphore_mem>>) src(%arg11 : memref<128x24xf32, #tpu.memory_space<vmem>>) dst(%dma_wait3A_285 : memref<10240x24xf32, #tpu.memory_space<vmem_shared>>)
      %lt3A_286 = arith.constant 19 : i32
      %lt3A_287 = arith.cmpi slt, %scan3A_75, %lt3A_286 : i32
      %convert_element_type3A_288 = arith.extui %lt3A_287 : i1 to i32
      %cond3A_289 = arith.constant 0 : i32
      %cond3A_290 = arith.cmpi ne, %convert_element_type3A_288, %cond3A_289 : i32
      scf.if %cond3A_290 {
        %add3A_291 = arith.constant 4 : i32
        %add3A_292 = arith.addi %add3A_267, %add3A_291 : i32
        %mul3A_293 = arith.constant 128 : i32
        %mul3A_294 = arith.muli %add3A_292, %mul3A_293 : i32
        %dma_start3A_295 = tpu.memref_slice %arg6[%mul3A_294] : memref<20480xi32, #tpu.memory_space<vmem>> -> memref<128xi32, #tpu.memory_space<vmem>>
        %dma_start3A_296 = arith.constant 0 : i32
        %dma_start3A_297 = arith.constant 0 : i32
        %dma_start3A_298 = tpu.memref_slice %arg18[%dma_start3A_296, %dma_start3A_297] : memref<10240x24xf32, #tpu.memory_space<vmem_shared>> -> memref<10240x24xf32, #tpu.memory_space<vmem_shared>>
        tpu.enqueue_indirect_dma source(%dma_start3A_298 : memref<10240x24xf32, #tpu.memory_space<vmem_shared>>) target(%arg11 : memref<128x24xf32, #tpu.memory_space<vmem>>) offsets(%dma_start3A_295 : memref<128xi32, #tpu.memory_space<vmem>>) semaphore(%arg22 : memref<!tpu.dma_semaphore, #tpu.memory_space<semaphore_mem>>)
      } else {
      }
    }
    %scan3A_42 = arith.constant 20 : i32
    %dma_wait3A = arith.constant 0 : i32
    %dma_wait3A_43 = arith.constant 0 : i32
    %dma_wait3A_44 = tpu.memref_slice %arg7[%dma_wait3A, %dma_wait3A_43] : memref<160x128xi32, #tpu.memory_space<vmem>> -> memref<1x128xi32, #tpu.memory_space<vmem>>
    %dma_wait3A_45 = tpu.memref_squeeze %dma_wait3A_44 : memref<1x128xi32, #tpu.memory_space<vmem>> -> memref<128xi32, #tpu.memory_space<vmem>>
    %dma_wait3A_46 = arith.constant 0 : i32
    %dma_wait3A_47 = arith.constant 0 : i32
    %dma_wait3A_48 = tpu.memref_slice %arg17[%dma_wait3A_46, %dma_wait3A_47] : memref<10240x24xf32, #tpu.memory_space<vmem_shared>> -> memref<10240x24xf32, #tpu.memory_space<vmem_shared>>
    tpu.wait_indirect_dma semaphore(%arg31 : memref<!tpu.dma_semaphore, #tpu.memory_space<semaphore_mem>>) src(%arg12 : memref<128x24xf32, #tpu.memory_space<vmem>>) dst(%dma_wait3A_48 : memref<10240x24xf32, #tpu.memory_space<vmem_shared>>)
    %dma_wait3A_49 = arith.constant 0 : i32
    %dma_wait3A_50 = arith.constant 0 : i32
    %dma_wait3A_51 = tpu.memref_slice %arg7[%dma_wait3A_49, %dma_wait3A_50] : memref<160x128xi32, #tpu.memory_space<vmem>> -> memref<1x128xi32, #tpu.memory_space<vmem>>
    %dma_wait3A_52 = tpu.memref_squeeze %dma_wait3A_51 : memref<1x128xi32, #tpu.memory_space<vmem>> -> memref<128xi32, #tpu.memory_space<vmem>>
    %dma_wait3A_53 = arith.constant 0 : i32
    %dma_wait3A_54 = arith.constant 0 : i32
    %dma_wait3A_55 = tpu.memref_slice %arg17[%dma_wait3A_53, %dma_wait3A_54] : memref<10240x24xf32, #tpu.memory_space<vmem_shared>> -> memref<10240x24xf32, #tpu.memory_space<vmem_shared>>
    tpu.wait_indirect_dma semaphore(%arg32 : memref<!tpu.dma_semaphore, #tpu.memory_space<semaphore_mem>>) src(%arg13 : memref<128x24xf32, #tpu.memory_space<vmem>>) dst(%dma_wait3A_55 : memref<10240x24xf32, #tpu.memory_space<vmem_shared>>)
    %dma_wait3A_56 = arith.constant 0 : i32
    %dma_wait3A_57 = arith.constant 0 : i32
    %dma_wait3A_58 = tpu.memref_slice %arg7[%dma_wait3A_56, %dma_wait3A_57] : memref<160x128xi32, #tpu.memory_space<vmem>> -> memref<1x128xi32, #tpu.memory_space<vmem>>
    %dma_wait3A_59 = tpu.memref_squeeze %dma_wait3A_58 : memref<1x128xi32, #tpu.memory_space<vmem>> -> memref<128xi32, #tpu.memory_space<vmem>>
    %dma_wait3A_60 = arith.constant 0 : i32
    %dma_wait3A_61 = arith.constant 0 : i32
    %dma_wait3A_62 = tpu.memref_slice %arg17[%dma_wait3A_60, %dma_wait3A_61] : memref<10240x24xf32, #tpu.memory_space<vmem_shared>> -> memref<10240x24xf32, #tpu.memory_space<vmem_shared>>
    tpu.wait_indirect_dma semaphore(%arg33 : memref<!tpu.dma_semaphore, #tpu.memory_space<semaphore_mem>>) src(%arg14 : memref<128x24xf32, #tpu.memory_space<vmem>>) dst(%dma_wait3A_62 : memref<10240x24xf32, #tpu.memory_space<vmem_shared>>)
    %dma_wait3A_63 = arith.constant 0 : i32
    %dma_wait3A_64 = arith.constant 0 : i32
    %dma_wait3A_65 = tpu.memref_slice %arg7[%dma_wait3A_63, %dma_wait3A_64] : memref<160x128xi32, #tpu.memory_space<vmem>> -> memref<1x128xi32, #tpu.memory_space<vmem>>
    %dma_wait3A_66 = tpu.memref_squeeze %dma_wait3A_65 : memref<1x128xi32, #tpu.memory_space<vmem>> -> memref<128xi32, #tpu.memory_space<vmem>>
    %dma_wait3A_67 = arith.constant 0 : i32
    %dma_wait3A_68 = arith.constant 0 : i32
    %dma_wait3A_69 = tpu.memref_slice %arg17[%dma_wait3A_67, %dma_wait3A_68] : memref<10240x24xf32, #tpu.memory_space<vmem_shared>> -> memref<10240x24xf32, #tpu.memory_space<vmem_shared>>
    tpu.wait_indirect_dma semaphore(%arg34 : memref<!tpu.dma_semaphore, #tpu.memory_space<semaphore_mem>>) src(%arg15 : memref<128x24xf32, #tpu.memory_space<vmem>>) dst(%dma_wait3A_69 : memref<10240x24xf32, #tpu.memory_space<vmem_shared>>)
    %barrier3A_70 = arith.constant 0 : index
    tpu.barrier barrier_id(%barrier3A_70)
    %mul3A_71 = arith.constant 640 : i32
    %mul3A_72 = arith.muli %arg1, %mul3A_71 : i32
    %mul3A_73 = arith.constant 640 : i32
    %mul3A_74 = arith.muli %arg1, %mul3A_73 : i32
    "tpu.region"() ({
      %run_scoped3A = tpu.sem_alloc : memref<!tpu.dma_semaphore, #tpu.memory_space<semaphore_mem>>
      %dma_start3A_75 = arith.constant 0 : i32
      %dma_start3A_76 = tpu.memref_slice %arg5[%arg0, %mul3A_74, %dma_start3A_75] : memref<2x10240x24xf32, #tpu.memory_space<hbm>> -> memref<1x640x24xf32, #tpu.memory_space<hbm>>
      %dma_start3A_77 = tpu.memref_squeeze %dma_start3A_76 : memref<1x640x24xf32, #tpu.memory_space<hbm>> -> memref<640x24xf32, #tpu.memory_space<hbm>>
      %dma_start3A_78 = arith.constant 0 : i32
      %dma_start3A_79 = tpu.memref_slice %arg17[%mul3A_72, %dma_start3A_78] : memref<10240x24xf32, #tpu.memory_space<vmem_shared>> -> memref<640x24xf32, #tpu.memory_space<vmem_shared>>
      tpu.enqueue_dma source(%dma_start3A_79 : memref<640x24xf32, #tpu.memory_space<vmem_shared>>) target(%dma_start3A_77 : memref<640x24xf32, #tpu.memory_space<hbm>>) target_semaphore(%run_scoped3A : memref<!tpu.dma_semaphore, #tpu.memory_space<semaphore_mem>>)
      %dma_wait3A_80 = arith.constant 0 : i32
      %dma_wait3A_81 = tpu.memref_slice %arg5[%arg0, %mul3A_74, %dma_wait3A_80] : memref<2x10240x24xf32, #tpu.memory_space<hbm>> -> memref<1x640x24xf32, #tpu.memory_space<hbm>>
      %dma_wait3A_82 = tpu.memref_squeeze %dma_wait3A_81 : memref<1x640x24xf32, #tpu.memory_space<hbm>> -> memref<640x24xf32, #tpu.memory_space<hbm>>
      %dma_wait3A_83 = arith.constant 0 : i32
      %dma_wait3A_84 = tpu.memref_slice %arg17[%mul3A_72, %dma_wait3A_83] : memref<10240x24xf32, #tpu.memory_space<vmem_shared>> -> memref<640x24xf32, #tpu.memory_space<vmem_shared>>
      tpu.wait_dma2 semaphore(%run_scoped3A : memref<!tpu.dma_semaphore, #tpu.memory_space<semaphore_mem>>) src(%dma_wait3A_84 : memref<640x24xf32, #tpu.memory_space<vmem_shared>>) dst(%dma_wait3A_82 : memref<640x24xf32, #tpu.memory_space<hbm>>)
      tpu.yield
    }) : () -> ()
    return
  }
}

module attributes {stable_mosaic.version = 14 : i64} {
  func.func @_k1_body(%arg0: i32, %arg1: memref<256x128xf32, #tpu.memory_space<vmem>>, %arg2: memref<128x48xf32, #tpu.memory_space<vmem>>, %arg3: memref<32x256xf32, #tpu.memory_space<vmem>>, %arg4: memref<2x256x24xf32, #tpu.memory_space<vmem>>) attributes {dimension_semantics = [#tpu.dimension_semantics<arbitrary>], iteration_bounds = array<i64: 40>, scalar_prefetch = 0 : i64, scratch_operands = 0 : i64, tpu.core_type = #tpu.core_type<tc>, window_params = [{transform_indices = @transform_0, window_bounds = array<i64: 256, 128>}, {pipeline_mode = #tpu.pipeline_mode<synchronous>, transform_indices = @transform_1, window_bounds = array<i64: 128, 48>}, {transform_indices = @transform_2, window_bounds = array<i64: 32, 256>}, {transform_indices = @transform_3, window_bounds = array<i64: 2, 256, 24>}]} {
    %get3A = arith.constant 0 : index
    %get3A_0 = arith.constant 0 : index
    %get3A_1 = vector.load %arg1[%get3A, %get3A_0] : memref<256x128xf32, #tpu.memory_space<vmem>>, vector<256x128xf32>
    %get3A_2 = arith.constant 0 : index
    %get3A_3 = arith.constant 0 : index
    %get3A_4 = vector.load %arg2[%get3A_2, %get3A_3] : memref<128x48xf32, #tpu.memory_space<vmem>>, vector<128x48xf32>
    %dot_general3A = arith.constant dense<0.000000e+00> : vector<256x48xf32>
    %dot_general3A_5 = tpu.matmul %get3A_1, %get3A_4, %dot_general3A {dimension_numbers = #tpu.dot_dimension_numbers<[1], [0], [0], [1], [0, 0, 1, 1], [], []>, transpose_lhs_hint = false} : vector<256x128xf32>, vector<128x48xf32>, vector<256x48xf32> -> vector<256x48xf32>
    %get3A_6 = arith.constant 0 : index
    %get3A_7 = arith.constant 0 : index
    %get3A_8 = vector.load %arg3[%get3A_6, %get3A_7] : memref<32x256xf32, #tpu.memory_space<vmem>>, vector<32x256xf32>
    %reduce_sum3A = arith.constant dense<0.000000e+00> : vector<256xf32>
    %reduce_sum3A_9 = vector.multi_reduction <add>, %get3A_8, %reduce_sum3A [0] : vector<32x256xf32> to vector<256xf32>
    %add3A = arith.constant 1.000000e+00 : f32
    %add3A_10 = vector.broadcast %add3A : f32 to vector<256xf32>
    %add3A_11 = arith.addf %reduce_sum3A_9, %add3A_10 : vector<256xf32>
    %rsqrt3A = math.rsqrt %add3A_11 : vector<256xf32>
    %broadcast_in_dim3A = vector.shape_cast %rsqrt3A : vector<256xf32> to vector<256x1xf32>
    %mul3A = vector.broadcast %broadcast_in_dim3A : vector<256x1xf32> to vector<256x48xf32>
    %mul3A_12 = arith.mulf %dot_general3A_5, %mul3A : vector<256x48xf32>
    %slice3A = vector.extract_strided_slice %mul3A_12 {offsets = [0, 0], sizes = [256, 24], strides = [1, 1]} : vector<256x48xf32> to vector<256x24xf32>
    %swap3A = arith.constant 0 : index
    %swap3A_13 = arith.constant 0 : index
    %swap3A_14 = arith.constant 0 : index
    %swap3A_15 = vector.load %arg4[%swap3A, %swap3A_13, %swap3A_14] : memref<2x256x24xf32, #tpu.memory_space<vmem>>, vector<1x256x24xf32>
    %swap3A_16 = vector.shape_cast %swap3A_15 : vector<1x256x24xf32> to vector<256x24xf32>
    %swap3A_17 = vector.shape_cast %slice3A : vector<256x24xf32> to vector<1x256x24xf32>
    tpu.vector_store %arg4[%swap3A, %swap3A_13, %swap3A_14], %swap3A_17 {strides = array<i32>} : memref<2x256x24xf32, #tpu.memory_space<vmem>>, vector<1x256x24xf32>,
    %slice3A_18 = vector.extract_strided_slice %mul3A_12 {offsets = [0, 24], sizes = [256, 24], strides = [1, 1]} : vector<256x48xf32> to vector<256x24xf32>
    %swap3A_19 = arith.constant 1 : index
    %swap3A_20 = arith.constant 0 : index
    %swap3A_21 = arith.constant 0 : index
    %swap3A_22 = vector.load %arg4[%swap3A_19, %swap3A_20, %swap3A_21] : memref<2x256x24xf32, #tpu.memory_space<vmem>>, vector<1x256x24xf32>
    %swap3A_23 = vector.shape_cast %swap3A_22 : vector<1x256x24xf32> to vector<256x24xf32>
    %swap3A_24 = vector.shape_cast %slice3A_18 : vector<256x24xf32> to vector<1x256x24xf32>
    tpu.vector_store %arg4[%swap3A_19, %swap3A_20, %swap3A_21], %swap3A_24 {strides = array<i32>} : memref<2x256x24xf32, #tpu.memory_space<vmem>>, vector<1x256x24xf32>,
    return
  }
  func.func @transform_0(%arg0: i32) -> (i32, i32) {
    %c0_i32 = arith.constant 0 : i32
    %c0_i32_0 = arith.constant 0 : i32
    return %arg0, %c0_i32 : i32, i32
  }
  func.func @transform_1(%arg0: i32) -> (i32, i32) {
    %c0_i32 = arith.constant 0 : i32
    %c0_i32_0 = arith.constant 0 : i32
    %c0_i32_1 = arith.constant 0 : i32
    return %c0_i32, %c0_i32_0 : i32, i32
  }
  func.func @transform_2(%arg0: i32) -> (i32, i32) {
    %c0_i32 = arith.constant 0 : i32
    %c0_i32_0 = arith.constant 0 : i32
    return %c0_i32, %arg0 : i32, i32
  }
  func.func @transform_3(%arg0: i32) -> (i32, i32, i32) {
    %c0_i32 = arith.constant 0 : i32
    %c0_i32_0 = arith.constant 0 : i32
    %c0_i32_1 = arith.constant 0 : i32
    return %c0_i32, %arg0, %c0_i32_0 : i32, i32, i32
  }
}

module attributes {stable_mosaic.version = 14 : i64} {
  func.func @_k2_body(%arg0: i32, %arg1: memref<2x256x24xf32, #tpu.memory_space<vmem>>, %arg2: memref<2x256x24xf32, #tpu.memory_space<vmem>>, %arg3: memref<32x256xf32, #tpu.memory_space<vmem>>, %arg4: memref<2x256x24xf32, #tpu.memory_space<vmem>>) attributes {dimension_semantics = [#tpu.dimension_semantics<arbitrary>], iteration_bounds = array<i64: 40>, scalar_prefetch = 0 : i64, scratch_operands = 0 : i64, tpu.core_type = #tpu.core_type<tc>, window_params = [{transform_indices = @transform_0, window_bounds = array<i64: 2, 256, 24>}, {transform_indices = @transform_1, window_bounds = array<i64: 2, 256, 24>}, {transform_indices = @transform_2, window_bounds = array<i64: 32, 256>}, {transform_indices = @transform_3, window_bounds = array<i64: 2, 256, 24>}]} {
    %get3A = arith.constant 0 : index
    %get3A_0 = arith.constant 0 : index
    %get3A_1 = vector.load %arg3[%get3A, %get3A_0] : memref<32x256xf32, #tpu.memory_space<vmem>>, vector<32x256xf32>
    %reduce_sum3A = arith.constant dense<0.000000e+00> : vector<256xf32>
    %reduce_sum3A_2 = vector.multi_reduction <add>, %get3A_1, %reduce_sum3A [0] : vector<32x256xf32> to vector<256xf32>
    %add3A = arith.constant 1.000000e+00 : f32
    %add3A_3 = vector.broadcast %add3A : f32 to vector<256xf32>
    %add3A_4 = arith.addf %reduce_sum3A_2, %add3A_3 : vector<256xf32>
    %div3A = arith.constant 1.000000e+00 : f32
    %div3A_5 = vector.broadcast %div3A : f32 to vector<256xf32>
    %div3A_6 = arith.divf %div3A_5, %add3A_4 : vector<256xf32>
    %broadcast_in_dim3A = vector.shape_cast %div3A_6 : vector<256xf32> to vector<256x1xf32>
    %get3A_7 = arith.constant 0 : index
    %get3A_8 = arith.constant 0 : index
    %get3A_9 = arith.constant 0 : index
    %get3A_10 = vector.load %arg1[%get3A_7, %get3A_8, %get3A_9] : memref<2x256x24xf32, #tpu.memory_space<vmem>>, vector<1x256x24xf32>
    %get3A_11 = vector.shape_cast %get3A_10 : vector<1x256x24xf32> to vector<256x24xf32>
    %get3A_12 = arith.constant 0 : index
    %get3A_13 = arith.constant 0 : index
    %get3A_14 = arith.constant 0 : index
    %get3A_15 = vector.load %arg2[%get3A_12, %get3A_13, %get3A_14] : memref<2x256x24xf32, #tpu.memory_space<vmem>>, vector<1x256x24xf32>
    %get3A_16 = vector.shape_cast %get3A_15 : vector<1x256x24xf32> to vector<256x24xf32>
    %add3A_17 = arith.addf %get3A_11, %get3A_16 : vector<256x24xf32>
    %mul3A = vector.broadcast %broadcast_in_dim3A : vector<256x1xf32> to vector<256x24xf32>
    %mul3A_18 = arith.mulf %add3A_17, %mul3A : vector<256x24xf32>
    %swap3A = arith.constant 0 : index
    %swap3A_19 = arith.constant 0 : index
    %swap3A_20 = arith.constant 0 : index
    %swap3A_21 = vector.load %arg4[%swap3A, %swap3A_19, %swap3A_20] : memref<2x256x24xf32, #tpu.memory_space<vmem>>, vector<1x256x24xf32>
    %swap3A_22 = vector.shape_cast %swap3A_21 : vector<1x256x24xf32> to vector<256x24xf32>
    %swap3A_23 = vector.shape_cast %mul3A_18 : vector<256x24xf32> to vector<1x256x24xf32>
    tpu.vector_store %arg4[%swap3A, %swap3A_19, %swap3A_20], %swap3A_23 {strides = array<i32>} : memref<2x256x24xf32, #tpu.memory_space<vmem>>, vector<1x256x24xf32>,
    %get3A_24 = arith.constant 1 : index
    %get3A_25 = arith.constant 0 : index
    %get3A_26 = arith.constant 0 : index
    %get3A_27 = vector.load %arg1[%get3A_24, %get3A_25, %get3A_26] : memref<2x256x24xf32, #tpu.memory_space<vmem>>, vector<1x256x24xf32>
    %get3A_28 = vector.shape_cast %get3A_27 : vector<1x256x24xf32> to vector<256x24xf32>
    %get3A_29 = arith.constant 1 : index
    %get3A_30 = arith.constant 0 : index
    %get3A_31 = arith.constant 0 : index
    %get3A_32 = vector.load %arg2[%get3A_29, %get3A_30, %get3A_31] : memref<2x256x24xf32, #tpu.memory_space<vmem>>, vector<1x256x24xf32>
    %get3A_33 = vector.shape_cast %get3A_32 : vector<1x256x24xf32> to vector<256x24xf32>
    %add3A_34 = arith.addf %get3A_28, %get3A_33 : vector<256x24xf32>
    %mul3A_35 = vector.broadcast %broadcast_in_dim3A : vector<256x1xf32> to vector<256x24xf32>
    %mul3A_36 = arith.mulf %add3A_34, %mul3A_35 : vector<256x24xf32>
    %swap3A_37 = arith.constant 1 : index
    %swap3A_38 = arith.constant 0 : index
    %swap3A_39 = arith.constant 0 : index
    %swap3A_40 = vector.load %arg4[%swap3A_37, %swap3A_38, %swap3A_39] : memref<2x256x24xf32, #tpu.memory_space<vmem>>, vector<1x256x24xf32>
    %swap3A_41 = vector.shape_cast %swap3A_40 : vector<1x256x24xf32> to vector<256x24xf32>
    %swap3A_42 = vector.shape_cast %mul3A_36 : vector<256x24xf32> to vector<1x256x24xf32>
    tpu.vector_store %arg4[%swap3A_37, %swap3A_38, %swap3A_39], %swap3A_42 {strides = array<i32>} : memref<2x256x24xf32, #tpu.memory_space<vmem>>, vector<1x256x24xf32>,
    return
  }
  func.func @transform_0(%arg0: i32) -> (i32, i32, i32) {
    %c0_i32 = arith.constant 0 : i32
    %c0_i32_0 = arith.constant 0 : i32
    %c0_i32_1 = arith.constant 0 : i32
    return %c0_i32, %arg0, %c0_i32_0 : i32, i32, i32
  }
  func.func @transform_1(%arg0: i32) -> (i32, i32, i32) {
    %c0_i32 = arith.constant 0 : i32
    %c0_i32_0 = arith.constant 0 : i32
    %c0_i32_1 = arith.constant 0 : i32
    return %c0_i32, %arg0, %c0_i32_0 : i32, i32, i32
  }
  func.func @transform_2(%arg0: i32) -> (i32, i32) {
    %c0_i32 = arith.constant 0 : i32
    %c0_i32_0 = arith.constant 0 : i32
    return %c0_i32, %arg0 : i32, i32
  }
  func.func @transform_3(%arg0: i32) -> (i32, i32, i32) {
    %c0_i32 = arith.constant 0 : i32
    %c0_i32_0 = arith.constant 0 : i32
    %c0_i32_1 = arith.constant 0 : i32
    return %c0_i32, %arg0, %c0_i32_0 : i32, i32, i32
  }
}

module attributes {stable_mosaic.version = 14 : i64} {
  func.func @_k3_body(%arg0: i32, %arg1: memref<2x256x24xf32, #tpu.memory_space<vmem>>, %arg2: memref<2x256x24xf32, #tpu.memory_space<vmem>>, %arg3: memref<32x256xf32, #tpu.memory_space<vmem>>, %arg4: memref<1x48xf32, #tpu.memory_space<vmem>>, %arg5: memref<256x48xf32, #tpu.memory_space<vmem>>) attributes {dimension_semantics = [#tpu.dimension_semantics<arbitrary>], iteration_bounds = array<i64: 40>, scalar_prefetch = 0 : i64, scratch_operands = 0 : i64, tpu.core_type = #tpu.core_type<tc>, window_params = [{transform_indices = @transform_0, window_bounds = array<i64: 2, 256, 24>}, {transform_indices = @transform_1, window_bounds = array<i64: 2, 256, 24>}, {transform_indices = @transform_2, window_bounds = array<i64: 32, 256>}, {pipeline_mode = #tpu.pipeline_mode<synchronous>, transform_indices = @transform_3, window_bounds = array<i64: 1, 48>}, {transform_indices = @transform_4, window_bounds = array<i64: 256, 48>}]} {
    %get3A = arith.constant 0 : index
    %get3A_0 = arith.constant 0 : index
    %get3A_1 = vector.load %arg3[%get3A, %get3A_0] : memref<32x256xf32, #tpu.memory_space<vmem>>, vector<32x256xf32>
    %reduce_sum3A = arith.constant dense<0.000000e+00> : vector<256xf32>
    %reduce_sum3A_2 = vector.multi_reduction <add>, %get3A_1, %reduce_sum3A [0] : vector<32x256xf32> to vector<256xf32>
    %add3A = arith.constant 1.000000e+00 : f32
    %add3A_3 = vector.broadcast %add3A : f32 to vector<256xf32>
    %add3A_4 = arith.addf %reduce_sum3A_2, %add3A_3 : vector<256xf32>
    %rsqrt3A = math.rsqrt %add3A_4 : vector<256xf32>
    %get3A_5 = arith.constant 0 : index
    %get3A_6 = arith.constant 0 : index
    %get3A_7 = arith.constant 0 : index
    %get3A_8 = vector.load %arg1[%get3A_5, %get3A_6, %get3A_7] : memref<2x256x24xf32, #tpu.memory_space<vmem>>, vector<1x256x24xf32>
    %get3A_9 = vector.shape_cast %get3A_8 : vector<1x256x24xf32> to vector<256x24xf32>
    %get3A_10 = arith.constant 0 : index
    %get3A_11 = arith.constant 0 : index
    %get3A_12 = arith.constant 0 : index
    %get3A_13 = vector.load %arg2[%get3A_10, %get3A_11, %get3A_12] : memref<2x256x24xf32, #tpu.memory_space<vmem>>, vector<1x256x24xf32>
    %get3A_14 = vector.shape_cast %get3A_13 : vector<1x256x24xf32> to vector<256x24xf32>
    %add3A_15 = arith.addf %get3A_9, %get3A_14 : vector<256x24xf32>
    %get3A_16 = arith.constant 1 : index
    %get3A_17 = arith.constant 0 : index
    %get3A_18 = arith.constant 0 : index
    %get3A_19 = vector.load %arg1[%get3A_16, %get3A_17, %get3A_18] : memref<2x256x24xf32, #tpu.memory_space<vmem>>, vector<1x256x24xf32>
    %get3A_20 = vector.shape_cast %get3A_19 : vector<1x256x24xf32> to vector<256x24xf32>
    %get3A_21 = arith.constant 1 : index
    %get3A_22 = arith.constant 0 : index
    %get3A_23 = arith.constant 0 : index
    %get3A_24 = vector.load %arg2[%get3A_21, %get3A_22, %get3A_23] : memref<2x256x24xf32, #tpu.memory_space<vmem>>, vector<1x256x24xf32>
    %get3A_25 = vector.shape_cast %get3A_24 : vector<1x256x24xf32> to vector<256x24xf32>
    %add3A_26 = arith.addf %get3A_20, %get3A_25 : vector<256x24xf32>
    %concatenate3A = tpu.concatenate %add3A_15, %add3A_26 in 1 : vector<256x24xf32>, vector<256x24xf32> -> vector<256x48xf32>
    %broadcast_in_dim3A = vector.shape_cast %rsqrt3A : vector<256xf32> to vector<256x1xf32>
    %mul3A = vector.broadcast %broadcast_in_dim3A : vector<256x1xf32> to vector<256x48xf32>
    %mul3A_27 = arith.mulf %concatenate3A, %mul3A : vector<256x48xf32>
    %get3A_28 = arith.constant 0 : index
    %get3A_29 = arith.constant 0 : index
    %get3A_30 = vector.load %arg4[%get3A_28, %get3A_29] : memref<1x48xf32, #tpu.memory_space<vmem>>, vector<1x48xf32>
    %add3A_31 = vector.broadcast %get3A_30 : vector<1x48xf32> to vector<256x48xf32>
    %add3A_32 = arith.addf %mul3A_27, %add3A_31 : vector<256x48xf32>
    %iota3A = tpu.iota {dimensions = array<i32: 1>} : vector<256x48xi32>
    %lt3A = arith.constant 40 : i32
    %lt3A_33 = vector.broadcast %lt3A : i32 to vector<256x48xi32>
    %lt3A_34 = arith.cmpi slt, %iota3A, %lt3A_33 : vector<256x48xi32>
    %jit3A = arith.constant 0xFF800000 : f32
    %broadcast_in_dim3A_35 = vector.broadcast %jit3A : f32 to vector<256x48xf32>
    %select_n3A = arith.select %lt3A_34, %add3A_32, %broadcast_in_dim3A_35 : vector<256x48xi1>, vector<256x48xf32>
    %reduce_max3A = arith.constant dense<0xFF800000> : vector<256xf32>
    %reduce_max3A_36 = vector.multi_reduction <maximumf>, %select_n3A, %reduce_max3A [1] : vector<256x48xf32> to vector<256xf32>
    %broadcast_in_dim3A_37 = vector.shape_cast %reduce_max3A_36 : vector<256xf32> to vector<256x1xf32>
    %sub3A = vector.broadcast %broadcast_in_dim3A_37 : vector<256x1xf32> to vector<256x48xf32>
    %sub3A_38 = arith.subf %add3A_32, %sub3A : vector<256x48xf32>
    %exp3A = math.exp %sub3A_38 : vector<256x48xf32>
    %jit3A_39 = arith.constant 0.000000e+00 : f32
    %broadcast_in_dim3A_40 = vector.broadcast %jit3A_39 : f32 to vector<256x48xf32>
    %select_n3A_41 = arith.select %lt3A_34, %exp3A, %broadcast_in_dim3A_40 : vector<256x48xi1>, vector<256x48xf32>
    %reduce_sum3A_42 = arith.constant dense<0.000000e+00> : vector<256xf32>
    %reduce_sum3A_43 = vector.multi_reduction <add>, %select_n3A_41, %reduce_sum3A_42 [1] : vector<256x48xf32> to vector<256xf32>
    %broadcast_in_dim3A_44 = vector.shape_cast %reduce_sum3A_43 : vector<256xf32> to vector<256x1xf32>
    %log3A = math.log %broadcast_in_dim3A_44 : vector<256x1xf32>
    %add3A_45 = arith.addf %log3A, %broadcast_in_dim3A_37 : vector<256x1xf32>
    %sub3A_46 = vector.broadcast %add3A_45 : vector<256x1xf32> to vector<256x48xf32>
    %sub3A_47 = arith.subf %add3A_32, %sub3A_46 : vector<256x48xf32>
    %swap3A = arith.constant 0 : index
    %swap3A_48 = arith.constant 0 : index
    %swap3A_49 = vector.load %arg5[%swap3A, %swap3A_48] : memref<256x48xf32, #tpu.memory_space<vmem>>, vector<256x48xf32>
    tpu.vector_store %arg5[%swap3A, %swap3A_48], %sub3A_47 {strides = array<i32>} : memref<256x48xf32, #tpu.memory_space<vmem>>, vector<256x48xf32>,
    return
  }
  func.func @transform_0(%arg0: i32) -> (i32, i32, i32) {
    %c0_i32 = arith.constant 0 : i32
    %c0_i32_0 = arith.constant 0 : i32
    %c0_i32_1 = arith.constant 0 : i32
    return %c0_i32, %arg0, %c0_i32_0 : i32, i32, i32
  }
  func.func @transform_1(%arg0: i32) -> (i32, i32, i32) {
    %c0_i32 = arith.constant 0 : i32
    %c0_i32_0 = arith.constant 0 : i32
    %c0_i32_1 = arith.constant 0 : i32
    return %c0_i32, %arg0, %c0_i32_0 : i32, i32, i32
  }
  func.func @transform_2(%arg0: i32) -> (i32, i32) {
    %c0_i32 = arith.constant 0 : i32
    %c0_i32_0 = arith.constant 0 : i32
    return %c0_i32, %arg0 : i32, i32
  }
  func.func @transform_3(%arg0: i32) -> (i32, i32) {
    %c0_i32 = arith.constant 0 : i32
    %c0_i32_0 = arith.constant 0 : i32
    %c0_i32_1 = arith.constant 0 : i32
    return %c0_i32, %c0_i32_0 : i32, i32
  }
  func.func @transform_4(%arg0: i32) -> (i32, i32) {
    %c0_i32 = arith.constant 0 : i32
    %c0_i32_0 = arith.constant 0 : i32
    return %arg0, %c0_i32 : i32, i32
  }
}

</mosaic_0001>

<sc_bundles>
// kernel: kernel.11.cloned.1.call-start
scs
__scs_entry_jumppad:
0x0: {  	(pc) =	sbr.rel $0x88, $3  }
0x1: {  	(tag) =	ssettag $0x0;
	lr =	simm.s32 $0x1  }
0x2: {  	[smem:$0x3F9D] =	sst lr;
	_ =	strace $0xD0000000  }
0x3: {  	_ = 	snop  }
0x4: {  	_ = 	snop  }
0x5: {  	_ = 	snop  }
0x6: {  	_ = 	snop  }
0x7: {  	_ = 	snop  }
__scs_overlays_trampoline_lowered:
0x8: {  	[smem:$0x3FAC] =	sst s0  }
0x9: {  	[smem:$0x3FAD] =	sst s1  }
0xa: {  	[smem:$0x3FAE] =	sst s2  }
0xb: {  	[smem:$0x3FAF] =	sst s3  }
0xc: {  	[smem:$0x3FB0] =	sst s4  }
0xd: {  	[smem:$0x3FB1] =	sst s5  }
0xe: {  	[smem:$0x3FB2] =	sst s6  }
0xf: {  	[smem:$0x3FB3] =	sst s7  }
0x10: {  	[smem:$0x3FB4] =	sst s8  }
0x11: {  	[smem:$0x3FB5] =	sst s9;
	s0 =	simm.s32 @!p0 $0x0  }
0x12: {  	s1 =	sld [smem:$0x3F9B];
	s0 =	simm.s32 @p0 $0x1  }
0x13: {  	[smem:$0x3FB6] =	sst s0;
	s0 =	simm.s32 @!p1 $0x0  }
0x14: {  	s2 =	sld [smem:$0x3F9A];
	s0 =	simm.s32 @p1 $0x1  }
0x15: {  	[smem:$0x3FB7] =	sst s0;
	s0 =	simm.s32 @!p2 $0x0  }
0x16: {  	s3 =	sld [smem:$0x3FDB];
	s0 =	simm.s32 @p2 $0x1  }
0x17: {  	s4 =	simm.s32 $0x1BF5;
	[smem:$0x3FB9] =	sst s0  }
0x18: {  	s0 =	sld [smem:$0x3F9C];
	_ =	swait.ge [sflag:s4], $0x0  }
0x19: {  	s7 =	sld [smem:$0x3F9D]  }
0x1a: {  	s8 =	sadd.s32 $0xFFFFE003, lr  }
0x1b: {  	s9 =	sadd.s32 $0xFFFFFEF7, lr;
	s5 =	simm.s32 $0xFFFFFFFF;
	p2 =	slt.u32 s8, $0xFFFFF086  }
0x1c: {  	p1 =	slt.u32 s9, $0xF7A;
	s5 =	simm.s32 @!p2 $0x0  }
0x1d: {  	s5 =	simm.s32 @p1 $0x1;
	p0 =	seq.s32 s7, s2  }
0x1e: {  	s7 =	smul.u32 @!p0 $0xF7A, s2;
	p2 =	seq.s32 @!p0 s5, $0x0  }
0x1f: {  	s9 =	smul.u32 $0xF7A, s1;
	s8 =	simm.s32 @!p0 $0x1BF5;
	p2 =	por !p2, p0  }
0x20: {  	[sflag:s8] =	ssyncset.s32 @!p0 $0xFFFFF086;
	s6 =	sadd.s32 @!p0 s3, s7;
	s7 =	simm.s32 @!p0 $0x108  }
0x21: {  	s3 =	sadd.s32 s3, s9;
	s6 =	sadd.s32 @!p0 $0x88, s6;
	s7 =	simm.s32 @p2 $0x1082  }
0x22: {  	[simem:s7], [sflag:s8] =	dma.local @!p0 [hbm:s6], $0xF7A  }
0x23: {  	s9 =	sor.u32 $0xD0000000, s2;
	s6 =	simm.s32 $0x108;
	_ =	swait.ge @!p0 [sflag:s8], $0x0  }
0x24: {  	s3 =	sadd.s32 $0x88, s3;
	s6 =	simm.s32 @!p1 $0x1082;
	[sflag:s4] =	ssyncset.s32 $0xFFFFF086  }
0x25: {  	[simem:s6], [sflag:s4] =	dma.local [hbm:s3], $0xF7A  }
0x26: {  	[smem:$0x3F9D] =	sst s1;
	(tag) =	ssettag s2;
	_ =	strace s9  }
0x27: {  	s1 =	sld [smem:$0x3FAD]  }
0x28: {  	s2 =	sld [smem:$0x3FAE]  }
0x29: {  	s4 =	sld [smem:$0x3FB0]  }
0x2a: {  	p0 =	seq.s32 s5, $0x0;
	s5 =	sld [smem:$0x3FB1]  }
0x2b: {  	s6 =	sld [smem:$0x3FB2]  }
0x2c: {  	s7 =	sld [smem:$0x3FB3]  }
0x2d: {  	s3 =	simm.s32 $0x108;
	s8 =	sld [smem:$0x3FB4]  }
0x2e: {  	s3 =	simm.s32 @!p0 $0x1082;
	s9 =	sld [smem:$0x3FB5]  }
0x2f: {  	lr =	sadd.s32 s0, s3;
	s0 =	sld [smem:$0x3FAC]  }
0x30: {  	s3 =	sld [smem:$0x3FAF]  }
0x31: {  	[smem:$0x3FB8] =	sst s10  }
0x32: {  	s10 =	sld [smem:$0x3FB6];
	_ =	sdelay $0x3  }
0x33: {  	p0 =	seq.s32 s10, $0x1;
	s10 =	sld [smem:$0x3FB8];
	_ =	sdelay $0x3  }
0x34: {  	[smem:$0x3FB8] =	sst s10  }
0x35: {  	s10 =	sld [smem:$0x3FB7];
	_ =	sdelay $0x3  }
0x36: {  	p1 =	seq.s32 s10, $0x1;
	s10 =	sld [smem:$0x3FB8];
	_ =	sdelay $0x3  }
0x37: {  	[smem:$0x3FB8] =	sst s10  }
0x38: {  	s10 =	sld [smem:$0x3FB9]  }
0x39: {  	_ = 	snop;
	(pc) =	sbr.ind lr, $3  }
0x3a: {  	_ = 	snop  }
0x3b: {  	_ = 	snop  }
0x3c: {  	p2 =	seq.s32 s10, $0x1;
	s10 =	sld [smem:$0x3FB8]  }
0x3d: {  	_ =	shalt  }
0x3e: {  	_ =	shalt  }
0x3f: {  	_ =	shalt  }
0x40: {  	_ =	shalt  }
0x41: {  	_ =	shalt  }
0x42: {  	_ =	shalt  }
0x43: {  	_ =	shalt  }
0x44: {  	_ =	shalt  }
0x45: {  	_ =	shalt  }
0x46: {  	_ =	shalt  }
0x47: {  	_ =	shalt  }
0x48: {  	_ =	shalt  }
0x49: {  	_ =	shalt  }
0x4a: {  	_ =	shalt  }
0x4b: {  	_ =	shalt  }
0x4c: {  	_ =	shalt  }
0x4d: {  	_ =	shalt  }
0x4e: {  	_ =	shalt  }
0x4f: {  	_ =	shalt  }
0x50: {  	_ =	shalt  }
0x51: {  	_ =	shalt  }
0x52: {  	_ =	shalt  }
0x53: {  	_ =	shalt  }
0x54: {  	_ =	shalt  }
0x55: {  	_ =	shalt  }
0x56: {  	_ =	shalt  }
0x57: {  	_ =	shalt  }
0x58: {  	_ =	shalt  }
0x59: {  	_ =	shalt  }
0x5a: {  	_ =	shalt  }
0x5b: {  	_ =	shalt  }
0x5c: {  	_ =	shalt  }
0x5d: {  	_ =	shalt  }
0x5e: {  	_ =	shalt  }
0x5f: {  	_ =	shalt  }
0x60: {  	_ =	shalt  }
0x61: {  	_ =	shalt  }
0x62: {  	_ =	shalt  }
0x63: {  	_ =	shalt  }
0x64: {  	_ =	shalt  }
0x65: {  	_ =	shalt  }
0x66: {  	_ =	shalt  }
0x67: {  	_ =	shalt  }
0x68: {  	_ =	shalt  }
0x69: {  	_ =	shalt  }
0x6a: {  	_ =	shalt  }
0x6b: {  	_ =	shalt  }
0x6c: {  	_ =	shalt  }
0x6d: {  	_ =	shalt  }
0x6e: {  	_ =	shalt  }
0x6f: {  	_ =	shalt  }
0x70: {  	_ =	shalt  }
0x71: {  	_ =	shalt  }
0x72: {  	_ =	shalt  }
0x73: {  	_ =	shalt  }
0x74: {  	_ =	shalt  }
0x75: {  	_ =	shalt  }
0x76: {  	_ =	shalt  }
0x77: {  	_ =	shalt  }
0x78: {  	_ =	shalt  }
0x79: {  	_ =	shalt  }
0x7a: {  	_ =	shalt  }
0x7b: {  	_ =	shalt  }
0x7c: {  	_ =	shalt  }
0x7d: {  	_ =	shalt  }
0x7e: {  	_ =	shalt  }
0x7f: {  	_ =	shalt  }
0x80: {  	_ =	shalt  }
0x81: {  	_ =	shalt  }
0x82: {  	_ =	shalt  }
0x83: {  	_ =	shalt  }
0x84: {  	_ =	shalt  }
0x85: {  	_ =	shalt  }
0x86: {  	_ =	shalt  }
0x87: {  	_ =	shalt  }
.Lfunc_end0:
.L_simem_size_0:
called_computation.1_lowered:
.L_overlay_start_0:
0x88: {  	s2 =	sld [smem:$0x3FD9]  }
0x89: {  	s3 =	sld [smem:$0x3FFE];
	_ =	sdelay $0x1  }
0x8a: {  	s1 =	srdreg.scid  }
0x8b: {  	s0 =	sand.u32 $0x1, s1  }
0x8c: {  	s17 =	sshll.u32 s0, $0xA;
	s2 =	sadd.s32 s3, s2  }
0x8d: {  	s2 =	sadd.s32 s2, s17  }
0x8e: {  	[smem:$0x3FC4] =	sst s2  }
0x8f: {  	_ = 	snop  }
0x90: {  	s2 =	sld [smem:$0x3FD0];
	(tm) =	ssettm $0x1  }
0x91: {  	s18 =	sld [smem:$0x3FFB];
	_ =	sdelay $0x3  }
0x92: {  	_ =	strace s18  }
0x93: {  	s3 =	sld [smem:$0x3FFC];
	_ =	sdelay $0x3  }
0x94: {  	_ =	strace s3  }
0x95: {  	s3 =	sld [smem:$0x3FFD];
	_ =	sdelay $0x3  }
0x96: {  	_ =	strace s3  }
0x97: {  	_ =	strace $0x8FFFFFFF  }
0x98: {  	s19 =	sld [smem:$0x3FDB];
	_ =	sdelay $0x1  }
0x99: {  	s4 =	simm.s32 $_scs_section_size  }
0x9a: {  	s5 =	simm.s32 $_size__tile_overlayer_lowered;
	s6 =	simm.s32 $_tile_overlayer_lowered  }
0x9b: {  	s22 =	simm.s32 $0x1BFF;
	s21 =	sshll.u32 s6, $0x1;
	s3 =	sadd.s32 s4, s19  }
0x9c: {  	s7 =	simm.s32 $0x0;
	s20 =	sshll.u32 s5, $0x1;
	s5 =	sadd.s32 s21, s3  }
0x9d: {  	[timem:s7], [sflag:s22] =	dma.local [hbm:s5], s20  }
0x9e: {  	_ =	swait.ge [sflag:s22], s20  }
0x9f: {  	s4 =	ssub.s32 $0x0, s20;
	[sflag:s22] =	ssyncset.done $0x0  }
0xa0: {  	[sflag:s22] =	ssyncadd.s32 s4;
	_ =	sdelay $0x1  }
0xa1: {  	s23 =	simm.s32 $0x1B8B  }
0xa2: {  	_ =	swait.ge [sflag:s23], $0x1  }
0xa3: {  	[sflag:s23] =	ssyncset.done $0x0  }
0xa4: {  	s25 =	simm.s32 $0x1B8E;
	s24 =	sld [smem:$0x3FFE];
	[sflag:s23] =	ssyncadd.s32 $0xFFFFFFFF  }
0xa5: {  	s26 =	simm.s32 $execute0_lowered;
	[smem:$0x3FD2] =	sst s25  }
0xa6: {  	s5 =	sshll.u32 s26, $0x1;
	_ =	strace $0x80000049;
	[dreg:$0x1] =	wrdreg $0xFFFFFFFF  }
0xa7: {  	s28 =	simm.s32 $_size_execute0_lowered;
	s3 =	sadd.s32 s3, s5;
	[dreg:$0x0] =	wrdreg $0x0  }
0xa8: {  	s5 =	sshll.u32 s28, $0x1;
	[dreg:$0x2] =	wrdreg s3  }
0xa9: {  	[dreg:$0x3] =	wrdreg s5  }
0xaa: {  	[dreg:$0x4] =	wrdreg $0xC0  }
0xab: {  	_ =	task [dreg:s7], $0x5FFFF  }
0xac: {  	[dreg:$0x1] =	wrdreg $0xFFFFFFFF  }
0xad: {  	[dreg:$0x0] =	wrdreg $0x60  }
0xae: {  	[dreg:$0x2] =	wrdreg s2  }
0xaf: {  	[dreg:$0x3] =	wrdreg s24  }
0xb0: {  	[dreg:$0x4] =	wrdreg $0x148000  }
0xb1: {  	[dreg:$0x5] =	wrdreg $0x10C000  }
0xb2: {  	[dreg:$0x6] =	wrdreg $0x9  }
0xb3: {  	_ =	task.clear_ibuf [dreg:s7], $0x7FFFF;
	_ =	strace $0x90000049  }
0xb4: {  	s29 =	simm.s32 $0x9;
	_ =	strace $0x8000004B  }
0xb5: {  	_ =	swait.ge [sflag:s29], $0x1  }
0xb6: {  	[sflag:s29] =	ssyncadd.s32 $0xFFFFFFFF  }
0xb7: {  	_ =	strace $0x9000004B  }
0xb8: {  	_ =	sfence  }
0xb9: {  	s30 =	sld [smem:$0x0];
	_ =	sdelay $0x2  }
0xba: {  	s31 =	sshll.u32 s1, $0xD;
	s1 =	sshrl.u32 s1, $0x2  }
0xbb: {  	s3 =	sand.u32 $0x4000, s31;
	s1 =	sadd.s32 s1, s30  }
0xbc: {  	s0 =	sor.u32 s3, s0;
	s1 =	sshll.u32 s1, $0x11  }
0xbd: {  	s0 =	sor.u32 s1, s0  }
0xbe: {  	s0 =	sadd.s32 $0x8F2B, s0  }
0xbf: {  	[sflag:s0] =	ssyncadd.remote.s32 $0x1  }
0xc0: {  	_ =	sfence.sel $0xFFFF  }
0xc1: {  	[dreg:$0x0] =	wrdreg $0xFFFFFFFF;
	(pc) =	sbr.abs _section_cstart, $3  }
0xc2: {  	[dreg:$0x1] =	wrdreg $0xFFFFFFFF  }
0xc3: {  	_ =	task.clear_ibuf [dreg:s7], $0x2FFFF;
	_ =	strace $0x9FFFFFFF  }
0xc4: {  	(tm) =	ssettm $0x7FFFFFFF  }
0xc5: {  	_ =	shalt  }
tec
execute0_lowered:
.L_overlay_start_1:
0x0: {  	(tag) =	ssettag $0x1  }
0x1: {  	s0 =	rddreg [dreg:$0x0]  }
0x2: {  	s1 =	rddreg [dreg:$0x1]  }
0x3: {  	s2 =	rddreg [dreg:$0x2]  }
0x4: {  	s3 =	rddreg [dreg:$0x3]  }
0x5: {  	s11 =	stileid.u32;
	s5 =	srdreg.scid;
	s7 =	simm.s32 $0x0  }
0x6: {  	s19 =	simm.s32 $0x10000;
	s20 =	simm.s32 $0x80;
	s21 =	simm.s32 $0xA000  }
0x7: {  	s28 =	simm.s32 $0xC400;
	s29 =	simm.s32 $0x1;
	s4 =	smul.u32 $0xA00, s11  }
0x8: {  	s30 =	simm.s32 $0xD000;
	s31 =	simm.s32 $0x2;
	s6 =	smul.u32 $0x3C00, s11  }
0x9: {  	s5 =	sand.u32 $0x1, s5;
	[smem:$0x7FF] =	sst s7;
	s10 =	smul.u32 $0xF000, s11  }
0xa: {  	s25 =	sshll.u32 s11, $0x6;
	s14 =	smul.u32 $0x3C000, s5;
	s5 =	ssub.s32 $0x2, s5  }
0xb: {  	_ =	strace $0x8000004A;
	s8 =	sadd.s32 s4, s1;
	s9 =	sshrl.u32 s5, $0x1  }
0xc: {  	s0 =	sadd.s32 s0, s4;
	s16 =	sadd.s32 s6, s2;
	s17 =	sshrl.u32 s10, $0x2  }
0xd: {  	s18 =	sadd.s32 s6, s3;
	s10 =	simm.s32 $0xC;
	s7 =	sadd.s32 s6, s14  }
0xe: {  	s5 =	ssub.s32 s5, s9;
	[dreg:$0x5] =	wrdreg s0;
	s15 =	sadd.s32 $0xB800, s8  }
0xf: {  	s4 =	sadd.s32 s17, s3;
	s17 =	sor.u32 $0x1C11, s25;
	s0 =	sshrl.u32 s16, $0x3  }
0x10: {  	s26 =	sshrl.u32 s18, $0x3;
	s16 =	simm.s32 $0xE800;
	[dreg:$0x6] =	wrdreg s15  }
0x11: {  	s6 =	simm.s32 $0x7;
	s8 =	simm.s32 $0x8;
	[dreg:$0x9] =	wrdreg s4  }
0x12: {  	s18 =	simm.s32 $0x0;
	s7 =	sshrl.u32 s7, $0x3;
	[dreg:$0xf] =	wrdreg s0  }
0x13: {  	s5 =	smax.u32 s5, $0x1;
	s22 =	sadd.s32 $0xC00, s4;
	[dreg:$0x10] =	wrdreg s26  }
0x14: {  	s23 =	sadd.s32 $0x1800, s4;
	s24 =	sadd.s32 $0x2400, s4;
	[dreg:$0xa] =	wrdreg s5  }
0x15: {  	s4 =	sadd.s32 $0x3000, s4;
	s15 =	simm.s32 $0x11;
	[dreg:$0xb] =	wrdreg s22  }
0x16: {  	s0 =	simm.s32 $0xDC00;
	s26 =	simm.s32 $0xF400;
	[dreg:$0xc] =	wrdreg s23  }
.Ltmp0:
0x17: {  	s1 =	sadd.s32 s7, s1;
	[dreg:$0xd] =	wrdreg s24;
	(pc) =	sbr.rel .LBB2_1-.Ltmp0, $4  }
0x18: {  	[dreg:$0xe] =	wrdreg s4;
	s22 =	simm.s32 $0xAC00;
	s24 =	simm.s32 $0xB800  }
0x19: {  	s23 =	simm.s32 $0x4;
	s4 =	simm.s32 $0x5;
	s7 =	sadd.s32 $0x65800, s1  }
0x1a: {  	s5 =	simm.s32 $0x9;
	s1 =	sadd.s32 $0x74800, s1;
	[dreg:$0x7] =	wrdreg s7  }
0x1b: {  	v0 =	vimm.f32 $0.0e+00;
	[dreg:$0x8] =	wrdreg s1;
	s1 =	simm.s32 $0x3;
	s7 =	simm.s32 $0xB  }
.LBB2_6:
0x1c: {  	_ =	swait.ge [sflag:s8], $0xC00  }
0x1d: {  	[sflag:s8] =	ssyncset.done $0x0  }
0x1e: {  	[sflag:s8] =	ssyncadd.s32 $0xFFFFF400  }
0x1f: {  	[spmem:s3] =	stream.indirect.scatter.add.f32 [tilespmem:s26], [sflag:$0x10], $0x18, s11, s20, $0xb8;
	[tilespmem:$0x18400] =	vst v63  }
0x20: {  	_ =	swait.ge [sflag:s10], $0xC00  }
0x21: {  	[sflag:s10] =	ssyncset.done $0x0  }
0x22: {  	s9 =	simm.s32 $0xD;
	[sflag:s10] =	ssyncadd.s32 $0xFFFFF400  }
0x23: {  	_ =	swait.ge [sflag:s9], $0xC00  }
0x24: {  	[sflag:s9] =	ssyncset.done $0x0  }
0x25: {  	s25 =	simm.s32 $0xE;
	[sflag:s9] =	ssyncadd.s32 $0xFFFFF400  }
0x26: {  	_ =	swait.ge [sflag:s25], $0xC00  }
0x27: {  	[sflag:s25] =	ssyncset.done $0x0  }
0x28: {  	s11 =	simm.s32 $0xF;
	[sflag:s25] =	ssyncadd.s32 $0xFFFFF400  }
0x29: {  	_ =	swait.ge [sflag:s11], $0xC00  }
0x2a: {  	[sflag:s11] =	ssyncset.done $0x0  }
0x2b: {  	s12 =	simm.s32 $0x10;
	[sflag:s11] =	ssyncadd.s32 $0xFFFFF400  }
0x2c: {  	_ =	swait.ge [sflag:s12], $0xC00  }
0x2d: {  	[sflag:s12] =	ssyncset.done $0x0  }
0x2e: {  	[sflag:s12] =	ssyncadd.s32 $0xFFFFF400  }
0x2f: {  	[bflag:$0x0] =	sbarrier.arrive $0xFFFF  }
0x30: {  	s13 =	rddreg [dreg:$0x8]  }
0x31: {  	s14 =	rddreg [dreg:$0x10]  }
0x32: {  	[hbm:s13], [sflag:s17] =	dma.local [spmem:s14], $0x780  }
0x33: {  	_ =	swait.ge [sflag:s15], $0x780  }
0x34: {  	s18 =	sadd.s32 $0x1, s18;
	s25 =	rddreg [dreg:$0xa]  }
0x35: {  	p0 =	sne.s32 s18, s25  }
.Ltmp1:
0x36: {  	_ = 	snop;
	(pc) =	sbr.rel @!p0 .LBB2_7-.Ltmp1, $3  }
0x37: {  	_ =	sdelay $0x1  }
0x38: {  	[sflag:s15] =	ssyncset.done $0x0  }
0x39: {  	[sflag:s15] =	ssyncadd.s32 $0xFFFFF880  }
.LBB2_1:
0x3a: {  	s9 =	simm.s32 $0x0;
	s11 =	rddreg [dreg:$0x5]  }
0x3b: {  	[tilespmem:s9], [sflag:$0x11] =	stream.linear.gather [hbm4b:s11+s9], $0x5000, $0x38;
	[tilespmem:$0x18400] =	vst v63  }
0x3c: {  	_ =	swait.ge [sflag:s15], $0x5000  }
0x3d: {  	[sflag:s15] =	ssyncset.done $0x0  }
0x3e: {  	s12 =	simm.s32 $0x5000;
	s13 =	rddreg [dreg:$0x6];
	[sflag:s15] =	ssyncadd.s32 $0xFFFFB000  }
0x3f: {  	[tilespmem:s12], [sflag:$0x11] =	stream.linear.gather [hbm4b:s13+s9], $0x5000, $0x38;
	[tilespmem:$0x18400] =	vst v63  }
0x40: {  	_ =	swait.ge [sflag:s15], $0x5000  }
0x41: {  	[sflag:s15] =	ssyncset.done $0x0;
	s14 =	rddreg [dreg:$0x7]  }
0x42: {  	s25 =	rddreg [dreg:$0xf];
	[sflag:s15] =	ssyncadd.s32 $0xFFFFB000  }
0x43: {  	[spmem:s25], [sflag:s17] =	dma.local [hbm:s14], $0x780  }
0x44: {  	_ =	swait.ge [sflag:s15], $0x780  }
0x45: {  	[sflag:s15] =	ssyncset.done $0x0  }
0x46: {  	s11 =	simm.s32 $0x0;
	[sflag:s15] =	ssyncadd.s32 $0xFFFFF880  }
0x47: {  	s9 =	simm.s32 $0x60;
	[tilespmem:s11+$0x10000] =	vst v0  }
.LBB2_2:
0x48: {  	p0 =	sne.s32 s9, $0x2FA0;
	[tilespmem:s11+$0x10008] =	vst v0;
	s11 =	smov.u32 s9;
	s9 =	sadd.s32 $0x60, s9  }
.Ltmp2:
0x49: {  	(pc) =	sbr.rel @p0 .LBB2_2-.Ltmp2, $3  }
0x4a: {  	_ =	sdelay $0x1  }
0x4b: {  	s11 =	sshra.s32 s11, $0x2  }
0x4c: {  	[tilespmem:s11+$0x10000] =	vst v0  }
0x4d: {  	[tilespmem:s11+$0x10008] =	vst v0;
	s9 =	rddreg [dreg:$0x9]  }
0x4e: {  	[spmem:s9] =	stream.linear.scatter [tilespmem:s19], [sflag:$0x11], $0xC00, $0x38;
	[tilespmem:$0x18400] =	vst v63  }
0x4f: {  	_ =	swait.ge [sflag:s15], $0xC00  }
0x50: {  	[sflag:s15] =	ssyncset.done $0x0  }
0x51: {  	s14 =	rddreg [dreg:$0xb];
	[sflag:s15] =	ssyncadd.s32 $0xFFFFF400  }
0x52: {  	[spmem:s14] =	stream.linear.scatter [tilespmem:s19], [sflag:$0x11], $0xC00, $0x38;
	[tilespmem:$0x18400] =	vst v63  }
0x53: {  	_ =	swait.ge [sflag:s15], $0xC00  }
0x54: {  	[sflag:s15] =	ssyncset.done $0x0  }
0x55: {  	s25 =	rddreg [dreg:$0xc];
	[sflag:s15] =	ssyncadd.s32 $0xFFFFF400  }
0x56: {  	[spmem:s25] =	stream.linear.scatter [tilespmem:s19], [sflag:$0x11], $0xC00, $0x38;
	[tilespmem:$0x18400] =	vst v63  }
0x57: {  	_ =	swait.ge [sflag:s15], $0xC00  }
0x58: {  	[sflag:s15] =	ssyncset.done $0x0  }
0x59: {  	s11 =	rddreg [dreg:$0xd];
	[sflag:s15] =	ssyncadd.s32 $0xFFFFF400  }
0x5a: {  	[spmem:s11] =	stream.linear.scatter [tilespmem:s19], [sflag:$0x11], $0xC00, $0x38;
	[tilespmem:$0x18400] =	vst v63  }
0x5b: {  	_ =	swait.ge [sflag:s15], $0xC00  }
0x5c: {  	[sflag:s15] =	ssyncset.done $0x0  }
0x5d: {  	s12 =	rddreg [dreg:$0xe];
	[sflag:s15] =	ssyncadd.s32 $0xFFFFF400  }
0x5e: {  	[spmem:s12] =	stream.linear.scatter [tilespmem:s19], [sflag:$0x11], $0xC00, $0x38;
	[tilespmem:$0x18400] =	vst v63  }
0x5f: {  	_ =	swait.ge [sflag:s15], $0xC00  }
0x60: {  	[sflag:s15] =	ssyncset.done $0x0  }
0x61: {  	[sflag:s15] =	ssyncadd.s32 $0xFFFFF400  }
0x62: {  	s25 =	simm.s32 $0x0;
	[bflag:$0x0] =	sbarrier.arrive $0xFFFF  }
0x63: {  	[tilespmem:s21], [sflag:$0x1] =	stream.indirect.gather [spmem:s2], $0x18, s25, s20, $0xb8;
	[tilespmem:$0x18400] =	vst v63  }
0x64: {  	_ = 	snop  }
0x65: {  	[tilespmem:s22], [sflag:$0x2] =	stream.indirect.gather [spmem:s2], $0x18, s20, s20, $0xb8;
	[tilespmem:$0x18400] =	vst v63  }
0x66: {  	s13 =	simm.s32 $0x100  }
0x67: {  	[tilespmem:s24], [sflag:$0x3] =	stream.indirect.gather [spmem:s2], $0x18, s13, s20, $0xb8;
	[tilespmem:$0x18400] =	vst v63  }
0x68: {  	s14 =	simm.s32 $0x180  }
0x69: {  	[tilespmem:s28], [sflag:$0x4] =	stream.indirect.gather [spmem:s2], $0x18, s14, s20, $0xb8;
	[tilespmem:$0x18400] =	vst v63  }
.LBB2_4:
0x6a: {  	_ =	swait.ge [sflag:s29], $0xC00  }
0x6b: {  	s9 =	sshra.s32 s25, $0x2;
	[sflag:s29] =	ssyncset.done $0x0  }
0x6c: {  	p0 =	seq.s32 s25, $0x0;
	s11 =	sadd.s32 $0x5000, s9;
	[sflag:s29] =	ssyncadd.s32 $0xFFFFF400  }
0x6d: {  	[spmem:s3] =	stream.indirect.scatter.add.f32 [tilespmem:s21], [sflag:$0x9], $0x18, s11, s20, $0xb8;
	[tilespmem:$0x18400] =	vst v63  }
0x6e: {  	s11 =	simm.s32 @!p0 $0xD  }
0x6f: {  	_ =	swait.ge @!p0 [sflag:s11], $0xC00  }
0x70: {  	[sflag:s11] =	ssyncset.done @!p0 $0x0  }
0x71: {  	s12 =	sadd.s32 $0x200, s9;
	[sflag:s11] =	ssyncadd.s32 @!p0 $0xFFFFF400  }
0x72: {  	[tilespmem:s30], [sflag:$0x5] =	stream.indirect.gather [spmem:s2], $0x18, s12, s20, $0xb8;
	[tilespmem:$0x18400] =	vst v63  }
0x73: {  	_ =	swait.ge [sflag:s31], $0xC00  }
0x74: {  	[sflag:s31] =	ssyncset.done $0x0  }
0x75: {  	s13 =	sadd.s32 $0x5080, s9;
	s11 =	simm.s32 @!p0 $0xE;
	[sflag:s31] =	ssyncadd.s32 $0xFFFFF400  }
0x76: {  	[spmem:s3] =	stream.indirect.scatter.add.f32 [tilespmem:s22], [sflag:$0xA], $0x18, s13, s20, $0xb8;
	[tilespmem:$0x18400] =	vst v63  }
0x77: {  	_ =	swait.ge @!p0 [sflag:s11], $0xC00  }
0x78: {  	[sflag:s11] =	ssyncset.done @!p0 $0x0  }
0x79: {  	s14 =	sadd.s32 $0x280, s9;
	[sflag:s11] =	ssyncadd.s32 @!p0 $0xFFFFF400  }
0x7a: {  	[tilespmem:s0], [sflag:$0x6] =	stream.indirect.gather [spmem:s2], $0x18, s14, s20, $0xb8;
	[tilespmem:$0x18400] =	vst v63  }
0x7b: {  	_ =	swait.ge [sflag:s1], $0xC00  }
0x7c: {  	[sflag:s1] =	ssyncset.done $0x0  }
0x7d: {  	s12 =	sadd.s32 $0x5100, s9;
	s11 =	simm.s32 @!p0 $0xF;
	[sflag:s1] =	ssyncadd.s32 $0xFFFFF400  }
0x7e: {  	[spmem:s3] =	stream.indirect.scatter.add.f32 [tilespmem:s24], [sflag:$0xB], $0x18, s12, s20, $0xb8;
	[tilespmem:$0x18400] =	vst v63  }
0x7f: {  	_ =	swait.ge @!p0 [sflag:s11], $0xC00  }
0x80: {  	[sflag:s11] =	ssyncset.done @!p0 $0x0  }
0x81: {  	s13 =	sadd.s32 $0x300, s9;
	[sflag:s11] =	ssyncadd.s32 @!p0 $0xFFFFF400  }
0x82: {  	[tilespmem:s16], [sflag:$0x7] =	stream.indirect.gather [spmem:s2], $0x18, s13, s20, $0xb8;
	[tilespmem:$0x18400] =	vst v63  }
0x83: {  	_ =	swait.ge [sflag:s23], $0xC00  }
0x84: {  	[sflag:s23] =	ssyncset.done $0x0  }
0x85: {  	s14 =	sadd.s32 $0x5180, s9;
	s11 =	simm.s32 @!p0 $0x10;
	[sflag:s23] =	ssyncadd.s32 $0xFFFFF400  }
0x86: {  	[spmem:s3] =	stream.indirect.scatter.add.f32 [tilespmem:s28], [sflag:$0xC], $0x18, s14, s20, $0xb8;
	[tilespmem:$0x18400] =	vst v63  }
0x87: {  	_ =	swait.ge @!p0 [sflag:s11], $0xC00  }
0x88: {  	[sflag:s11] =	ssyncset.done @!p0 $0x0  }
0x89: {  	s12 =	sadd.s32 $0x380, s9;
	[sflag:s11] =	ssyncadd.s32 @!p0 $0xFFFFF400  }
0x8a: {  	[tilespmem:s26], [sflag:$0x8] =	stream.indirect.gather [spmem:s2], $0x18, s12, s20, $0xb8;
	[tilespmem:$0x18400] =	vst v63  }
0x8b: {  	_ =	swait.ge [sflag:s4], $0xC00  }
0x8c: {  	[sflag:s4] =	ssyncset.done $0x0  }
0x8d: {  	s13 =	sadd.s32 $0x5200, s9;
	[sflag:s4] =	ssyncadd.s32 $0xFFFFF400  }
0x8e: {  	[spmem:s3] =	stream.indirect.scatter.add.f32 [tilespmem:s30], [sflag:$0xD], $0x18, s13, s20, $0xb8;
	[tilespmem:$0x18400] =	vst v63  }
0x8f: {  	_ =	swait.ge [sflag:s5], $0xC00  }
0x90: {  	p0 =	seq.s32 s25, $0x13000;
	[sflag:s5] =	ssyncset.done $0x0  }
0x91: {  	s11 =	simm.s32 @p0 $0x6;
	[sflag:s5] =	ssyncadd.s32 $0xFFFFF400  }
0x92: {  	_ =	swait.ge @p0 [sflag:s11], $0xC00  }
0x93: {  	[sflag:s11] =	ssyncset.done @p0 $0x0  }
0x94: {  	[sflag:s11] =	ssyncadd.s32 @p0 $0xFFFFF400;
	s11 =	sshra.s32 @p0 s25, $0x2  }
0x95: {  	s12 =	simm.s32 @p0 $0x80;
	s13 =	simm.s32 @p0 $0xDC00;
	s11 =	sadd.s32 @p0 $0x5280, s11  }
0x96: {  	[spmem:s3] =	stream.indirect.scatter.add.f32 @p0 [tilespmem:s13], [sflag:$0xE], $0x18, s11, s12, $0xb8;
	[tilespmem:$0x18400] =	vst v63  }
0x97: {  	s11 =	simm.s32 @p0 $0xA  }
0x98: {  	_ =	swait.ge @p0 [sflag:s11], $0xC00  }
0x99: {  	[sflag:s11] =	ssyncset.done @p0 $0x0  }
0x9a: {  	[sflag:s11] =	ssyncadd.s32 @p0 $0xFFFFF400;
	s11 =	sshra.s32 @!p0 s25, $0x2  }
0x9b: {  	s14 =	simm.s32 @!p0 $0xA000;
	s13 =	simm.s32 @!p0 $0x80;
	s12 =	sadd.s32 @!p0 $0x400, s11  }
0x9c: {  	[tilespmem:s14], [sflag:$0x1] =	stream.indirect.gather @!p0 [spmem:s2], $0x18, s12, s13, $0xb8;
	[tilespmem:$0x18400] =	vst v63  }
0x9d: {  	s12 =	simm.s32 @!p0 $0x6  }
0x9e: {  	_ =	swait.ge @!p0 [sflag:s12], $0xC00  }
0x9f: {  	[sflag:s12] =	ssyncset.done @!p0 $0x0  }
0xa0: {  	s14 =	simm.s32 @!p0 $0xDC00;
	[sflag:s12] =	ssyncadd.s32 @!p0 $0xFFFFF400;
	s12 =	sadd.s32 @!p0 $0x5280, s11  }
0xa1: {  	[spmem:s3] =	stream.indirect.scatter.add.f32 @!p0 [tilespmem:s14], [sflag:$0xE], $0x18, s12, s13, $0xb8;
	[tilespmem:$0x18400] =	vst v63  }
0xa2: {  	s12 =	simm.s32 @!p0 $0xA  }
0xa3: {  	_ =	swait.ge @!p0 [sflag:s12], $0xC00  }
0xa4: {  	[sflag:s12] =	ssyncset.done @!p0 $0x0  }
0xa5: {  	s11 =	sadd.s32 @!p0 $0x480, s11;
	[sflag:s12] =	ssyncadd.s32 @!p0 $0xFFFFF400;
	s12 =	simm.s32 @!p0 $0xAC00  }
0xa6: {  	[tilespmem:s12], [sflag:$0x2] =	stream.indirect.gather @!p0 [spmem:s2], $0x18, s11, s13, $0xb8;
	[tilespmem:$0x18400] =	vst v63  }
0xa7: {  	_ =	swait.ge [sflag:s6], $0xC00  }
0xa8: {  	[sflag:s6] =	ssyncset.done $0x0  }
.Ltmp3:
0xa9: {  	s14 =	sadd.s32 $0x5300, s9;
	[sflag:s6] =	ssyncadd.s32 $0xFFFFF400;
	(pc) =	sbr.rel @p0 .LBB2_6-.Ltmp3, $4  }
0xaa: {  	[spmem:s3] =	stream.indirect.scatter.add.f32 [tilespmem:s16], [sflag:$0xF], $0x18, s14, s20, $0xb8;
	[tilespmem:$0x18400] =	vst v63  }
0xab: {  	_ =	swait.ge [sflag:s7], $0xC00  }
0xac: {  	[sflag:s7] =	ssyncset.done $0x0  }
0xad: {  	s11 =	sadd.s32 $0x5380, s9;
	[sflag:s7] =	ssyncadd.s32 $0xFFFFF400  }
0xae: {  	s12 =	sadd.s32 $0x500, s9  }
0xaf: {  	[tilespmem:s24], [sflag:$0x3] =	stream.indirect.gather [spmem:s2], $0x18, s12, s20, $0xb8;
	[tilespmem:$0x18400] =	vst v63  }
0xb0: {  	_ =	swait.ge [sflag:s8], $0xC00  }
0xb1: {  	[sflag:s8] =	ssyncset.done $0x0  }
0xb2: {  	[sflag:s8] =	ssyncadd.s32 $0xFFFFF400  }
0xb3: {  	[spmem:s3] =	stream.indirect.scatter.add.f32 [tilespmem:s26], [sflag:$0x10], $0x18, s11, s20, $0xb8;
	[tilespmem:$0x18400] =	vst v63  }
.Ltmp4:
0xb4: {  	_ = 	snop;
	(pc) =	sbr.rel .LBB2_4-.Ltmp4, $4  }
0xb5: {  	_ =	swait.ge [sflag:s10], $0xC00  }
0xb6: {  	[sflag:s10] =	ssyncset.done $0x0  }
0xb7: {  	s14 =	sadd.s32 $0x580, s9;
	s25 =	sadd.s32 $0x1000, s25;
	[sflag:s10] =	ssyncadd.s32 $0xFFFFF400  }
0xb8: {  	[tilespmem:s28], [sflag:$0x4] =	stream.indirect.gather [spmem:s2], $0x18, s14, s20, $0xb8;
	[tilespmem:$0x18400] =	vst v63  }
.LBB2_7:
0xb9: {  	_ =	sfence.sel $0x180000  }
0xba: {  	[bflag:$0x0] =	sbarrier.arrive $0xFFFF  }
0xbb: {  	_ =	strace $0x9000004A  }
0xbc: {  	s0 =	stileid.u32;
	[bflag:$0x2] =	sbarrier.arrive $0xFFFF  }
0xbd: {  	p0 =	sne.s32 s0, $0x0;
	s0 =	rddreg [dreg:$0x4]  }
0xbe: {  	s0 =	sadd.s32 @!p0 $0x100000, s0  }
0xbf: {  	[sflag:s0] =	ssyncadd.tile.s32 @!p0 $0x1;
	_ =	shalt  }
.Lfunc_end2:
_tile_overlayer_lowered:
.L_overlay_start_2:
0xc0: {  	(tag) =	ssettag $0x2  }
0xc1: {  	s0 =	rddreg [dreg:$0x0];
	s2 =	stileid.u32  }
0xc2: {  	s1 =	rddreg [dreg:$0x1];
	p0 =	sne.s32 s2, $0x0  }
0xc3: {  	s3 =	rddreg [dreg:$0x2];
	[bflag:$0x3] =	sbarrier.arrive $0xFFFF;
	s2 =	simm.s32 @!p0 $0x1C11  }
0xc4: {  	[timem:s3], [sflag:s2] =	dma.local @!p0 [hbm:s0], s1  }
0xc5: {  	s0 =	simm.s32 @!p0 $0x11  }
0xc6: {  	_ =	swait.ge @!p0 [sflag:s0], s1  }
0xc7: {  	s1 =	ssub.s32 @!p0 $0x0, s1;
	[sflag:s0] =	ssyncset.done @!p0 $0x0  }
0xc8: {  	[sflag:s0] =	ssyncadd.s32 @!p0 s1  }
0xc9: {  	[bflag:$0x3] =	sbarrier.arrive $0xFFFF  }
0xca: {  	_ =	shalt  }

// kernel: kernel.14.cloned.1.call-start
scs
__scs_entry_jumppad:
0x0: {  	(pc) =	sbr.rel $0x88, $3  }
0x1: {  	(tag) =	ssettag $0x0;
	lr =	simm.s32 $0x1  }
0x2: {  	[smem:$0x3F9D] =	sst lr;
	_ =	strace $0xD0000000  }
0x3: {  	_ = 	snop  }
0x4: {  	_ = 	snop  }
0x5: {  	_ = 	snop  }
0x6: {  	_ = 	snop  }
0x7: {  	_ = 	snop  }
__scs_overlays_trampoline_lowered:
0x8: {  	[smem:$0x3FAC] =	sst s0  }
0x9: {  	[smem:$0x3FAD] =	sst s1  }
0xa: {  	[smem:$0x3FAE] =	sst s2  }
0xb: {  	[smem:$0x3FAF] =	sst s3  }
0xc: {  	[smem:$0x3FB0] =	sst s4  }
0xd: {  	[smem:$0x3FB1] =	sst s5  }
0xe: {  	[smem:$0x3FB2] =	sst s6  }
0xf: {  	[smem:$0x3FB3] =	sst s7  }
0x10: {  	[smem:$0x3FB4] =	sst s8  }
0x11: {  	[smem:$0x3FB5] =	sst s9;
	s0 =	simm.s32 @!p0 $0x0  }
0x12: {  	s1 =	sld [smem:$0x3F9B];
	s0 =	simm.s32 @p0 $0x1  }
0x13: {  	[smem:$0x3FB6] =	sst s0;
	s0 =	simm.s32 @!p1 $0x0  }
0x14: {  	s2 =	sld [smem:$0x3F9A];
	s0 =	simm.s32 @p1 $0x1  }
0x15: {  	[smem:$0x3FB7] =	sst s0;
	s0 =	simm.s32 @!p2 $0x0  }
0x16: {  	s3 =	sld [smem:$0x3FDB];
	s0 =	simm.s32 @p2 $0x1  }
0x17: {  	s4 =	simm.s32 $0x1BF5;
	[smem:$0x3FB9] =	sst s0  }
0x18: {  	s0 =	sld [smem:$0x3F9C];
	_ =	swait.ge [sflag:s4], $0x0  }
0x19: {  	s7 =	sld [smem:$0x3F9D]  }
0x1a: {  	s8 =	sadd.s32 $0xFFFFE003, lr  }
0x1b: {  	s9 =	sadd.s32 $0xFFFFFEF7, lr;
	s5 =	simm.s32 $0xFFFFFFFF;
	p2 =	slt.u32 s8, $0xFFFFF086  }
0x1c: {  	p1 =	slt.u32 s9, $0xF7A;
	s5 =	simm.s32 @!p2 $0x0  }
0x1d: {  	s5 =	simm.s32 @p1 $0x1;
	p0 =	seq.s32 s7, s2  }
0x1e: {  	s7 =	smul.u32 @!p0 $0xF7A, s2;
	p2 =	seq.s32 @!p0 s5, $0x0  }
0x1f: {  	s9 =	smul.u32 $0xF7A, s1;
	s8 =	simm.s32 @!p0 $0x1BF5;
	p2 =	por !p2, p0  }
0x20: {  	[sflag:s8] =	ssyncset.s32 @!p0 $0xFFFFF086;
	s6 =	sadd.s32 @!p0 s3, s7;
	s7 =	simm.s32 @!p0 $0x108  }
0x21: {  	s3 =	sadd.s32 s3, s9;
	s6 =	sadd.s32 @!p0 $0x88, s6;
	s7 =	simm.s32 @p2 $0x1082  }
0x22: {  	[simem:s7], [sflag:s8] =	dma.local @!p0 [hbm:s6], $0xF7A  }
0x23: {  	s9 =	sor.u32 $0xD0000000, s2;
	s6 =	simm.s32 $0x108;
	_ =	swait.ge @!p0 [sflag:s8], $0x0  }
0x24: {  	s3 =	sadd.s32 $0x88, s3;
	s6 =	simm.s32 @!p1 $0x1082;
	[sflag:s4] =	ssyncset.s32 $0xFFFFF086  }
0x25: {  	[simem:s6], [sflag:s4] =	dma.local [hbm:s3], $0xF7A  }
0x26: {  	[smem:$0x3F9D] =	sst s1;
	(tag) =	ssettag s2;
	_ =	strace s9  }
0x27: {  	s1 =	sld [smem:$0x3FAD]  }
0x28: {  	s2 =	sld [smem:$0x3FAE]  }
0x29: {  	s4 =	sld [smem:$0x3FB0]  }
0x2a: {  	p0 =	seq.s32 s5, $0x0;
	s5 =	sld [smem:$0x3FB1]  }
0x2b: {  	s6 =	sld [smem:$0x3FB2]  }
0x2c: {  	s7 =	sld [smem:$0x3FB3]  }
0x2d: {  	s3 =	simm.s32 $0x108;
	s8 =	sld [smem:$0x3FB4]  }
0x2e: {  	s3 =	simm.s32 @!p0 $0x1082;
	s9 =	sld [smem:$0x3FB5]  }
0x2f: {  	lr =	sadd.s32 s0, s3;
	s0 =	sld [smem:$0x3FAC]  }
0x30: {  	s3 =	sld [smem:$0x3FAF]  }
0x31: {  	[smem:$0x3FB8] =	sst s10  }
0x32: {  	s10 =	sld [smem:$0x3FB6];
	_ =	sdelay $0x3  }
0x33: {  	p0 =	seq.s32 s10, $0x1;
	s10 =	sld [smem:$0x3FB8];
	_ =	sdelay $0x3  }
0x34: {  	[smem:$0x3FB8] =	sst s10  }
0x35: {  	s10 =	sld [smem:$0x3FB7];
	_ =	sdelay $0x3  }
0x36: {  	p1 =	seq.s32 s10, $0x1;
	s10 =	sld [smem:$0x3FB8];
	_ =	sdelay $0x3  }
0x37: {  	[smem:$0x3FB8] =	sst s10  }
0x38: {  	s10 =	sld [smem:$0x3FB9]  }
0x39: {  	_ = 	snop;
	(pc) =	sbr.ind lr, $3  }
0x3a: {  	_ = 	snop  }
0x3b: {  	_ = 	snop  }
0x3c: {  	p2 =	seq.s32 s10, $0x1;
	s10 =	sld [smem:$0x3FB8]  }
0x3d: {  	_ =	shalt  }
0x3e: {  	_ =	shalt  }
0x3f: {  	_ =	shalt  }
0x40: {  	_ =	shalt  }
0x41: {  	_ =	shalt  }
0x42: {  	_ =	shalt  }
0x43: {  	_ =	shalt  }
0x44: {  	_ =	shalt  }
0x45: {  	_ =	shalt  }
0x46: {  	_ =	shalt  }
0x47: {  	_ =	shalt  }
0x48: {  	_ =	shalt  }
0x49: {  	_ =	shalt  }
0x4a: {  	_ =	shalt  }
0x4b: {  	_ =	shalt  }
0x4c: {  	_ =	shalt  }
0x4d: {  	_ =	shalt  }
0x4e: {  	_ =	shalt  }
0x4f: {  	_ =	shalt  }
0x50: {  	_ =	shalt  }
0x51: {  	_ =	shalt  }
0x52: {  	_ =	shalt  }
0x53: {  	_ =	shalt  }
0x54: {  	_ =	shalt  }
0x55: {  	_ =	shalt  }
0x56: {  	_ =	shalt  }
0x57: {  	_ =	shalt  }
0x58: {  	_ =	shalt  }
0x59: {  	_ =	shalt  }
0x5a: {  	_ =	shalt  }
0x5b: {  	_ =	shalt  }
0x5c: {  	_ =	shalt  }
0x5d: {  	_ =	shalt  }
0x5e: {  	_ =	shalt  }
0x5f: {  	_ =	shalt  }
0x60: {  	_ =	shalt  }
0x61: {  	_ =	shalt  }
0x62: {  	_ =	shalt  }
0x63: {  	_ =	shalt  }
0x64: {  	_ =	shalt  }
0x65: {  	_ =	shalt  }
0x66: {  	_ =	shalt  }
0x67: {  	_ =	shalt  }
0x68: {  	_ =	shalt  }
0x69: {  	_ =	shalt  }
0x6a: {  	_ =	shalt  }
0x6b: {  	_ =	shalt  }
0x6c: {  	_ =	shalt  }
0x6d: {  	_ =	shalt  }
0x6e: {  	_ =	shalt  }
0x6f: {  	_ =	shalt  }
0x70: {  	_ =	shalt  }
0x71: {  	_ =	shalt  }
0x72: {  	_ =	shalt  }
0x73: {  	_ =	shalt  }
0x74: {  	_ =	shalt  }
0x75: {  	_ =	shalt  }
0x76: {  	_ =	shalt  }
0x77: {  	_ =	shalt  }
0x78: {  	_ =	shalt  }
0x79: {  	_ =	shalt  }
0x7a: {  	_ =	shalt  }
0x7b: {  	_ =	shalt  }
0x7c: {  	_ =	shalt  }
0x7d: {  	_ =	shalt  }
0x7e: {  	_ =	shalt  }
0x7f: {  	_ =	shalt  }
0x80: {  	_ =	shalt  }
0x81: {  	_ =	shalt  }
0x82: {  	_ =	shalt  }
0x83: {  	_ =	shalt  }
0x84: {  	_ =	shalt  }
0x85: {  	_ =	shalt  }
0x86: {  	_ =	shalt  }
0x87: {  	_ =	shalt  }
.Lfunc_end0:
.L_simem_size_0:
called_computation.2_lowered:
.L_overlay_start_0:
0x88: {  	s2 =	sld [smem:$0x3FD9]  }
0x89: {  	s3 =	sld [smem:$0x3FFE];
	_ =	sdelay $0x1  }
0x8a: {  	s1 =	srdreg.scid  }
0x8b: {  	s0 =	sand.u32 $0x1, s1  }
0x8c: {  	s17 =	sshll.u32 s0, $0xA;
	s2 =	sadd.s32 s3, s2  }
0x8d: {  	s2 =	sadd.s32 s2, s17  }
0x8e: {  	[smem:$0x3FC4] =	sst s2  }
0x8f: {  	_ = 	snop  }
0x90: {  	s2 =	sld [smem:$0x3FD0];
	(tm) =	ssettm $0x1  }
0x91: {  	s18 =	sld [smem:$0x3FFB];
	_ =	sdelay $0x3  }
0x92: {  	_ =	strace s18  }
0x93: {  	s3 =	sld [smem:$0x3FFC];
	_ =	sdelay $0x3  }
0x94: {  	_ =	strace s3  }
0x95: {  	s3 =	sld [smem:$0x3FFD];
	_ =	sdelay $0x3  }
0x96: {  	_ =	strace s3  }
0x97: {  	_ =	strace $0x8FFFFFFF  }
0x98: {  	s19 =	sld [smem:$0x3FDB];
	_ =	sdelay $0x1  }
0x99: {  	s4 =	simm.s32 $_scs_section_size  }
0x9a: {  	s5 =	simm.s32 $_size__tile_overlayer_lowered;
	s6 =	simm.s32 $_tile_overlayer_lowered  }
0x9b: {  	s22 =	simm.s32 $0x1BFF;
	s21 =	sshll.u32 s6, $0x1;
	s3 =	sadd.s32 s4, s19  }
0x9c: {  	s7 =	simm.s32 $0x0;
	s20 =	sshll.u32 s5, $0x1;
	s5 =	sadd.s32 s21, s3  }
0x9d: {  	[timem:s7], [sflag:s22] =	dma.local [hbm:s5], s20  }
0x9e: {  	_ =	swait.ge [sflag:s22], s20  }
0x9f: {  	s4 =	ssub.s32 $0x0, s20;
	[sflag:s22] =	ssyncset.done $0x0  }
0xa0: {  	[sflag:s22] =	ssyncadd.s32 s4;
	_ =	sdelay $0x1  }
0xa1: {  	s23 =	simm.s32 $0x1B8B  }
0xa2: {  	_ =	swait.ge [sflag:s23], $0x1  }
0xa3: {  	[sflag:s23] =	ssyncset.done $0x0  }
0xa4: {  	s25 =	simm.s32 $0x1B8E;
	s24 =	sld [smem:$0x3FFE];
	[sflag:s23] =	ssyncadd.s32 $0xFFFFFFFF  }
0xa5: {  	s26 =	simm.s32 $execute0_lowered;
	[smem:$0x3FD2] =	sst s25  }
0xa6: {  	s5 =	sshll.u32 s26, $0x1;
	_ =	strace $0x8000004C;
	[dreg:$0x1] =	wrdreg $0xFFFFFFFF  }
0xa7: {  	s28 =	simm.s32 $_size_execute0_lowered;
	s3 =	sadd.s32 s3, s5;
	[dreg:$0x0] =	wrdreg $0x0  }
0xa8: {  	s5 =	sshll.u32 s28, $0x1;
	[dreg:$0x2] =	wrdreg s3  }
0xa9: {  	[dreg:$0x3] =	wrdreg s5  }
0xaa: {  	[dreg:$0x4] =	wrdreg $0xC0  }
0xab: {  	_ =	task [dreg:s7], $0x5FFFF  }
0xac: {  	[dreg:$0x1] =	wrdreg $0xFFFFFFFF  }
0xad: {  	[dreg:$0x0] =	wrdreg $0x60  }
0xae: {  	[dreg:$0x2] =	wrdreg s2  }
0xaf: {  	[dreg:$0x3] =	wrdreg s24  }
0xb0: {  	[dreg:$0x4] =	wrdreg $0x148000  }
0xb1: {  	[dreg:$0x5] =	wrdreg $0x10C000  }
0xb2: {  	[dreg:$0x6] =	wrdreg $0x9  }
0xb3: {  	_ =	task.clear_ibuf [dreg:s7], $0x7FFFF;
	_ =	strace $0x9000004C  }
0xb4: {  	s29 =	simm.s32 $0x9;
	_ =	strace $0x8000004E  }
0xb5: {  	_ =	swait.ge [sflag:s29], $0x1  }
0xb6: {  	[sflag:s29] =	ssyncadd.s32 $0xFFFFFFFF  }
0xb7: {  	_ =	strace $0x9000004E  }
0xb8: {  	_ =	sfence  }
0xb9: {  	s30 =	sld [smem:$0x0];
	_ =	sdelay $0x2  }
0xba: {  	s31 =	sshll.u32 s1, $0xD;
	s1 =	sshrl.u32 s1, $0x2  }
0xbb: {  	s3 =	sand.u32 $0x4000, s31;
	s1 =	sadd.s32 s1, s30  }
0xbc: {  	s0 =	sor.u32 s3, s0;
	s1 =	sshll.u32 s1, $0x11  }
0xbd: {  	s0 =	sor.u32 s1, s0  }
0xbe: {  	s0 =	sadd.s32 $0x8F2B, s0  }
0xbf: {  	[sflag:s0] =	ssyncadd.remote.s32 $0x1  }
0xc0: {  	_ =	sfence.sel $0xFFFF  }
0xc1: {  	[dreg:$0x0] =	wrdreg $0xFFFFFFFF;
	(pc) =	sbr.abs _section_cstart, $3  }
0xc2: {  	[dreg:$0x1] =	wrdreg $0xFFFFFFFF  }
0xc3: {  	_ =	task.clear_ibuf [dreg:s7], $0x2FFFF;
	_ =	strace $0x9FFFFFFF  }
0xc4: {  	(tm) =	ssettm $0x7FFFFFFF  }
0xc5: {  	_ =	shalt  }
tec
execute0_lowered:
.L_overlay_start_1:
0x0: {  	(tag) =	ssettag $0x1  }
0x1: {  	s0 =	rddreg [dreg:$0x0]  }
0x2: {  	s1 =	rddreg [dreg:$0x1]  }
0x3: {  	s2 =	rddreg [dreg:$0x2]  }
0x4: {  	s3 =	rddreg [dreg:$0x3]  }
0x5: {  	s11 =	stileid.u32;
	s5 =	srdreg.scid;
	s7 =	simm.s32 $0x0  }
0x6: {  	s19 =	simm.s32 $0x10000;
	s20 =	simm.s32 $0x80;
	s21 =	simm.s32 $0xA000  }
0x7: {  	s28 =	simm.s32 $0xC400;
	s29 =	simm.s32 $0x1;
	s4 =	smul.u32 $0xA00, s11  }
0x8: {  	s30 =	simm.s32 $0xD000;
	s31 =	simm.s32 $0x2;
	s6 =	smul.u32 $0x3C00, s11  }
0x9: {  	s5 =	sand.u32 $0x1, s5;
	[smem:$0x7FF] =	sst s7;
	s10 =	smul.u32 $0xF000, s11  }
0xa: {  	s25 =	sshll.u32 s11, $0x6;
	s14 =	smul.u32 $0x3C000, s5;
	s5 =	ssub.s32 $0x2, s5  }
0xb: {  	_ =	strace $0x8000004D;
	s8 =	sadd.s32 s4, s1;
	s9 =	sshrl.u32 s5, $0x1  }
0xc: {  	s0 =	sadd.s32 s0, s4;
	s16 =	sadd.s32 s6, s2;
	s17 =	sshrl.u32 s10, $0x2  }
0xd: {  	s18 =	sadd.s32 s6, s3;
	s10 =	simm.s32 $0xC;
	s7 =	sadd.s32 s6, s14  }
0xe: {  	s5 =	ssub.s32 s5, s9;
	[dreg:$0x5] =	wrdreg s0;
	s15 =	sadd.s32 $0xB800, s8  }
0xf: {  	s4 =	sadd.s32 s17, s3;
	s17 =	sor.u32 $0x1C11, s25;
	s0 =	sshrl.u32 s16, $0x3  }
0x10: {  	s26 =	sshrl.u32 s18, $0x3;
	s16 =	simm.s32 $0xE800;
	[dreg:$0x6] =	wrdreg s15  }
0x11: {  	s6 =	simm.s32 $0x7;
	s8 =	simm.s32 $0x8;
	[dreg:$0x9] =	wrdreg s4  }
0x12: {  	s18 =	simm.s32 $0x0;
	s7 =	sshrl.u32 s7, $0x3;
	[dreg:$0xf] =	wrdreg s0  }
0x13: {  	s5 =	smax.u32 s5, $0x1;
	s22 =	sadd.s32 $0xC00, s4;
	[dreg:$0x10] =	wrdreg s26  }
0x14: {  	s23 =	sadd.s32 $0x1800, s4;
	s24 =	sadd.s32 $0x2400, s4;
	[dreg:$0xa] =	wrdreg s5  }
0x15: {  	s4 =	sadd.s32 $0x3000, s4;
	s15 =	simm.s32 $0x11;
	[dreg:$0xb] =	wrdreg s22  }
0x16: {  	s0 =	simm.s32 $0xDC00;
	s26 =	simm.s32 $0xF400;
	[dreg:$0xc] =	wrdreg s23  }
.Ltmp0:
0x17: {  	s1 =	sadd.s32 s7, s1;
	[dreg:$0xd] =	wrdreg s24;
	(pc) =	sbr.rel .LBB2_1-.Ltmp0, $4  }
0x18: {  	[dreg:$0xe] =	wrdreg s4;
	s22 =	simm.s32 $0xAC00;
	s24 =	simm.s32 $0xB800  }
0x19: {  	s23 =	simm.s32 $0x4;
	s4 =	simm.s32 $0x5;
	s7 =	sadd.s32 $0x65800, s1  }
0x1a: {  	s5 =	simm.s32 $0x9;
	s1 =	sadd.s32 $0x74800, s1;
	[dreg:$0x7] =	wrdreg s7  }
0x1b: {  	v0 =	vimm.f32 $0.0e+00;
	[dreg:$0x8] =	wrdreg s1;
	s1 =	simm.s32 $0x3;
	s7 =	simm.s32 $0xB  }
.LBB2_6:
0x1c: {  	_ =	swait.ge [sflag:s8], $0xC00  }
0x1d: {  	[sflag:s8] =	ssyncset.done $0x0  }
0x1e: {  	[sflag:s8] =	ssyncadd.s32 $0xFFFFF400  }
0x1f: {  	[spmem:s3] =	stream.indirect.scatter.add.f32 [tilespmem:s26], [sflag:$0x10], $0x18, s11, s20, $0xb8;
	[tilespmem:$0x18400] =	vst v63  }
0x20: {  	_ =	swait.ge [sflag:s10], $0xC00  }
0x21: {  	[sflag:s10] =	ssyncset.done $0x0  }
0x22: {  	s9 =	simm.s32 $0xD;
	[sflag:s10] =	ssyncadd.s32 $0xFFFFF400  }
0x23: {  	_ =	swait.ge [sflag:s9], $0xC00  }
0x24: {  	[sflag:s9] =	ssyncset.done $0x0  }
0x25: {  	s25 =	simm.s32 $0xE;
	[sflag:s9] =	ssyncadd.s32 $0xFFFFF400  }
0x26: {  	_ =	swait.ge [sflag:s25], $0xC00  }
0x27: {  	[sflag:s25] =	ssyncset.done $0x0  }
0x28: {  	s11 =	simm.s32 $0xF;
	[sflag:s25] =	ssyncadd.s32 $0xFFFFF400  }
0x29: {  	_ =	swait.ge [sflag:s11], $0xC00  }
0x2a: {  	[sflag:s11] =	ssyncset.done $0x0  }
0x2b: {  	s12 =	simm.s32 $0x10;
	[sflag:s11] =	ssyncadd.s32 $0xFFFFF400  }
0x2c: {  	_ =	swait.ge [sflag:s12], $0xC00  }
0x2d: {  	[sflag:s12] =	ssyncset.done $0x0  }
0x2e: {  	[sflag:s12] =	ssyncadd.s32 $0xFFFFF400  }
0x2f: {  	[bflag:$0x0] =	sbarrier.arrive $0xFFFF  }
0x30: {  	s13 =	rddreg [dreg:$0x8]  }
0x31: {  	s14 =	rddreg [dreg:$0x10]  }
0x32: {  	[hbm:s13], [sflag:s17] =	dma.local [spmem:s14], $0x780  }
0x33: {  	_ =	swait.ge [sflag:s15], $0x780  }
0x34: {  	s18 =	sadd.s32 $0x1, s18;
	s25 =	rddreg [dreg:$0xa]  }
0x35: {  	p0 =	sne.s32 s18, s25  }
.Ltmp1:
0x36: {  	_ = 	snop;
	(pc) =	sbr.rel @!p0 .LBB2_7-.Ltmp1, $3  }
0x37: {  	_ =	sdelay $0x1  }
0x38: {  	[sflag:s15] =	ssyncset.done $0x0  }
0x39: {  	[sflag:s15] =	ssyncadd.s32 $0xFFFFF880  }
.LBB2_1:
0x3a: {  	s9 =	simm.s32 $0x0;
	s11 =	rddreg [dreg:$0x5]  }
0x3b: {  	[tilespmem:s9], [sflag:$0x11] =	stream.linear.gather [hbm4b:s11+s9], $0x5000, $0x38;
	[tilespmem:$0x18400] =	vst v63  }
0x3c: {  	_ =	swait.ge [sflag:s15], $0x5000  }
0x3d: {  	[sflag:s15] =	ssyncset.done $0x0  }
0x3e: {  	s12 =	simm.s32 $0x5000;
	s13 =	rddreg [dreg:$0x6];
	[sflag:s15] =	ssyncadd.s32 $0xFFFFB000  }
0x3f: {  	[tilespmem:s12], [sflag:$0x11] =	stream.linear.gather [hbm4b:s13+s9], $0x5000, $0x38;
	[tilespmem:$0x18400] =	vst v63  }
0x40: {  	_ =	swait.ge [sflag:s15], $0x5000  }
0x41: {  	[sflag:s15] =	ssyncset.done $0x0;
	s14 =	rddreg [dreg:$0x7]  }
0x42: {  	s25 =	rddreg [dreg:$0xf];
	[sflag:s15] =	ssyncadd.s32 $0xFFFFB000  }
0x43: {  	[spmem:s25], [sflag:s17] =	dma.local [hbm:s14], $0x780  }
0x44: {  	_ =	swait.ge [sflag:s15], $0x780  }
0x45: {  	[sflag:s15] =	ssyncset.done $0x0  }
0x46: {  	s11 =	simm.s32 $0x0;
	[sflag:s15] =	ssyncadd.s32 $0xFFFFF880  }
0x47: {  	s9 =	simm.s32 $0x60;
	[tilespmem:s11+$0x10000] =	vst v0  }
.LBB2_2:
0x48: {  	p0 =	sne.s32 s9, $0x2FA0;
	[tilespmem:s11+$0x10008] =	vst v0;
	s11 =	smov.u32 s9;
	s9 =	sadd.s32 $0x60, s9  }
.Ltmp2:
0x49: {  	(pc) =	sbr.rel @p0 .LBB2_2-.Ltmp2, $3  }
0x4a: {  	_ =	sdelay $0x1  }
0x4b: {  	s11 =	sshra.s32 s11, $0x2  }
0x4c: {  	[tilespmem:s11+$0x10000] =	vst v0  }
0x4d: {  	[tilespmem:s11+$0x10008] =	vst v0;
	s9 =	rddreg [dreg:$0x9]  }
0x4e: {  	[spmem:s9] =	stream.linear.scatter [tilespmem:s19], [sflag:$0x11], $0xC00, $0x38;
	[tilespmem:$0x18400] =	vst v63  }
0x4f: {  	_ =	swait.ge [sflag:s15], $0xC00  }
0x50: {  	[sflag:s15] =	ssyncset.done $0x0  }
0x51: {  	s14 =	rddreg [dreg:$0xb];
	[sflag:s15] =	ssyncadd.s32 $0xFFFFF400  }
0x52: {  	[spmem:s14] =	stream.linear.scatter [tilespmem:s19], [sflag:$0x11], $0xC00, $0x38;
	[tilespmem:$0x18400] =	vst v63  }
0x53: {  	_ =	swait.ge [sflag:s15], $0xC00  }
0x54: {  	[sflag:s15] =	ssyncset.done $0x0  }
0x55: {  	s25 =	rddreg [dreg:$0xc];
	[sflag:s15] =	ssyncadd.s32 $0xFFFFF400  }
0x56: {  	[spmem:s25] =	stream.linear.scatter [tilespmem:s19], [sflag:$0x11], $0xC00, $0x38;
	[tilespmem:$0x18400] =	vst v63  }
0x57: {  	_ =	swait.ge [sflag:s15], $0xC00  }
0x58: {  	[sflag:s15] =	ssyncset.done $0x0  }
0x59: {  	s11 =	rddreg [dreg:$0xd];
	[sflag:s15] =	ssyncadd.s32 $0xFFFFF400  }
0x5a: {  	[spmem:s11] =	stream.linear.scatter [tilespmem:s19], [sflag:$0x11], $0xC00, $0x38;
	[tilespmem:$0x18400] =	vst v63  }
0x5b: {  	_ =	swait.ge [sflag:s15], $0xC00  }
0x5c: {  	[sflag:s15] =	ssyncset.done $0x0  }
0x5d: {  	s12 =	rddreg [dreg:$0xe];
	[sflag:s15] =	ssyncadd.s32 $0xFFFFF400  }
0x5e: {  	[spmem:s12] =	stream.linear.scatter [tilespmem:s19], [sflag:$0x11], $0xC00, $0x38;
	[tilespmem:$0x18400] =	vst v63  }
0x5f: {  	_ =	swait.ge [sflag:s15], $0xC00  }
0x60: {  	[sflag:s15] =	ssyncset.done $0x0  }
0x61: {  	[sflag:s15] =	ssyncadd.s32 $0xFFFFF400  }
0x62: {  	s25 =	simm.s32 $0x0;
	[bflag:$0x0] =	sbarrier.arrive $0xFFFF  }
0x63: {  	[tilespmem:s21], [sflag:$0x1] =	stream.indirect.gather [spmem:s2], $0x18, s25, s20, $0xb8;
	[tilespmem:$0x18400] =	vst v63  }
0x64: {  	_ = 	snop  }
0x65: {  	[tilespmem:s22], [sflag:$0x2] =	stream.indirect.gather [spmem:s2], $0x18, s20, s20, $0xb8;
	[tilespmem:$0x18400] =	vst v63  }
0x66: {  	s13 =	simm.s32 $0x100  }
0x67: {  	[tilespmem:s24], [sflag:$0x3] =	stream.indirect.gather [spmem:s2], $0x18, s13, s20, $0xb8;
	[tilespmem:$0x18400] =	vst v63  }
0x68: {  	s14 =	simm.s32 $0x180  }
0x69: {  	[tilespmem:s28], [sflag:$0x4] =	stream.indirect.gather [spmem:s2], $0x18, s14, s20, $0xb8;
	[tilespmem:$0x18400] =	vst v63  }
.LBB2_4:
0x6a: {  	_ =	swait.ge [sflag:s29], $0xC00  }
0x6b: {  	s9 =	sshra.s32 s25, $0x2;
	[sflag:s29] =	ssyncset.done $0x0  }
0x6c: {  	p0 =	seq.s32 s25, $0x0;
	s11 =	sadd.s32 $0x5000, s9;
	[sflag:s29] =	ssyncadd.s32 $0xFFFFF400  }
0x6d: {  	[spmem:s3] =	stream.indirect.scatter.add.f32 [tilespmem:s21], [sflag:$0x9], $0x18, s11, s20, $0xb8;
	[tilespmem:$0x18400] =	vst v63  }
0x6e: {  	s11 =	simm.s32 @!p0 $0xD  }
0x6f: {  	_ =	swait.ge @!p0 [sflag:s11], $0xC00  }
0x70: {  	[sflag:s11] =	ssyncset.done @!p0 $0x0  }
0x71: {  	s12 =	sadd.s32 $0x200, s9;
	[sflag:s11] =	ssyncadd.s32 @!p0 $0xFFFFF400  }
0x72: {  	[tilespmem:s30], [sflag:$0x5] =	stream.indirect.gather [spmem:s2], $0x18, s12, s20, $0xb8;
	[tilespmem:$0x18400] =	vst v63  }
0x73: {  	_ =	swait.ge [sflag:s31], $0xC00  }
0x74: {  	[sflag:s31] =	ssyncset.done $0x0  }
0x75: {  	s13 =	sadd.s32 $0x5080, s9;
	s11 =	simm.s32 @!p0 $0xE;
	[sflag:s31] =	ssyncadd.s32 $0xFFFFF400  }
0x76: {  	[spmem:s3] =	stream.indirect.scatter.add.f32 [tilespmem:s22], [sflag:$0xA], $0x18, s13, s20, $0xb8;
	[tilespmem:$0x18400] =	vst v63  }
0x77: {  	_ =	swait.ge @!p0 [sflag:s11], $0xC00  }
0x78: {  	[sflag:s11] =	ssyncset.done @!p0 $0x0  }
0x79: {  	s14 =	sadd.s32 $0x280, s9;
	[sflag:s11] =	ssyncadd.s32 @!p0 $0xFFFFF400  }
0x7a: {  	[tilespmem:s0], [sflag:$0x6] =	stream.indirect.gather [spmem:s2], $0x18, s14, s20, $0xb8;
	[tilespmem:$0x18400] =	vst v63  }
0x7b: {  	_ =	swait.ge [sflag:s1], $0xC00  }
0x7c: {  	[sflag:s1] =	ssyncset.done $0x0  }
0x7d: {  	s12 =	sadd.s32 $0x5100, s9;
	s11 =	simm.s32 @!p0 $0xF;
	[sflag:s1] =	ssyncadd.s32 $0xFFFFF400  }
0x7e: {  	[spmem:s3] =	stream.indirect.scatter.add.f32 [tilespmem:s24], [sflag:$0xB], $0x18, s12, s20, $0xb8;
	[tilespmem:$0x18400] =	vst v63  }
0x7f: {  	_ =	swait.ge @!p0 [sflag:s11], $0xC00  }
0x80: {  	[sflag:s11] =	ssyncset.done @!p0 $0x0  }
0x81: {  	s13 =	sadd.s32 $0x300, s9;
	[sflag:s11] =	ssyncadd.s32 @!p0 $0xFFFFF400  }
0x82: {  	[tilespmem:s16], [sflag:$0x7] =	stream.indirect.gather [spmem:s2], $0x18, s13, s20, $0xb8;
	[tilespmem:$0x18400] =	vst v63  }
0x83: {  	_ =	swait.ge [sflag:s23], $0xC00  }
0x84: {  	[sflag:s23] =	ssyncset.done $0x0  }
0x85: {  	s14 =	sadd.s32 $0x5180, s9;
	s11 =	simm.s32 @!p0 $0x10;
	[sflag:s23] =	ssyncadd.s32 $0xFFFFF400  }
0x86: {  	[spmem:s3] =	stream.indirect.scatter.add.f32 [tilespmem:s28], [sflag:$0xC], $0x18, s14, s20, $0xb8;
	[tilespmem:$0x18400] =	vst v63  }
0x87: {  	_ =	swait.ge @!p0 [sflag:s11], $0xC00  }
0x88: {  	[sflag:s11] =	ssyncset.done @!p0 $0x0  }
0x89: {  	s12 =	sadd.s32 $0x380, s9;
	[sflag:s11] =	ssyncadd.s32 @!p0 $0xFFFFF400  }
0x8a: {  	[tilespmem:s26], [sflag:$0x8] =	stream.indirect.gather [spmem:s2], $0x18, s12, s20, $0xb8;
	[tilespmem:$0x18400] =	vst v63  }
0x8b: {  	_ =	swait.ge [sflag:s4], $0xC00  }
0x8c: {  	[sflag:s4] =	ssyncset.done $0x0  }
0x8d: {  	s13 =	sadd.s32 $0x5200, s9;
	[sflag:s4] =	ssyncadd.s32 $0xFFFFF400  }
0x8e: {  	[spmem:s3] =	stream.indirect.scatter.add.f32 [tilespmem:s30], [sflag:$0xD], $0x18, s13, s20, $0xb8;
	[tilespmem:$0x18400] =	vst v63  }
0x8f: {  	_ =	swait.ge [sflag:s5], $0xC00  }
0x90: {  	p0 =	seq.s32 s25, $0x13000;
	[sflag:s5] =	ssyncset.done $0x0  }
0x91: {  	s11 =	simm.s32 @p0 $0x6;
	[sflag:s5] =	ssyncadd.s32 $0xFFFFF400  }
0x92: {  	_ =	swait.ge @p0 [sflag:s11], $0xC00  }
0x93: {  	[sflag:s11] =	ssyncset.done @p0 $0x0  }
0x94: {  	[sflag:s11] =	ssyncadd.s32 @p0 $0xFFFFF400;
	s11 =	sshra.s32 @p0 s25, $0x2  }
0x95: {  	s12 =	simm.s32 @p0 $0x80;
	s13 =	simm.s32 @p0 $0xDC00;
	s11 =	sadd.s32 @p0 $0x5280, s11  }
0x96: {  	[spmem:s3] =	stream.indirect.scatter.add.f32 @p0 [tilespmem:s13], [sflag:$0xE], $0x18, s11, s12, $0xb8;
	[tilespmem:$0x18400] =	vst v63  }
0x97: {  	s11 =	simm.s32 @p0 $0xA  }
0x98: {  	_ =	swait.ge @p0 [sflag:s11], $0xC00  }
0x99: {  	[sflag:s11] =	ssyncset.done @p0 $0x0  }
0x9a: {  	[sflag:s11] =	ssyncadd.s32 @p0 $0xFFFFF400;
	s11 =	sshra.s32 @!p0 s25, $0x2  }
0x9b: {  	s14 =	simm.s32 @!p0 $0xA000;
	s13 =	simm.s32 @!p0 $0x80;
	s12 =	sadd.s32 @!p0 $0x400, s11  }
0x9c: {  	[tilespmem:s14], [sflag:$0x1] =	stream.indirect.gather @!p0 [spmem:s2], $0x18, s12, s13, $0xb8;
	[tilespmem:$0x18400] =	vst v63  }
0x9d: {  	s12 =	simm.s32 @!p0 $0x6  }
0x9e: {  	_ =	swait.ge @!p0 [sflag:s12], $0xC00  }
0x9f: {  	[sflag:s12] =	ssyncset.done @!p0 $0x0  }
0xa0: {  	s14 =	simm.s32 @!p0 $0xDC00;
	[sflag:s12] =	ssyncadd.s32 @!p0 $0xFFFFF400;
	s12 =	sadd.s32 @!p0 $0x5280, s11  }
0xa1: {  	[spmem:s3] =	stream.indirect.scatter.add.f32 @!p0 [tilespmem:s14], [sflag:$0xE], $0x18, s12, s13, $0xb8;
	[tilespmem:$0x18400] =	vst v63  }
0xa2: {  	s12 =	simm.s32 @!p0 $0xA  }
0xa3: {  	_ =	swait.ge @!p0 [sflag:s12], $0xC00  }
0xa4: {  	[sflag:s12] =	ssyncset.done @!p0 $0x0  }
0xa5: {  	s11 =	sadd.s32 @!p0 $0x480, s11;
	[sflag:s12] =	ssyncadd.s32 @!p0 $0xFFFFF400;
	s12 =	simm.s32 @!p0 $0xAC00  }
0xa6: {  	[tilespmem:s12], [sflag:$0x2] =	stream.indirect.gather @!p0 [spmem:s2], $0x18, s11, s13, $0xb8;
	[tilespmem:$0x18400] =	vst v63  }
0xa7: {  	_ =	swait.ge [sflag:s6], $0xC00  }
0xa8: {  	[sflag:s6] =	ssyncset.done $0x0  }
.Ltmp3:
0xa9: {  	s14 =	sadd.s32 $0x5300, s9;
	[sflag:s6] =	ssyncadd.s32 $0xFFFFF400;
	(pc) =	sbr.rel @p0 .LBB2_6-.Ltmp3, $4  }
0xaa: {  	[spmem:s3] =	stream.indirect.scatter.add.f32 [tilespmem:s16], [sflag:$0xF], $0x18, s14, s20, $0xb8;
	[tilespmem:$0x18400] =	vst v63  }
0xab: {  	_ =	swait.ge [sflag:s7], $0xC00  }
0xac: {  	[sflag:s7] =	ssyncset.done $0x0  }
0xad: {  	s11 =	sadd.s32 $0x5380, s9;
	[sflag:s7] =	ssyncadd.s32 $0xFFFFF400  }
0xae: {  	s12 =	sadd.s32 $0x500, s9  }
0xaf: {  	[tilespmem:s24], [sflag:$0x3] =	stream.indirect.gather [spmem:s2], $0x18, s12, s20, $0xb8;
	[tilespmem:$0x18400] =	vst v63  }
0xb0: {  	_ =	swait.ge [sflag:s8], $0xC00  }
0xb1: {  	[sflag:s8] =	ssyncset.done $0x0  }
0xb2: {  	[sflag:s8] =	ssyncadd.s32 $0xFFFFF400  }
0xb3: {  	[spmem:s3] =	stream.indirect.scatter.add.f32 [tilespmem:s26], [sflag:$0x10], $0x18, s11, s20, $0xb8;
	[tilespmem:$0x18400] =	vst v63  }
.Ltmp4:
0xb4: {  	_ = 	snop;
	(pc) =	sbr.rel .LBB2_4-.Ltmp4, $4  }
0xb5: {  	_ =	swait.ge [sflag:s10], $0xC00  }
0xb6: {  	[sflag:s10] =	ssyncset.done $0x0  }
0xb7: {  	s14 =	sadd.s32 $0x580, s9;
	s25 =	sadd.s32 $0x1000, s25;
	[sflag:s10] =	ssyncadd.s32 $0xFFFFF400  }
0xb8: {  	[tilespmem:s28], [sflag:$0x4] =	stream.indirect.gather [spmem:s2], $0x18, s14, s20, $0xb8;
	[tilespmem:$0x18400] =	vst v63  }
.LBB2_7:
0xb9: {  	_ =	sfence.sel $0x180000  }
0xba: {  	[bflag:$0x0] =	sbarrier.arrive $0xFFFF  }
0xbb: {  	_ =	strace $0x9000004D  }
0xbc: {  	s0 =	stileid.u32;
	[bflag:$0x2] =	sbarrier.arrive $0xFFFF  }
0xbd: {  	p0 =	sne.s32 s0, $0x0;
	s0 =	rddreg [dreg:$0x4]  }
0xbe: {  	s0 =	sadd.s32 @!p0 $0x100000, s0  }
0xbf: {  	[sflag:s0] =	ssyncadd.tile.s32 @!p0 $0x1;
	_ =	shalt  }
.Lfunc_end2:
_tile_overlayer_lowered:
.L_overlay_start_2:
0xc0: {  	(tag) =	ssettag $0x2  }
0xc1: {  	s0 =	rddreg [dreg:$0x0];
	s2 =	stileid.u32  }
0xc2: {  	s1 =	rddreg [dreg:$0x1];
	p0 =	sne.s32 s2, $0x0  }
0xc3: {  	s3 =	rddreg [dreg:$0x2];
	[bflag:$0x3] =	sbarrier.arrive $0xFFFF;
	s2 =	simm.s32 @!p0 $0x1C11  }
0xc4: {  	[timem:s3], [sflag:s2] =	dma.local @!p0 [hbm:s0], s1  }
0xc5: {  	s0 =	simm.s32 @!p0 $0x11  }
0xc6: {  	_ =	swait.ge @!p0 [sflag:s0], s1  }
0xc7: {  	s1 =	ssub.s32 @!p0 $0x0, s1;
	[sflag:s0] =	ssyncset.done @!p0 $0x0  }
0xc8: {  	[sflag:s0] =	ssyncadd.s32 @!p0 s1  }
0xc9: {  	[bflag:$0x3] =	sbarrier.arrive $0xFFFF  }
0xca: {  	_ =	shalt  }

// kernel: kernel.8.cloned.1.call-start
scs
__scs_entry_jumppad:
0x0: {  	(pc) =	sbr.rel $0x88, $3  }
0x1: {  	(tag) =	ssettag $0x0;
	lr =	simm.s32 $0x1  }
0x2: {  	[smem:$0x3F9D] =	sst lr;
	_ =	strace $0xD0000000  }
0x3: {  	_ = 	snop  }
0x4: {  	_ = 	snop  }
0x5: {  	_ = 	snop  }
0x6: {  	_ = 	snop  }
0x7: {  	_ = 	snop  }
__scs_overlays_trampoline_lowered:
0x8: {  	[smem:$0x3FAC] =	sst s0  }
0x9: {  	[smem:$0x3FAD] =	sst s1  }
0xa: {  	[smem:$0x3FAE] =	sst s2  }
0xb: {  	[smem:$0x3FAF] =	sst s3  }
0xc: {  	[smem:$0x3FB0] =	sst s4  }
0xd: {  	[smem:$0x3FB1] =	sst s5  }
0xe: {  	[smem:$0x3FB2] =	sst s6  }
0xf: {  	[smem:$0x3FB3] =	sst s7  }
0x10: {  	[smem:$0x3FB4] =	sst s8  }
0x11: {  	[smem:$0x3FB5] =	sst s9;
	s0 =	simm.s32 @!p0 $0x0  }
0x12: {  	s1 =	sld [smem:$0x3F9B];
	s0 =	simm.s32 @p0 $0x1  }
0x13: {  	[smem:$0x3FB6] =	sst s0;
	s0 =	simm.s32 @!p1 $0x0  }
0x14: {  	s2 =	sld [smem:$0x3F9A];
	s0 =	simm.s32 @p1 $0x1  }
0x15: {  	[smem:$0x3FB7] =	sst s0;
	s0 =	simm.s32 @!p2 $0x0  }
0x16: {  	s3 =	sld [smem:$0x3FDB];
	s0 =	simm.s32 @p2 $0x1  }
0x17: {  	s4 =	simm.s32 $0x1BF5;
	[smem:$0x3FB9] =	sst s0  }
0x18: {  	s0 =	sld [smem:$0x3F9C];
	_ =	swait.ge [sflag:s4], $0x0  }
0x19: {  	s7 =	sld [smem:$0x3F9D]  }
0x1a: {  	s8 =	sadd.s32 $0xFFFFE003, lr  }
0x1b: {  	s9 =	sadd.s32 $0xFFFFFEF7, lr;
	s5 =	simm.s32 $0xFFFFFFFF;
	p2 =	slt.u32 s8, $0xFFFFF086  }
0x1c: {  	p1 =	slt.u32 s9, $0xF7A;
	s5 =	simm.s32 @!p2 $0x0  }
0x1d: {  	s5 =	simm.s32 @p1 $0x1;
	p0 =	seq.s32 s7, s2  }
0x1e: {  	s7 =	smul.u32 @!p0 $0xF7A, s2;
	p2 =	seq.s32 @!p0 s5, $0x0  }
0x1f: {  	s9 =	smul.u32 $0xF7A, s1;
	s8 =	simm.s32 @!p0 $0x1BF5;
	p2 =	por !p2, p0  }
0x20: {  	[sflag:s8] =	ssyncset.s32 @!p0 $0xFFFFF086;
	s6 =	sadd.s32 @!p0 s3, s7;
	s7 =	simm.s32 @!p0 $0x108  }
0x21: {  	s3 =	sadd.s32 s3, s9;
	s6 =	sadd.s32 @!p0 $0x88, s6;
	s7 =	simm.s32 @p2 $0x1082  }
0x22: {  	[simem:s7], [sflag:s8] =	dma.local @!p0 [hbm:s6], $0xF7A  }
0x23: {  	s9 =	sor.u32 $0xD0000000, s2;
	s6 =	simm.s32 $0x108;
	_ =	swait.ge @!p0 [sflag:s8], $0x0  }
0x24: {  	s3 =	sadd.s32 $0x88, s3;
	s6 =	simm.s32 @!p1 $0x1082;
	[sflag:s4] =	ssyncset.s32 $0xFFFFF086  }
0x25: {  	[simem:s6], [sflag:s4] =	dma.local [hbm:s3], $0xF7A  }
0x26: {  	[smem:$0x3F9D] =	sst s1;
	(tag) =	ssettag s2;
	_ =	strace s9  }
0x27: {  	s1 =	sld [smem:$0x3FAD]  }
0x28: {  	s2 =	sld [smem:$0x3FAE]  }
0x29: {  	s4 =	sld [smem:$0x3FB0]  }
0x2a: {  	p0 =	seq.s32 s5, $0x0;
	s5 =	sld [smem:$0x3FB1]  }
0x2b: {  	s6 =	sld [smem:$0x3FB2]  }
0x2c: {  	s7 =	sld [smem:$0x3FB3]  }
0x2d: {  	s3 =	simm.s32 $0x108;
	s8 =	sld [smem:$0x3FB4]  }
0x2e: {  	s3 =	simm.s32 @!p0 $0x1082;
	s9 =	sld [smem:$0x3FB5]  }
0x2f: {  	lr =	sadd.s32 s0, s3;
	s0 =	sld [smem:$0x3FAC]  }
0x30: {  	s3 =	sld [smem:$0x3FAF]  }
0x31: {  	[smem:$0x3FB8] =	sst s10  }
0x32: {  	s10 =	sld [smem:$0x3FB6];
	_ =	sdelay $0x3  }
0x33: {  	p0 =	seq.s32 s10, $0x1;
	s10 =	sld [smem:$0x3FB8];
	_ =	sdelay $0x3  }
0x34: {  	[smem:$0x3FB8] =	sst s10  }
0x35: {  	s10 =	sld [smem:$0x3FB7];
	_ =	sdelay $0x3  }
0x36: {  	p1 =	seq.s32 s10, $0x1;
	s10 =	sld [smem:$0x3FB8];
	_ =	sdelay $0x3  }
0x37: {  	[smem:$0x3FB8] =	sst s10  }
0x38: {  	s10 =	sld [smem:$0x3FB9]  }
0x39: {  	_ = 	snop;
	(pc) =	sbr.ind lr, $3  }
0x3a: {  	_ = 	snop  }
0x3b: {  	_ = 	snop  }
0x3c: {  	p2 =	seq.s32 s10, $0x1;
	s10 =	sld [smem:$0x3FB8]  }
0x3d: {  	_ =	shalt  }
0x3e: {  	_ =	shalt  }
0x3f: {  	_ =	shalt  }
0x40: {  	_ =	shalt  }
0x41: {  	_ =	shalt  }
0x42: {  	_ =	shalt  }
0x43: {  	_ =	shalt  }
0x44: {  	_ =	shalt  }
0x45: {  	_ =	shalt  }
0x46: {  	_ =	shalt  }
0x47: {  	_ =	shalt  }
0x48: {  	_ =	shalt  }
0x49: {  	_ =	shalt  }
0x4a: {  	_ =	shalt  }
0x4b: {  	_ =	shalt  }
0x4c: {  	_ =	shalt  }
0x4d: {  	_ =	shalt  }
0x4e: {  	_ =	shalt  }
0x4f: {  	_ =	shalt  }
0x50: {  	_ =	shalt  }
0x51: {  	_ =	shalt  }
0x52: {  	_ =	shalt  }
0x53: {  	_ =	shalt  }
0x54: {  	_ =	shalt  }
0x55: {  	_ =	shalt  }
0x56: {  	_ =	shalt  }
0x57: {  	_ =	shalt  }
0x58: {  	_ =	shalt  }
0x59: {  	_ =	shalt  }
0x5a: {  	_ =	shalt  }
0x5b: {  	_ =	shalt  }
0x5c: {  	_ =	shalt  }
0x5d: {  	_ =	shalt  }
0x5e: {  	_ =	shalt  }
0x5f: {  	_ =	shalt  }
0x60: {  	_ =	shalt  }
0x61: {  	_ =	shalt  }
0x62: {  	_ =	shalt  }
0x63: {  	_ =	shalt  }
0x64: {  	_ =	shalt  }
0x65: {  	_ =	shalt  }
0x66: {  	_ =	shalt  }
0x67: {  	_ =	shalt  }
0x68: {  	_ =	shalt  }
0x69: {  	_ =	shalt  }
0x6a: {  	_ =	shalt  }
0x6b: {  	_ =	shalt  }
0x6c: {  	_ =	shalt  }
0x6d: {  	_ =	shalt  }
0x6e: {  	_ =	shalt  }
0x6f: {  	_ =	shalt  }
0x70: {  	_ =	shalt  }
0x71: {  	_ =	shalt  }
0x72: {  	_ =	shalt  }
0x73: {  	_ =	shalt  }
0x74: {  	_ =	shalt  }
0x75: {  	_ =	shalt  }
0x76: {  	_ =	shalt  }
0x77: {  	_ =	shalt  }
0x78: {  	_ =	shalt  }
0x79: {  	_ =	shalt  }
0x7a: {  	_ =	shalt  }
0x7b: {  	_ =	shalt  }
0x7c: {  	_ =	shalt  }
0x7d: {  	_ =	shalt  }
0x7e: {  	_ =	shalt  }
0x7f: {  	_ =	shalt  }
0x80: {  	_ =	shalt  }
0x81: {  	_ =	shalt  }
0x82: {  	_ =	shalt  }
0x83: {  	_ =	shalt  }
0x84: {  	_ =	shalt  }
0x85: {  	_ =	shalt  }
0x86: {  	_ =	shalt  }
0x87: {  	_ =	shalt  }
.Lfunc_end0:
.L_simem_size_0:
called_computation_lowered:
.L_overlay_start_0:
0x88: {  	s2 =	sld [smem:$0x3FD9]  }
0x89: {  	s3 =	sld [smem:$0x3FFE];
	_ =	sdelay $0x1  }
0x8a: {  	s1 =	srdreg.scid  }
0x8b: {  	s0 =	sand.u32 $0x1, s1  }
0x8c: {  	s16 =	sshll.u32 s0, $0xA;
	s2 =	sadd.s32 s3, s2  }
0x8d: {  	s2 =	sadd.s32 s2, s16  }
0x8e: {  	[smem:$0x3FC4] =	sst s2  }
0x8f: {  	_ = 	snop  }
0x90: {  	(tm) =	ssettm $0x1  }
0x91: {  	s17 =	sld [smem:$0x3FFB];
	_ =	sdelay $0x3  }
0x92: {  	_ =	strace s17  }
0x93: {  	s2 =	sld [smem:$0x3FFC];
	_ =	sdelay $0x3  }
0x94: {  	_ =	strace s2  }
0x95: {  	s2 =	sld [smem:$0x3FFD];
	_ =	sdelay $0x3  }
0x96: {  	_ =	strace s2  }
0x97: {  	_ =	strace $0x8FFFFFFF  }
0x98: {  	s18 =	sld [smem:$0x3FDB];
	_ =	sdelay $0x1  }
0x99: {  	s19 =	simm.s32 $_scs_section_size  }
0x9a: {  	s4 =	simm.s32 $_size__tile_overlayer_lowered;
	s5 =	simm.s32 $_tile_overlayer_lowered  }
0x9b: {  	s22 =	simm.s32 $0x1BFF;
	s21 =	sshll.u32 s5, $0x1;
	s2 =	sadd.s32 s19, s18  }
0x9c: {  	s6 =	simm.s32 $0x0;
	s20 =	sshll.u32 s4, $0x1;
	s4 =	sadd.s32 s21, s2  }
0x9d: {  	[timem:s6], [sflag:s22] =	dma.local [hbm:s4], s20  }
0x9e: {  	_ =	swait.ge [sflag:s22], s20  }
0x9f: {  	s3 =	ssub.s32 $0x0, s20;
	[sflag:s22] =	ssyncset.done $0x0  }
0xa0: {  	[sflag:s22] =	ssyncadd.s32 s3;
	_ =	sdelay $0x1  }
0xa1: {  	s23 =	simm.s32 $0x1B8B  }
0xa2: {  	_ =	swait.ge [sflag:s23], $0x1  }
0xa3: {  	[sflag:s23] =	ssyncset.done $0x0  }
0xa4: {  	s25 =	simm.s32 $0x1B8E;
	s24 =	sld [smem:$0x3FFE];
	[sflag:s23] =	ssyncadd.s32 $0xFFFFFFFF  }
0xa5: {  	s26 =	simm.s32 $execute0_lowered;
	[smem:$0x3FD2] =	sst s25  }
0xa6: {  	s4 =	sshll.u32 s26, $0x1;
	_ =	strace $0x80000046;
	[dreg:$0x1] =	wrdreg $0xFFFFFFFF  }
0xa7: {  	s28 =	simm.s32 $_size_execute0_lowered;
	s2 =	sadd.s32 s2, s4;
	[dreg:$0x0] =	wrdreg $0x0  }
0xa8: {  	s4 =	sshll.u32 s28, $0x1;
	[dreg:$0x2] =	wrdreg s2  }
0xa9: {  	[dreg:$0x3] =	wrdreg s4  }
0xaa: {  	[dreg:$0x4] =	wrdreg $0xC0  }
0xab: {  	_ =	task [dreg:s6], $0x5FFFF  }
0xac: {  	[dreg:$0x1] =	wrdreg $0xFFFFFFFF  }
0xad: {  	[dreg:$0x0] =	wrdreg $0x60  }
0xae: {  	[dreg:$0x2] =	wrdreg s24  }
0xaf: {  	[dreg:$0x3] =	wrdreg $0x9  }
0xb0: {  	_ =	task.clear_ibuf [dreg:s6], $0x4FFFF;
	_ =	strace $0x90000046  }
0xb1: {  	s29 =	simm.s32 $0x9;
	_ =	strace $0x80000048  }
0xb2: {  	_ =	swait.ge [sflag:s29], $0x1  }
0xb3: {  	[sflag:s29] =	ssyncadd.s32 $0xFFFFFFFF  }
0xb4: {  	_ =	strace $0x90000048  }
0xb5: {  	_ =	sfence  }
0xb6: {  	s30 =	sld [smem:$0x0];
	_ =	sdelay $0x2  }
0xb7: {  	s31 =	sshll.u32 s1, $0xD;
	s1 =	sshrl.u32 s1, $0x2  }
0xb8: {  	s3 =	sand.u32 $0x4000, s31;
	s1 =	sadd.s32 s1, s30  }
0xb9: {  	s0 =	sor.u32 s3, s0;
	s1 =	sshll.u32 s1, $0x11  }
0xba: {  	s0 =	sor.u32 s1, s0  }
0xbb: {  	s0 =	sadd.s32 $0x8F2B, s0  }
0xbc: {  	[sflag:s0] =	ssyncadd.remote.s32 $0x1  }
0xbd: {  	_ =	sfence.sel $0xFFFF  }
0xbe: {  	[dreg:$0x0] =	wrdreg $0xFFFFFFFF;
	(pc) =	sbr.abs _section_cstart, $3  }
0xbf: {  	[dreg:$0x1] =	wrdreg $0xFFFFFFFF  }
0xc0: {  	_ =	task.clear_ibuf [dreg:s6], $0x2FFFF;
	_ =	strace $0x9FFFFFFF  }
0xc1: {  	(tm) =	ssettm $0x7FFFFFFF  }
tec
execute0_lowered:
.L_overlay_start_1:
0x0: {  	(tag) =	ssettag $0x1  }
0x1: {  	s1 =	srdreg.scid  }
0x2: {  	s0 =	stileid.u32;
	s5 =	rddreg [dreg:$0x0]  }
0x3: {  	s2 =	simm.s32 $0x0;
	s8 =	simm.s32 $0x80;
	s9 =	simm.s32 $0x400  }
0x4: {  	s10 =	simm.s32 $0x0;
	s3 =	sand.u32 $0x1, s1;
	s29 =	sshll.u32 s0, $0x1  }
0x5: {  	s30 =	sshrl.u32 s0, $0x2;
	s1 =	rddreg [dreg:$0x1];
	s4 =	sor.u32 s3, s29  }
0x6: {  	[smem:$0x7FF] =	sst s2;
	s6 =	smul.u32 $0x14000, s30;
	s7 =	sshll.u32 s4, $0x7  }
0x7: {  	s3 =	ssub.s32 $0x2, s3;
	s4 =	smul.u32 $0x500, s4;
	s7 =	sand.u32 $0x380, s7  }
0x8: {  	_ =	strace $0x80000047;
	s31 =	sshrl.u32 s3, $0x1;
	s6 =	sor.u32 s6, s7  }
0x9: {  	s4 =	sadd.s32 s4, s5;
	s7 =	simm.s32 $0x2800;
	s6 =	sshrl.u32 s6, $0x3  }
0xa: {  	s5 =	sadd.s32 s6, s5;
	s6 =	ssub.s32 s3, s31;
	s3 =	sadd.s32 $0x1800, s4  }
0xb: {  	v0 =	vimm.f32 $0.0e+00;
	v1 =	vimm.f32 $1.000000000e+00;
	s4 =	sadd.s32 $0x15800, s5;
	s5 =	smax.u32 s6, $0x1;
	s6 =	simm.s32 $0x1  }
.LBB2_1:
0xc: {  	s11 =	simm.s32 $0x40;
	s12 =	simm.s32 $0x0  }
.LBB2_2:
0xd: {  	p0 =	sne.s32 s11, $0x9FC0;
	[tilespmem:s12+$0x2800] =	vst v0;
	s12 =	smov.u32 s11;
	s11 =	sadd.s32 $0x40, s11  }
.Ltmp0:
0xe: {  	(pc) =	sbr.rel @p0 .LBB2_2-.Ltmp0, $2  }
0xf: {  	_ =	sdelay $0x2  }
0x10: {  	s12 =	sshra.s32 s12, $0x2  }
0x11: {  	[tilespmem:s12+$0x2800] =	vst v0  }
0x12: {  	[tilespmem:s2], [sflag:$0x1] =	stream.linear.gather [hbm4b:s3+s2], $0x2800, $0x38;
	[tilespmem:$0x5000] =	vst v63  }
0x13: {  	_ =	swait.ge [sflag:s6], $0x2800  }
0x14: {  	[sflag:s6] =	ssyncset.done $0x0  }
0x15: {  	s11 =	simm.s32 $0x1C0;
	[sflag:s6] =	ssyncadd.s32 $0xFFFFD800  }
.LBB2_4:
0x16: {  	s12 =	sshra.s32 s11, $0x2  }
0x17: {  	v2 =	vld [tilespmem:s12+$0xFFFFFF90];
	_ =	sdelay $0x7  }
0x18: {  	[tilespmem:v2+s7+$0x0] =	vst.idx.add.f32.msk $0xffff, v1  }
0x19: {  	v2 =	vld [tilespmem:s12+$0xFFFFFFA0];
	_ =	sdelay $0x7  }
0x1a: {  	[tilespmem:v2+s7+$0x0] =	vst.idx.add.f32.msk $0xffff, v1  }
0x1b: {  	v2 =	vld [tilespmem:s12+$0xFFFFFFB0];
	_ =	sdelay $0x7  }
0x1c: {  	[tilespmem:v2+s7+$0x0] =	vst.idx.add.f32.msk $0xffff, v1  }
0x1d: {  	v2 =	vld [tilespmem:s12+$0xFFFFFFC0];
	_ =	sdelay $0x7  }
0x1e: {  	[tilespmem:v2+s7+$0x0] =	vst.idx.add.f32.msk $0xffff, v1  }
0x1f: {  	v2 =	vld [tilespmem:s12+$0xFFFFFFD0];
	_ =	sdelay $0x7  }
0x20: {  	[tilespmem:v2+s7+$0x0] =	vst.idx.add.f32.msk $0xffff, v1  }
0x21: {  	v2 =	vld [tilespmem:s12+$0xFFFFFFE0];
	_ =	sdelay $0x7  }
0x22: {  	[tilespmem:v2+s7+$0x0] =	vst.idx.add.f32.msk $0xffff, v1  }
0x23: {  	v2 =	vld [tilespmem:s12+$0xFFFFFFF0];
	_ =	sdelay $0x7  }
0x24: {  	[tilespmem:v2+s7+$0x0] =	vst.idx.add.f32.msk $0xffff, v1  }
0x25: {  	v2 =	vld [tilespmem:s12+$0x0];
	_ =	sdelay $0x2  }
0x26: {  	p0 =	sne.s32 s11, $0x9FC0  }
.Ltmp1:
0x27: {  	_ = 	snop;
	(pc) =	sbr.rel @p0 .LBB2_4-.Ltmp1, $2  }
0x28: {  	_ =	sdelay $0x2  }
0x29: {  	s11 =	sadd.s32 $0x200, s11;
	[tilespmem:v2+s7+$0x0] =	vst.idx.add.f32.msk $0xffff, v1  }
0x2a: {  	s10 =	sadd.s32 $0x1, s10  }
0x2b: {  	p0 =	sne.s32 s10, s5  }
.Ltmp2:
0x2c: {  	_ = 	snop;
	(pc) =	sbr.rel @p0 .LBB2_1-.Ltmp2, $4  }
0x2d: {  	[hbm4b:s4+s8] =	stream.strided.scatter [tilespmem:s7], [sflag:$0x1], $0x2800, s9, s8, $0x38;
	[tilespmem:$0x5000] =	vst v63  }
0x2e: {  	_ =	swait.ge [sflag:s6], $0x2800  }
0x2f: {  	[sflag:s6] =	ssyncset.done $0x0  }
0x30: {  	[sflag:s6] =	ssyncadd.s32 $0xFFFFD800  }
0x31: {  	_ =	sfence.sel $0x180000  }
0x32: {  	[bflag:$0x0] =	sbarrier.arrive $0xFFFF  }
0x33: {  	p0 =	sne.s32 s0, $0x0;
	_ =	strace $0x90000047  }
0x34: {  	s0 =	sadd.s32 @!p0 $0x100000, s1;
	[bflag:$0x2] =	sbarrier.arrive $0xFFFF  }
0x35: {  	[sflag:s0] =	ssyncadd.tile.s32 @!p0 $0x1;
	_ =	shalt  }
.Lfunc_end2:
_tile_overlayer_lowered:
.L_overlay_start_2:
0x36: {  	(tag) =	ssettag $0x2  }
0x37: {  	s0 =	rddreg [dreg:$0x0];
	s2 =	stileid.u32  }
0x38: {  	s1 =	rddreg [dreg:$0x1];
	p0 =	sne.s32 s2, $0x0  }
0x39: {  	s3 =	rddreg [dreg:$0x2];
	[bflag:$0x3] =	sbarrier.arrive $0xFFFF;
	s2 =	simm.s32 @!p0 $0x1C01  }
0x3a: {  	[timem:s3], [sflag:s2] =	dma.local @!p0 [hbm:s0], s1  }
0x3b: {  	s0 =	simm.s32 @!p0 $0x1  }
0x3c: {  	_ =	swait.ge @!p0 [sflag:s0], s1  }
0x3d: {  	s1 =	ssub.s32 @!p0 $0x0, s1;
	[sflag:s0] =	ssyncset.done @!p0 $0x0  }
0x3e: {  	[sflag:s0] =	ssyncadd.s32 @!p0 s1  }
0x3f: {  	[bflag:$0x3] =	sbarrier.arrive $0xFFFF  }
0x40: {  	_ =	shalt  }

</sc_bundles>
